<compile_context>
chip_gen: v7x
topology: tpu7x:2x2x1
jax: 0.10.2.dev20260603
libtpu: 0.0.44.dev20260713+nightly
codegen_flags: <defaults>
</compile_context>

<pallas_src>
import jax
import jax.numpy as jnp
from jax import lax
from jax.experimental import pallas as pl
from jax.experimental.pallas import tpu as pltpu
from jax.experimental.pallas import tpu_sc as plsc

_B = 16384
_NF = 26
_NC, _NS, _L = 2, 16, 16
_NW = _NC * _NS
_BPW = _B // _NW


def _sc_body(*refs):
    idx_refs = refs[0:_NF]
    tab_refs = refs[_NF:2 * _NF]
    out_hbm = refs[2 * _NF]
    idx_v, rows_v, acc_v, sem = refs[2 * _NF + 1:]

    wid = lax.axis_index("s") * _NC + lax.axis_index("c")
    base = wid * _BPW

    copies = [
        pltpu.async_copy(idx_refs[f].at[pl.ds(base, _BPW)],
                         idx_v.at[pl.ds(f * _BPW, _BPW)], sem)
        for f in range(_NF)
    ]
    for c in copies:
        c.wait()

    gathers = [
        pltpu.async_copy(tab_refs[f].at[0].at[idx_v.at[pl.ds(f * _BPW, _BPW)]],
                         rows_v.at[pl.ds(f * _BPW, _BPW)], sem)
        for f in range(_NF)
    ]
    for g in gathers:
        g.wait()

    for s in range(_BPW // _L):
        sl = pl.ds(s * _L, _L)
        acc_v[sl] = rows_v[sl]

    def fold(f, carry):
        for s in range(_BPW // _L):
            sl = pl.ds(s * _L, _L)
            acc_v[sl] = acc_v[sl] + rows_v[pl.ds(f * _BPW + s * _L, _L)]
        return carry

    lax.fori_loop(1, _NF, fold, 0)

    pltpu.sync_copy(acc_v, out_hbm.at[pl.ds(base, _BPW)])


def _tc_body(d_ref, m_ref, wd_ref, w2_ref, o_ref):
    x = m_ref[...]
    dims = (((1,), (0,)), ((), ()))
    p = lax.dot_general(x, w2_ref[...], dims,
                        preferred_element_type=jnp.float32)
    d1 = lax.dot_general(d_ref[...], wd_ref[...], dims,
                         preferred_element_type=jnp.float32)
    o_ref[...] = d1[:, 0] + p[:, 0] / (p[:, 1] + 1e-8)


def _add_body(a_ref, b_ref, o_ref):
    o_ref[...] = a_ref[...] + b_ref[...]


_TB = 2048


def kernel(dense0, multi0, f0, f1, f2, f3, f4, f5, f6, f7, f8, f9, f10, f11, f12, f13, f14, f15, f16, f17, f18, f19, f20, f21, f22, f23, f24, f25, W_dense0, W_multi0, W_f0, W_f1, W_f2, W_f3, W_f4, W_f5, W_f6, W_f7, W_f8, W_f9, W_f10, W_f11, W_f12, W_f13, W_f14, W_f15, W_f16, W_f17, W_f18, W_f19, W_f20, W_f21, W_f22, W_f23, W_f24, W_f25):
    idx = [f0, f1, f2, f3, f4, f5, f6, f7, f8, f9, f10, f11, f12, f13, f14,
           f15, f16, f17, f18, f19, f20, f21, f22, f23, f24, f25]
    tabs = [W_f0, W_f1, W_f2, W_f3, W_f4, W_f5, W_f6, W_f7, W_f8, W_f9,
            W_f10, W_f11, W_f12, W_f13, W_f14, W_f15, W_f16, W_f17, W_f18,
            W_f19, W_f20, W_f21, W_f22, W_f23, W_f24, W_f25]

    sc_call = pl.kernel(
        _sc_body,
        out_type=jax.ShapeDtypeStruct((_B,), jnp.float32),
        mesh=plsc.VectorSubcoreMesh(core_axis_name="c", subcore_axis_name="s"),
        scratch_types=[
            pltpu.VMEM((_NF * _BPW,), jnp.int32),
            pltpu.VMEM((_NF * _BPW,), jnp.float32),
            pltpu.VMEM((_BPW,), jnp.float32),
            pltpu.SemaphoreType.DMA,
        ],
    )
    tabs = [t.reshape(1, -1) for t in tabs]
    sc_out = sc_call(*idx, *tabs)

    w2 = jnp.concatenate(
        [W_multi0, jnp.ones((W_multi0.shape[0], 1), jnp.float32)], axis=1)

    grid = _B // _TB
    tc_part = pl.pallas_call(
        _tc_body,
        grid=(grid,),
        in_specs=[
            pl.BlockSpec((_TB, 13), lambda i: (i, 0)),
            pl.BlockSpec((_TB, 1000), lambda i: (i, 0)),
            pl.BlockSpec((13, 1), lambda i: (0, 0)),
            pl.BlockSpec((1000, 2), lambda i: (0, 0)),
        ],
        out_specs=pl.BlockSpec((_TB,), lambda i: (i,)),
        out_shape=jax.ShapeDtypeStruct((_B,), jnp.float32),
    )(dense0, multi0, W_dense0, w2)

    out = pl.pallas_call(
        _add_body,
        out_shape=jax.ShapeDtypeStruct((_B,), jnp.float32),
    )(tc_part, sc_out)
    return out

# --- scband reference (transcript-rebuilt; emitter-appended) ---
"""Pipeline reference for scband-main-effect-35820027249144 (READ-ONLY COPY).

The authoritative reference and input builder live on the scoring server;
editing this copy changes nothing except your own understanding.
"""

import jax, jax.numpy as jnp
import numpy as np

OHT = ['f%d' % i for i in range(26)]
B = 16384
VOCAB = 100000

def setup_inputs():
    k = jax.random.key(0)
    inp = {}
    k, s = jax.random.split(k); inp['dense0'] = jax.random.normal(s, (B, 13), jnp.float32)
    k, s = jax.random.split(k); inp['multi0'] = jax.random.uniform(s, (B, 1000), jnp.float32)
    for f in OHT:
        k, s = jax.random.split(k)
        inp[f] = jax.random.randint(s, (B,), 0, VOCAB, jnp.int32)
    k, s = jax.random.split(k); inp['W_dense0'] = 0.01 * jax.random.normal(s, (13, 1), jnp.float32)
    k, s = jax.random.split(k); inp['W_multi0'] = 0.01 * jax.random.normal(s, (1000, 1), jnp.float32)
    for f in OHT:
        k, s = jax.random.split(k)
        inp['W_' + f] = 0.01 * jax.random.normal(s, (VOCAB, 1), jnp.float32)
    return inp

def reference(dense0, multi0,
              f0, f1, f2, f3, f4, f5, f6, f7, f8, f9, f10, f11, f12,
              f13, f14, f15, f16, f17, f18, f19, f20, f21, f22, f23, f24, f25,
              W_dense0, W_multi0,
              W_f0, W_f1, W_f2, W_f3, W_f4, W_f5, W_f6, W_f7, W_f8, W_f9,
              W_f10, W_f11, W_f12, W_f13, W_f14, W_f15, W_f16, W_f17, W_f18,
              W_f19, W_f20, W_f21, W_f22, W_f23, W_f24, W_f25):
    inp = dict(locals())
    # num fields: X @ W
    embs = [inp['dense0'] @ inp['W_dense0']]
    # oht fields: embedding lookup (gather), embed_dim = 1
    for f in OHT:
        embs.append(jnp.take(inp['W_' + f], inp[f], axis=0))
    # mht fields: normalized multi-hot projection
    x = inp['multi0']
    embs.append((x @ inp['W_multi0']) / (jnp.sum(x, axis=1, keepdims=True) + 1e-08))
    stacked = jnp.concatenate(embs, axis=1)
    return jnp.sum(stacked, axis=1)

if __name__ == "__main__":
    import jax
    _d = setup_inputs()
    print(jax.jit(kernel)(*tuple(_d.values())))

</pallas_src>

<mosaic_0001>
#map = affine_map<(d0, d1) -> (0)>
#map1 = affine_map<(d0, d1) -> (0, 0)>
module attributes {stable_mosaic.version = 14 : i64} {
  func.func @_sc_body(%arg0: i32, %arg1: i32, %arg2: memref<16384xi32, #tpu.memory_space<hbm>>, %arg3: memref<16384xi32, #tpu.memory_space<hbm>>, %arg4: memref<16384xi32, #tpu.memory_space<hbm>>, %arg5: memref<16384xi32, #tpu.memory_space<hbm>>, %arg6: memref<16384xi32, #tpu.memory_space<hbm>>, %arg7: memref<16384xi32, #tpu.memory_space<hbm>>, %arg8: memref<16384xi32, #tpu.memory_space<hbm>>, %arg9: memref<16384xi32, #tpu.memory_space<hbm>>, %arg10: memref<16384xi32, #tpu.memory_space<hbm>>, %arg11: memref<16384xi32, #tpu.memory_space<hbm>>, %arg12: memref<16384xi32, #tpu.memory_space<hbm>>, %arg13: memref<16384xi32, #tpu.memory_space<hbm>>, %arg14: memref<16384xi32, #tpu.memory_space<hbm>>, %arg15: memref<16384xi32, #tpu.memory_space<hbm>>, %arg16: memref<16384xi32, #tpu.memory_space<hbm>>, %arg17: memref<16384xi32, #tpu.memory_space<hbm>>, %arg18: memref<16384xi32, #tpu.memory_space<hbm>>, %arg19: memref<16384xi32, #tpu.memory_space<hbm>>, %arg20: memref<16384xi32, #tpu.memory_space<hbm>>, %arg21: memref<16384xi32, #tpu.memory_space<hbm>>, %arg22: memref<16384xi32, #tpu.memory_space<hbm>>, %arg23: memref<16384xi32, #tpu.memory_space<hbm>>, %arg24: memref<16384xi32, #tpu.memory_space<hbm>>, %arg25: memref<16384xi32, #tpu.memory_space<hbm>>, %arg26: memref<16384xi32, #tpu.memory_space<hbm>>, %arg27: memref<16384xi32, #tpu.memory_space<hbm>>, %arg28: memref<1x100000xf32, #tpu.memory_space<hbm>>, %arg29: memref<1x100000xf32, #tpu.memory_space<hbm>>, %arg30: memref<1x100000xf32, #tpu.memory_space<hbm>>, %arg31: memref<1x100000xf32, #tpu.memory_space<hbm>>, %arg32: memref<1x100000xf32, #tpu.memory_space<hbm>>, %arg33: memref<1x100000xf32, #tpu.memory_space<hbm>>, %arg34: memref<1x100000xf32, #tpu.memory_space<hbm>>, %arg35: memref<1x100000xf32, #tpu.memory_space<hbm>>, %arg36: memref<1x100000xf32, #tpu.memory_space<hbm>>, %arg37: memref<1x100000xf32, #tpu.memory_space<hbm>>, %arg38: memref<1x100000xf32, #tpu.memory_space<hbm>>, %arg39: memref<1x100000xf32, #tpu.memory_space<hbm>>, %arg40: memref<1x100000xf32, #tpu.memory_space<hbm>>, %arg41: memref<1x100000xf32, #tpu.memory_space<hbm>>, %arg42: memref<1x100000xf32, #tpu.memory_space<hbm>>, %arg43: memref<1x100000xf32, #tpu.memory_space<hbm>>, %arg44: memref<1x100000xf32, #tpu.memory_space<hbm>>, %arg45: memref<1x100000xf32, #tpu.memory_space<hbm>>, %arg46: memref<1x100000xf32, #tpu.memory_space<hbm>>, %arg47: memref<1x100000xf32, #tpu.memory_space<hbm>>, %arg48: memref<1x100000xf32, #tpu.memory_space<hbm>>, %arg49: memref<1x100000xf32, #tpu.memory_space<hbm>>, %arg50: memref<1x100000xf32, #tpu.memory_space<hbm>>, %arg51: memref<1x100000xf32, #tpu.memory_space<hbm>>, %arg52: memref<1x100000xf32, #tpu.memory_space<hbm>>, %arg53: memref<1x100000xf32, #tpu.memory_space<hbm>>, %arg54: memref<16384xf32, #tpu.memory_space<hbm>>, %arg55: memref<13312xi32, #tpu.memory_space<vmem>>, %arg56: memref<13312xf32, #tpu.memory_space<vmem>>, %arg57: memref<512xf32, #tpu.memory_space<vmem>>, %arg58: memref<!tpu.dma_semaphore, #tpu.memory_space<semaphore_mem>>) attributes {dimension_semantics = [#tpu.dimension_semantics<core_parallel>, #tpu.dimension_semantics<subcore_parallel>], iteration_bounds = array<i64: 2, 16>, scalar_prefetch = 0 : i64, scratch_operands = 4 : i64, tpu.core_type = #tpu.core_type<sc_vector_subcore>, window_params = [{transform_indices = #map}, {transform_indices = #map}, {transform_indices = #map}, {transform_indices = #map}, {transform_indices = #map}, {transform_indices = #map}, {transform_indices = #map}, {transform_indices = #map}, {transform_indices = #map}, {transform_indices = #map}, {transform_indices = #map}, {transform_indices = #map}, {transform_indices = #map}, {transform_indices = #map}, {transform_indices = #map}, {transform_indices = #map}, {transform_indices = #map}, {transform_indices = #map}, {transform_indices = #map}, {transform_indices = #map}, {transform_indices = #map}, {transform_indices = #map}, {transform_indices = #map}, {transform_indices = #map}, {transform_indices = #map}, {transform_indices = #map}, {transform_indices = #map1}, {transform_indices = #map1}, {transform_indices = #map1}, {transform_indices = #map1}, {transform_indices = #map1}, {transform_indices = #map1}, {transform_indices = #map1}, {transform_indices = #map1}, {transform_indices = #map1}, {transform_indices = #map1}, {transform_indices = #map1}, {transform_indices = #map1}, {transform_indices = #map1}, {transform_indices = #map1}, {transform_indices = #map1}, {transform_indices = #map1}, {transform_indices = #map1}, {transform_indices = #map1}, {transform_indices = #map1}, {transform_indices = #map1}, {transform_indices = #map1}, {transform_indices = #map1}, {transform_indices = #map1}, {transform_indices = #map1}, {transform_indices = #map1}, {transform_indices = #map1}, {transform_indices = #map}]} {
    %mul3A = arith.constant 2 : i32
    %mul3A_0 = arith.muli %arg1, %mul3A : i32
    %add3A = arith.addi %mul3A_0, %arg0 : i32
    %mul3A_1 = arith.constant 512 : i32
    %mul3A_2 = arith.muli %add3A, %mul3A_1 : i32
    %dma_start3A = arith.constant 0 : i32
    %dma_start3A_3 = tpu.memref_slice %arg55[%dma_start3A] : memref<13312xi32, #tpu.memory_space<vmem>> -> memref<512xi32, #tpu.memory_space<vmem>>
    %dma_start3A_4 = tpu.memref_slice %arg2[%mul3A_2] : memref<16384xi32, #tpu.memory_space<hbm>> -> memref<512xi32, #tpu.memory_space<hbm>>
    %dma_start3A_5 = arith.constant 0 : i32
    %dma_start3A_6 = tpu.memref_slice %arg55[%dma_start3A_5] : memref<13312xi32, #tpu.memory_space<vmem>> -> memref<512xi32, #tpu.memory_space<vmem>>
    %dma_start3A_7 = tpu.memref_slice %arg2[%mul3A_2] : memref<16384xi32, #tpu.memory_space<hbm>> -> memref<512xi32, #tpu.memory_space<hbm>>
    tpu.enqueue_dma source(%dma_start3A_7 : memref<512xi32, #tpu.memory_space<hbm>>) target(%dma_start3A_6 : memref<512xi32, #tpu.memory_space<vmem>>) target_semaphore(%arg58 : memref<!tpu.dma_semaphore, #tpu.memory_space<semaphore_mem>>)
    %dma_start3A_8 = arith.constant 512 : i32
    %dma_start3A_9 = tpu.memref_slice %arg55[%dma_start3A_8] : memref<13312xi32, #tpu.memory_space<vmem>> -> memref<512xi32, #tpu.memory_space<vmem>>
    %dma_start3A_10 = tpu.memref_slice %arg3[%mul3A_2] : memref<16384xi32, #tpu.memory_space<hbm>> -> memref<512xi32, #tpu.memory_space<hbm>>
    %dma_start3A_11 = arith.constant 512 : i32
    %dma_start3A_12 = tpu.memref_slice %arg55[%dma_start3A_11] : memref<13312xi32, #tpu.memory_space<vmem>> -> memref<512xi32, #tpu.memory_space<vmem>>
    %dma_start3A_13 = tpu.memref_slice %arg3[%mul3A_2] : memref<16384xi32, #tpu.memory_space<hbm>> -> memref<512xi32, #tpu.memory_space<hbm>>
    tpu.enqueue_dma source(%dma_start3A_13 : memref<512xi32, #tpu.memory_space<hbm>>) target(%dma_start3A_12 : memref<512xi32, #tpu.memory_space<vmem>>) target_semaphore(%arg58 : memref<!tpu.dma_semaphore, #tpu.memory_space<semaphore_mem>>)
    %dma_start3A_14 = arith.constant 1024 : i32
    %dma_start3A_15 = tpu.memref_slice %arg55[%dma_start3A_14] : memref<13312xi32, #tpu.memory_space<vmem>> -> memref<512xi32, #tpu.memory_space<vmem>>
    %dma_start3A_16 = tpu.memref_slice %arg4[%mul3A_2] : memref<16384xi32, #tpu.memory_space<hbm>> -> memref<512xi32, #tpu.memory_space<hbm>>
    %dma_start3A_17 = arith.constant 1024 : i32
    %dma_start3A_18 = tpu.memref_slice %arg55[%dma_start3A_17] : memref<13312xi32, #tpu.memory_space<vmem>> -> memref<512xi32, #tpu.memory_space<vmem>>
    %dma_start3A_19 = tpu.memref_slice %arg4[%mul3A_2] : memref<16384xi32, #tpu.memory_space<hbm>> -> memref<512xi32, #tpu.memory_space<hbm>>
    tpu.enqueue_dma source(%dma_start3A_19 : memref<512xi32, #tpu.memory_space<hbm>>) target(%dma_start3A_18 : memref<512xi32, #tpu.memory_space<vmem>>) target_semaphore(%arg58 : memref<!tpu.dma_semaphore, #tpu.memory_space<semaphore_mem>>)
    %dma_start3A_20 = arith.constant 1536 : i32
    %dma_start3A_21 = tpu.memref_slice %arg55[%dma_start3A_20] : memref<13312xi32, #tpu.memory_space<vmem>> -> memref<512xi32, #tpu.memory_space<vmem>>
    %dma_start3A_22 = tpu.memref_slice %arg5[%mul3A_2] : memref<16384xi32, #tpu.memory_space<hbm>> -> memref<512xi32, #tpu.memory_space<hbm>>
    %dma_start3A_23 = arith.constant 1536 : i32
    %dma_start3A_24 = tpu.memref_slice %arg55[%dma_start3A_23] : memref<13312xi32, #tpu.memory_space<vmem>> -> memref<512xi32, #tpu.memory_space<vmem>>
    %dma_start3A_25 = tpu.memref_slice %arg5[%mul3A_2] : memref<16384xi32, #tpu.memory_space<hbm>> -> memref<512xi32, #tpu.memory_space<hbm>>
    tpu.enqueue_dma source(%dma_start3A_25 : memref<512xi32, #tpu.memory_space<hbm>>) target(%dma_start3A_24 : memref<512xi32, #tpu.memory_space<vmem>>) target_semaphore(%arg58 : memref<!tpu.dma_semaphore, #tpu.memory_space<semaphore_mem>>)
    %dma_start3A_26 = arith.constant 2048 : i32
    %dma_start3A_27 = tpu.memref_slice %arg55[%dma_start3A_26] : memref<13312xi32, #tpu.memory_space<vmem>> -> memref<512xi32, #tpu.memory_space<vmem>>
    %dma_start3A_28 = tpu.memref_slice %arg6[%mul3A_2] : memref<16384xi32, #tpu.memory_space<hbm>> -> memref<512xi32, #tpu.memory_space<hbm>>
    %dma_start3A_29 = arith.constant 2048 : i32
    %dma_start3A_30 = tpu.memref_slice %arg55[%dma_start3A_29] : memref<13312xi32, #tpu.memory_space<vmem>> -> memref<512xi32, #tpu.memory_space<vmem>>
    %dma_start3A_31 = tpu.memref_slice %arg6[%mul3A_2] : memref<16384xi32, #tpu.memory_space<hbm>> -> memref<512xi32, #tpu.memory_space<hbm>>
    tpu.enqueue_dma source(%dma_start3A_31 : memref<512xi32, #tpu.memory_space<hbm>>) target(%dma_start3A_30 : memref<512xi32, #tpu.memory_space<vmem>>) target_semaphore(%arg58 : memref<!tpu.dma_semaphore, #tpu.memory_space<semaphore_mem>>)
    %dma_start3A_32 = arith.constant 2560 : i32
    %dma_start3A_33 = tpu.memref_slice %arg55[%dma_start3A_32] : memref<13312xi32, #tpu.memory_space<vmem>> -> memref<512xi32, #tpu.memory_space<vmem>>
    %dma_start3A_34 = tpu.memref_slice %arg7[%mul3A_2] : memref<16384xi32, #tpu.memory_space<hbm>> -> memref<512xi32, #tpu.memory_space<hbm>>
    %dma_start3A_35 = arith.constant 2560 : i32
    %dma_start3A_36 = tpu.memref_slice %arg55[%dma_start3A_35] : memref<13312xi32, #tpu.memory_space<vmem>> -> memref<512xi32, #tpu.memory_space<vmem>>
    %dma_start3A_37 = tpu.memref_slice %arg7[%mul3A_2] : memref<16384xi32, #tpu.memory_space<hbm>> -> memref<512xi32, #tpu.memory_space<hbm>>
    tpu.enqueue_dma source(%dma_start3A_37 : memref<512xi32, #tpu.memory_space<hbm>>) target(%dma_start3A_36 : memref<512xi32, #tpu.memory_space<vmem>>) target_semaphore(%arg58 : memref<!tpu.dma_semaphore, #tpu.memory_space<semaphore_mem>>)
    %dma_start3A_38 = arith.constant 3072 : i32
    %dma_start3A_39 = tpu.memref_slice %arg55[%dma_start3A_38] : memref<13312xi32, #tpu.memory_space<vmem>> -> memref<512xi32, #tpu.memory_space<vmem>>
    %dma_start3A_40 = tpu.memref_slice %arg8[%mul3A_2] : memref<16384xi32, #tpu.memory_space<hbm>> -> memref<512xi32, #tpu.memory_space<hbm>>
    %dma_start3A_41 = arith.constant 3072 : i32
    %dma_start3A_42 = tpu.memref_slice %arg55[%dma_start3A_41] : memref<13312xi32, #tpu.memory_space<vmem>> -> memref<512xi32, #tpu.memory_space<vmem>>
    %dma_start3A_43 = tpu.memref_slice %arg8[%mul3A_2] : memref<16384xi32, #tpu.memory_space<hbm>> -> memref<512xi32, #tpu.memory_space<hbm>>
    tpu.enqueue_dma source(%dma_start3A_43 : memref<512xi32, #tpu.memory_space<hbm>>) target(%dma_start3A_42 : memref<512xi32, #tpu.memory_space<vmem>>) target_semaphore(%arg58 : memref<!tpu.dma_semaphore, #tpu.memory_space<semaphore_mem>>)
    %dma_start3A_44 = arith.constant 3584 : i32
    %dma_start3A_45 = tpu.memref_slice %arg55[%dma_start3A_44] : memref<13312xi32, #tpu.memory_space<vmem>> -> memref<512xi32, #tpu.memory_space<vmem>>
    %dma_start3A_46 = tpu.memref_slice %arg9[%mul3A_2] : memref<16384xi32, #tpu.memory_space<hbm>> -> memref<512xi32, #tpu.memory_space<hbm>>
    %dma_start3A_47 = arith.constant 3584 : i32
    %dma_start3A_48 = tpu.memref_slice %arg55[%dma_start3A_47] : memref<13312xi32, #tpu.memory_space<vmem>> -> memref<512xi32, #tpu.memory_space<vmem>>
    %dma_start3A_49 = tpu.memref_slice %arg9[%mul3A_2] : memref<16384xi32, #tpu.memory_space<hbm>> -> memref<512xi32, #tpu.memory_space<hbm>>
    tpu.enqueue_dma source(%dma_start3A_49 : memref<512xi32, #tpu.memory_space<hbm>>) target(%dma_start3A_48 : memref<512xi32, #tpu.memory_space<vmem>>) target_semaphore(%arg58 : memref<!tpu.dma_semaphore, #tpu.memory_space<semaphore_mem>>)
    %dma_start3A_50 = arith.constant 4096 : i32
    %dma_start3A_51 = tpu.memref_slice %arg55[%dma_start3A_50] : memref<13312xi32, #tpu.memory_space<vmem>> -> memref<512xi32, #tpu.memory_space<vmem>>
    %dma_start3A_52 = tpu.memref_slice %arg10[%mul3A_2] : memref<16384xi32, #tpu.memory_space<hbm>> -> memref<512xi32, #tpu.memory_space<hbm>>
    %dma_start3A_53 = arith.constant 4096 : i32
    %dma_start3A_54 = tpu.memref_slice %arg55[%dma_start3A_53] : memref<13312xi32, #tpu.memory_space<vmem>> -> memref<512xi32, #tpu.memory_space<vmem>>
    %dma_start3A_55 = tpu.memref_slice %arg10[%mul3A_2] : memref<16384xi32, #tpu.memory_space<hbm>> -> memref<512xi32, #tpu.memory_space<hbm>>
    tpu.enqueue_dma source(%dma_start3A_55 : memref<512xi32, #tpu.memory_space<hbm>>) target(%dma_start3A_54 : memref<512xi32, #tpu.memory_space<vmem>>) target_semaphore(%arg58 : memref<!tpu.dma_semaphore, #tpu.memory_space<semaphore_mem>>)
    %dma_start3A_56 = arith.constant 4608 : i32
    %dma_start3A_57 = tpu.memref_slice %arg55[%dma_start3A_56] : memref<13312xi32, #tpu.memory_space<vmem>> -> memref<512xi32, #tpu.memory_space<vmem>>
    %dma_start3A_58 = tpu.memref_slice %arg11[%mul3A_2] : memref<16384xi32, #tpu.memory_space<hbm>> -> memref<512xi32, #tpu.memory_space<hbm>>
    %dma_start3A_59 = arith.constant 4608 : i32
    %dma_start3A_60 = tpu.memref_slice %arg55[%dma_start3A_59] : memref<13312xi32, #tpu.memory_space<vmem>> -> memref<512xi32, #tpu.memory_space<vmem>>
    %dma_start3A_61 = tpu.memref_slice %arg11[%mul3A_2] : memref<16384xi32, #tpu.memory_space<hbm>> -> memref<512xi32, #tpu.memory_space<hbm>>
    tpu.enqueue_dma source(%dma_start3A_61 : memref<512xi32, #tpu.memory_space<hbm>>) target(%dma_start3A_60 : memref<512xi32, #tpu.memory_space<vmem>>) target_semaphore(%arg58 : memref<!tpu.dma_semaphore, #tpu.memory_space<semaphore_mem>>)
    %dma_start3A_62 = arith.constant 5120 : i32
    %dma_start3A_63 = tpu.memref_slice %arg55[%dma_start3A_62] : memref<13312xi32, #tpu.memory_space<vmem>> -> memref<512xi32, #tpu.memory_space<vmem>>
    %dma_start3A_64 = tpu.memref_slice %arg12[%mul3A_2] : memref<16384xi32, #tpu.memory_space<hbm>> -> memref<512xi32, #tpu.memory_space<hbm>>
    %dma_start3A_65 = arith.constant 5120 : i32
    %dma_start3A_66 = tpu.memref_slice %arg55[%dma_start3A_65] : memref<13312xi32, #tpu.memory_space<vmem>> -> memref<512xi32, #tpu.memory_space<vmem>>
    %dma_start3A_67 = tpu.memref_slice %arg12[%mul3A_2] : memref<16384xi32, #tpu.memory_space<hbm>> -> memref<512xi32, #tpu.memory_space<hbm>>
    tpu.enqueue_dma source(%dma_start3A_67 : memref<512xi32, #tpu.memory_space<hbm>>) target(%dma_start3A_66 : memref<512xi32, #tpu.memory_space<vmem>>) target_semaphore(%arg58 : memref<!tpu.dma_semaphore, #tpu.memory_space<semaphore_mem>>)
    %dma_start3A_68 = arith.constant 5632 : i32
    %dma_start3A_69 = tpu.memref_slice %arg55[%dma_start3A_68] : memref<13312xi32, #tpu.memory_space<vmem>> -> memref<512xi32, #tpu.memory_space<vmem>>
    %dma_start3A_70 = tpu.memref_slice %arg13[%mul3A_2] : memref<16384xi32, #tpu.memory_space<hbm>> -> memref<512xi32, #tpu.memory_space<hbm>>
    %dma_start3A_71 = arith.constant 5632 : i32
    %dma_start3A_72 = tpu.memref_slice %arg55[%dma_start3A_71] : memref<13312xi32, #tpu.memory_space<vmem>> -> memref<512xi32, #tpu.memory_space<vmem>>
    %dma_start3A_73 = tpu.memref_slice %arg13[%mul3A_2] : memref<16384xi32, #tpu.memory_space<hbm>> -> memref<512xi32, #tpu.memory_space<hbm>>
    tpu.enqueue_dma source(%dma_start3A_73 : memref<512xi32, #tpu.memory_space<hbm>>) target(%dma_start3A_72 : memref<512xi32, #tpu.memory_space<vmem>>) target_semaphore(%arg58 : memref<!tpu.dma_semaphore, #tpu.memory_space<semaphore_mem>>)
    %dma_start3A_74 = arith.constant 6144 : i32
    %dma_start3A_75 = tpu.memref_slice %arg55[%dma_start3A_74] : memref<13312xi32, #tpu.memory_space<vmem>> -> memref<512xi32, #tpu.memory_space<vmem>>
    %dma_start3A_76 = tpu.memref_slice %arg14[%mul3A_2] : memref<16384xi32, #tpu.memory_space<hbm>> -> memref<512xi32, #tpu.memory_space<hbm>>
    %dma_start3A_77 = arith.constant 6144 : i32
    %dma_start3A_78 = tpu.memref_slice %arg55[%dma_start3A_77] : memref<13312xi32, #tpu.memory_space<vmem>> -> memref<512xi32, #tpu.memory_space<vmem>>
    %dma_start3A_79 = tpu.memref_slice %arg14[%mul3A_2] : memref<16384xi32, #tpu.memory_space<hbm>> -> memref<512xi32, #tpu.memory_space<hbm>>
    tpu.enqueue_dma source(%dma_start3A_79 : memref<512xi32, #tpu.memory_space<hbm>>) target(%dma_start3A_78 : memref<512xi32, #tpu.memory_space<vmem>>) target_semaphore(%arg58 : memref<!tpu.dma_semaphore, #tpu.memory_space<semaphore_mem>>)
    %dma_start3A_80 = arith.constant 6656 : i32
    %dma_start3A_81 = tpu.memref_slice %arg55[%dma_start3A_80] : memref<13312xi32, #tpu.memory_space<vmem>> -> memref<512xi32, #tpu.memory_space<vmem>>
    %dma_start3A_82 = tpu.memref_slice %arg15[%mul3A_2] : memref<16384xi32, #tpu.memory_space<hbm>> -> memref<512xi32, #tpu.memory_space<hbm>>
    %dma_start3A_83 = arith.constant 6656 : i32
    %dma_start3A_84 = tpu.memref_slice %arg55[%dma_start3A_83] : memref<13312xi32, #tpu.memory_space<vmem>> -> memref<512xi32, #tpu.memory_space<vmem>>
    %dma_start3A_85 = tpu.memref_slice %arg15[%mul3A_2] : memref<16384xi32, #tpu.memory_space<hbm>> -> memref<512xi32, #tpu.memory_space<hbm>>
    tpu.enqueue_dma source(%dma_start3A_85 : memref<512xi32, #tpu.memory_space<hbm>>) target(%dma_start3A_84 : memref<512xi32, #tpu.memory_space<vmem>>) target_semaphore(%arg58 : memref<!tpu.dma_semaphore, #tpu.memory_space<semaphore_mem>>)
    %dma_start3A_86 = arith.constant 7168 : i32
    %dma_start3A_87 = tpu.memref_slice %arg55[%dma_start3A_86] : memref<13312xi32, #tpu.memory_space<vmem>> -> memref<512xi32, #tpu.memory_space<vmem>>
    %dma_start3A_88 = tpu.memref_slice %arg16[%mul3A_2] : memref<16384xi32, #tpu.memory_space<hbm>> -> memref<512xi32, #tpu.memory_space<hbm>>
    %dma_start3A_89 = arith.constant 7168 : i32
    %dma_start3A_90 = tpu.memref_slice %arg55[%dma_start3A_89] : memref<13312xi32, #tpu.memory_space<vmem>> -> memref<512xi32, #tpu.memory_space<vmem>>
    %dma_start3A_91 = tpu.memref_slice %arg16[%mul3A_2] : memref<16384xi32, #tpu.memory_space<hbm>> -> memref<512xi32, #tpu.memory_space<hbm>>
    tpu.enqueue_dma source(%dma_start3A_91 : memref<512xi32, #tpu.memory_space<hbm>>) target(%dma_start3A_90 : memref<512xi32, #tpu.memory_space<vmem>>) target_semaphore(%arg58 : memref<!tpu.dma_semaphore, #tpu.memory_space<semaphore_mem>>)
    %dma_start3A_92 = arith.constant 7680 : i32
    %dma_start3A_93 = tpu.memref_slice %arg55[%dma_start3A_92] : memref<13312xi32, #tpu.memory_space<vmem>> -> memref<512xi32, #tpu.memory_space<vmem>>
    %dma_start3A_94 = tpu.memref_slice %arg17[%mul3A_2] : memref<16384xi32, #tpu.memory_space<hbm>> -> memref<512xi32, #tpu.memory_space<hbm>>
    %dma_start3A_95 = arith.constant 7680 : i32
    %dma_start3A_96 = tpu.memref_slice %arg55[%dma_start3A_95] : memref<13312xi32, #tpu.memory_space<vmem>> -> memref<512xi32, #tpu.memory_space<vmem>>
    %dma_start3A_97 = tpu.memref_slice %arg17[%mul3A_2] : memref<16384xi32, #tpu.memory_space<hbm>> -> memref<512xi32, #tpu.memory_space<hbm>>
    tpu.enqueue_dma source(%dma_start3A_97 : memref<512xi32, #tpu.memory_space<hbm>>) target(%dma_start3A_96 : memref<512xi32, #tpu.memory_space<vmem>>) target_semaphore(%arg58 : memref<!tpu.dma_semaphore, #tpu.memory_space<semaphore_mem>>)
    %dma_start3A_98 = arith.constant 8192 : i32
    %dma_start3A_99 = tpu.memref_slice %arg55[%dma_start3A_98] : memref<13312xi32, #tpu.memory_space<vmem>> -> memref<512xi32, #tpu.memory_space<vmem>>
    %dma_start3A_100 = tpu.memref_slice %arg18[%mul3A_2] : memref<16384xi32, #tpu.memory_space<hbm>> -> memref<512xi32, #tpu.memory_space<hbm>>
    %dma_start3A_101 = arith.constant 8192 : i32
    %dma_start3A_102 = tpu.memref_slice %arg55[%dma_start3A_101] : memref<13312xi32, #tpu.memory_space<vmem>> -> memref<512xi32, #tpu.memory_space<vmem>>
    %dma_start3A_103 = tpu.memref_slice %arg18[%mul3A_2] : memref<16384xi32, #tpu.memory_space<hbm>> -> memref<512xi32, #tpu.memory_space<hbm>>
    tpu.enqueue_dma source(%dma_start3A_103 : memref<512xi32, #tpu.memory_space<hbm>>) target(%dma_start3A_102 : memref<512xi32, #tpu.memory_space<vmem>>) target_semaphore(%arg58 : memref<!tpu.dma_semaphore, #tpu.memory_space<semaphore_mem>>)
    %dma_start3A_104 = arith.constant 8704 : i32
    %dma_start3A_105 = tpu.memref_slice %arg55[%dma_start3A_104] : memref<13312xi32, #tpu.memory_space<vmem>> -> memref<512xi32, #tpu.memory_space<vmem>>
    %dma_start3A_106 = tpu.memref_slice %arg19[%mul3A_2] : memref<16384xi32, #tpu.memory_space<hbm>> -> memref<512xi32, #tpu.memory_space<hbm>>
    %dma_start3A_107 = arith.constant 8704 : i32
    %dma_start3A_108 = tpu.memref_slice %arg55[%dma_start3A_107] : memref<13312xi32, #tpu.memory_space<vmem>> -> memref<512xi32, #tpu.memory_space<vmem>>
    %dma_start3A_109 = tpu.memref_slice %arg19[%mul3A_2] : memref<16384xi32, #tpu.memory_space<hbm>> -> memref<512xi32, #tpu.memory_space<hbm>>
    tpu.enqueue_dma source(%dma_start3A_109 : memref<512xi32, #tpu.memory_space<hbm>>) target(%dma_start3A_108 : memref<512xi32, #tpu.memory_space<vmem>>) target_semaphore(%arg58 : memref<!tpu.dma_semaphore, #tpu.memory_space<semaphore_mem>>)
    %dma_start3A_110 = arith.constant 9216 : i32
    %dma_start3A_111 = tpu.memref_slice %arg55[%dma_start3A_110] : memref<13312xi32, #tpu.memory_space<vmem>> -> memref<512xi32, #tpu.memory_space<vmem>>
    %dma_start3A_112 = tpu.memref_slice %arg20[%mul3A_2] : memref<16384xi32, #tpu.memory_space<hbm>> -> memref<512xi32, #tpu.memory_space<hbm>>
    %dma_start3A_113 = arith.constant 9216 : i32
    %dma_start3A_114 = tpu.memref_slice %arg55[%dma_start3A_113] : memref<13312xi32, #tpu.memory_space<vmem>> -> memref<512xi32, #tpu.memory_space<vmem>>
    %dma_start3A_115 = tpu.memref_slice %arg20[%mul3A_2] : memref<16384xi32, #tpu.memory_space<hbm>> -> memref<512xi32, #tpu.memory_space<hbm>>
    tpu.enqueue_dma source(%dma_start3A_115 : memref<512xi32, #tpu.memory_space<hbm>>) target(%dma_start3A_114 : memref<512xi32, #tpu.memory_space<vmem>>) target_semaphore(%arg58 : memref<!tpu.dma_semaphore, #tpu.memory_space<semaphore_mem>>)
    %dma_start3A_116 = arith.constant 9728 : i32
    %dma_start3A_117 = tpu.memref_slice %arg55[%dma_start3A_116] : memref<13312xi32, #tpu.memory_space<vmem>> -> memref<512xi32, #tpu.memory_space<vmem>>
    %dma_start3A_118 = tpu.memref_slice %arg21[%mul3A_2] : memref<16384xi32, #tpu.memory_space<hbm>> -> memref<512xi32, #tpu.memory_space<hbm>>
    %dma_start3A_119 = arith.constant 9728 : i32
    %dma_start3A_120 = tpu.memref_slice %arg55[%dma_start3A_119] : memref<13312xi32, #tpu.memory_space<vmem>> -> memref<512xi32, #tpu.memory_space<vmem>>
    %dma_start3A_121 = tpu.memref_slice %arg21[%mul3A_2] : memref<16384xi32, #tpu.memory_space<hbm>> -> memref<512xi32, #tpu.memory_space<hbm>>
    tpu.enqueue_dma source(%dma_start3A_121 : memref<512xi32, #tpu.memory_space<hbm>>) target(%dma_start3A_120 : memref<512xi32, #tpu.memory_space<vmem>>) target_semaphore(%arg58 : memref<!tpu.dma_semaphore, #tpu.memory_space<semaphore_mem>>)
    %dma_start3A_122 = arith.constant 10240 : i32
    %dma_start3A_123 = tpu.memref_slice %arg55[%dma_start3A_122] : memref<13312xi32, #tpu.memory_space<vmem>> -> memref<512xi32, #tpu.memory_space<vmem>>
    %dma_start3A_124 = tpu.memref_slice %arg22[%mul3A_2] : memref<16384xi32, #tpu.memory_space<hbm>> -> memref<512xi32, #tpu.memory_space<hbm>>
    %dma_start3A_125 = arith.constant 10240 : i32
    %dma_start3A_126 = tpu.memref_slice %arg55[%dma_start3A_125] : memref<13312xi32, #tpu.memory_space<vmem>> -> memref<512xi32, #tpu.memory_space<vmem>>
    %dma_start3A_127 = tpu.memref_slice %arg22[%mul3A_2] : memref<16384xi32, #tpu.memory_space<hbm>> -> memref<512xi32, #tpu.memory_space<hbm>>
    tpu.enqueue_dma source(%dma_start3A_127 : memref<512xi32, #tpu.memory_space<hbm>>) target(%dma_start3A_126 : memref<512xi32, #tpu.memory_space<vmem>>) target_semaphore(%arg58 : memref<!tpu.dma_semaphore, #tpu.memory_space<semaphore_mem>>)
    %dma_start3A_128 = arith.constant 10752 : i32
    %dma_start3A_129 = tpu.memref_slice %arg55[%dma_start3A_128] : memref<13312xi32, #tpu.memory_space<vmem>> -> memref<512xi32, #tpu.memory_space<vmem>>
    %dma_start3A_130 = tpu.memref_slice %arg23[%mul3A_2] : memref<16384xi32, #tpu.memory_space<hbm>> -> memref<512xi32, #tpu.memory_space<hbm>>
    %dma_start3A_131 = arith.constant 10752 : i32
    %dma_start3A_132 = tpu.memref_slice %arg55[%dma_start3A_131] : memref<13312xi32, #tpu.memory_space<vmem>> -> memref<512xi32, #tpu.memory_space<vmem>>
    %dma_start3A_133 = tpu.memref_slice %arg23[%mul3A_2] : memref<16384xi32, #tpu.memory_space<hbm>> -> memref<512xi32, #tpu.memory_space<hbm>>
    tpu.enqueue_dma source(%dma_start3A_133 : memref<512xi32, #tpu.memory_space<hbm>>) target(%dma_start3A_132 : memref<512xi32, #tpu.memory_space<vmem>>) target_semaphore(%arg58 : memref<!tpu.dma_semaphore, #tpu.memory_space<semaphore_mem>>)
    %dma_start3A_134 = arith.constant 11264 : i32
    %dma_start3A_135 = tpu.memref_slice %arg55[%dma_start3A_134] : memref<13312xi32, #tpu.memory_space<vmem>> -> memref<512xi32, #tpu.memory_space<vmem>>
    %dma_start3A_136 = tpu.memref_slice %arg24[%mul3A_2] : memref<16384xi32, #tpu.memory_space<hbm>> -> memref<512xi32, #tpu.memory_space<hbm>>
    %dma_start3A_137 = arith.constant 11264 : i32
    %dma_start3A_138 = tpu.memref_slice %arg55[%dma_start3A_137] : memref<13312xi32, #tpu.memory_space<vmem>> -> memref<512xi32, #tpu.memory_space<vmem>>
    %dma_start3A_139 = tpu.memref_slice %arg24[%mul3A_2] : memref<16384xi32, #tpu.memory_space<hbm>> -> memref<512xi32, #tpu.memory_space<hbm>>
    tpu.enqueue_dma source(%dma_start3A_139 : memref<512xi32, #tpu.memory_space<hbm>>) target(%dma_start3A_138 : memref<512xi32, #tpu.memory_space<vmem>>) target_semaphore(%arg58 : memref<!tpu.dma_semaphore, #tpu.memory_space<semaphore_mem>>)
    %dma_start3A_140 = arith.constant 11776 : i32
    %dma_start3A_141 = tpu.memref_slice %arg55[%dma_start3A_140] : memref<13312xi32, #tpu.memory_space<vmem>> -> memref<512xi32, #tpu.memory_space<vmem>>
    %dma_start3A_142 = tpu.memref_slice %arg25[%mul3A_2] : memref<16384xi32, #tpu.memory_space<hbm>> -> memref<512xi32, #tpu.memory_space<hbm>>
    %dma_start3A_143 = arith.constant 11776 : i32
    %dma_start3A_144 = tpu.memref_slice %arg55[%dma_start3A_143] : memref<13312xi32, #tpu.memory_space<vmem>> -> memref<512xi32, #tpu.memory_space<vmem>>
    %dma_start3A_145 = tpu.memref_slice %arg25[%mul3A_2] : memref<16384xi32, #tpu.memory_space<hbm>> -> memref<512xi32, #tpu.memory_space<hbm>>
    tpu.enqueue_dma source(%dma_start3A_145 : memref<512xi32, #tpu.memory_space<hbm>>) target(%dma_start3A_144 : memref<512xi32, #tpu.memory_space<vmem>>) target_semaphore(%arg58 : memref<!tpu.dma_semaphore, #tpu.memory_space<semaphore_mem>>)
    %dma_start3A_146 = arith.constant 12288 : i32
    %dma_start3A_147 = tpu.memref_slice %arg55[%dma_start3A_146] : memref<13312xi32, #tpu.memory_space<vmem>> -> memref<512xi32, #tpu.memory_space<vmem>>
    %dma_start3A_148 = tpu.memref_slice %arg26[%mul3A_2] : memref<16384xi32, #tpu.memory_space<hbm>> -> memref<512xi32, #tpu.memory_space<hbm>>
    %dma_start3A_149 = arith.constant 12288 : i32
    %dma_start3A_150 = tpu.memref_slice %arg55[%dma_start3A_149] : memref<13312xi32, #tpu.memory_space<vmem>> -> memref<512xi32, #tpu.memory_space<vmem>>
    %dma_start3A_151 = tpu.memref_slice %arg26[%mul3A_2] : memref<16384xi32, #tpu.memory_space<hbm>> -> memref<512xi32, #tpu.memory_space<hbm>>
    tpu.enqueue_dma source(%dma_start3A_151 : memref<512xi32, #tpu.memory_space<hbm>>) target(%dma_start3A_150 : memref<512xi32, #tpu.memory_space<vmem>>) target_semaphore(%arg58 : memref<!tpu.dma_semaphore, #tpu.memory_space<semaphore_mem>>)
    %dma_start3A_152 = arith.constant 12800 : i32
    %dma_start3A_153 = tpu.memref_slice %arg55[%dma_start3A_152] : memref<13312xi32, #tpu.memory_space<vmem>> -> memref<512xi32, #tpu.memory_space<vmem>>
    %dma_start3A_154 = tpu.memref_slice %arg27[%mul3A_2] : memref<16384xi32, #tpu.memory_space<hbm>> -> memref<512xi32, #tpu.memory_space<hbm>>
    %dma_start3A_155 = arith.constant 12800 : i32
    %dma_start3A_156 = tpu.memref_slice %arg55[%dma_start3A_155] : memref<13312xi32, #tpu.memory_space<vmem>> -> memref<512xi32, #tpu.memory_space<vmem>>
    %dma_start3A_157 = tpu.memref_slice %arg27[%mul3A_2] : memref<16384xi32, #tpu.memory_space<hbm>> -> memref<512xi32, #tpu.memory_space<hbm>>
    tpu.enqueue_dma source(%dma_start3A_157 : memref<512xi32, #tpu.memory_space<hbm>>) target(%dma_start3A_156 : memref<512xi32, #tpu.memory_space<vmem>>) target_semaphore(%arg58 : memref<!tpu.dma_semaphore, #tpu.memory_space<semaphore_mem>>)
    %dma_wait3A = arith.constant 0 : i32
    %dma_wait3A_158 = tpu.memref_slice %arg55[%dma_wait3A] : memref<13312xi32, #tpu.memory_space<vmem>> -> memref<512xi32, #tpu.memory_space<vmem>>
    %dma_wait3A_159 = tpu.memref_slice %arg2[%mul3A_2] : memref<16384xi32, #tpu.memory_space<hbm>> -> memref<512xi32, #tpu.memory_space<hbm>>
    %dma_wait3A_160 = arith.constant 0 : i32
    %dma_wait3A_161 = tpu.memref_slice %arg55[%dma_wait3A_160] : memref<13312xi32, #tpu.memory_space<vmem>> -> memref<512xi32, #tpu.memory_space<vmem>>
    %dma_wait3A_162 = tpu.memref_slice %arg2[%mul3A_2] : memref<16384xi32, #tpu.memory_space<hbm>> -> memref<512xi32, #tpu.memory_space<hbm>>
    tpu.wait_dma2 semaphore(%arg58 : memref<!tpu.dma_semaphore, #tpu.memory_space<semaphore_mem>>) src(%dma_wait3A_162 : memref<512xi32, #tpu.memory_space<hbm>>) dst(%dma_wait3A_161 : memref<512xi32, #tpu.memory_space<vmem>>)
    %dma_wait3A_163 = arith.constant 512 : i32
    %dma_wait3A_164 = tpu.memref_slice %arg55[%dma_wait3A_163] : memref<13312xi32, #tpu.memory_space<vmem>> -> memref<512xi32, #tpu.memory_space<vmem>>
    %dma_wait3A_165 = tpu.memref_slice %arg3[%mul3A_2] : memref<16384xi32, #tpu.memory_space<hbm>> -> memref<512xi32, #tpu.memory_space<hbm>>
    %dma_wait3A_166 = arith.constant 512 : i32
    %dma_wait3A_167 = tpu.memref_slice %arg55[%dma_wait3A_166] : memref<13312xi32, #tpu.memory_space<vmem>> -> memref<512xi32, #tpu.memory_space<vmem>>
    %dma_wait3A_168 = tpu.memref_slice %arg3[%mul3A_2] : memref<16384xi32, #tpu.memory_space<hbm>> -> memref<512xi32, #tpu.memory_space<hbm>>
    tpu.wait_dma2 semaphore(%arg58 : memref<!tpu.dma_semaphore, #tpu.memory_space<semaphore_mem>>) src(%dma_wait3A_168 : memref<512xi32, #tpu.memory_space<hbm>>) dst(%dma_wait3A_167 : memref<512xi32, #tpu.memory_space<vmem>>)
    %dma_wait3A_169 = arith.constant 1024 : i32
    %dma_wait3A_170 = tpu.memref_slice %arg55[%dma_wait3A_169] : memref<13312xi32, #tpu.memory_space<vmem>> -> memref<512xi32, #tpu.memory_space<vmem>>
    %dma_wait3A_171 = tpu.memref_slice %arg4[%mul3A_2] : memref<16384xi32, #tpu.memory_space<hbm>> -> memref<512xi32, #tpu.memory_space<hbm>>
    %dma_wait3A_172 = arith.constant 1024 : i32
    %dma_wait3A_173 = tpu.memref_slice %arg55[%dma_wait3A_172] : memref<13312xi32, #tpu.memory_space<vmem>> -> memref<512xi32, #tpu.memory_space<vmem>>
    %dma_wait3A_174 = tpu.memref_slice %arg4[%mul3A_2] : memref<16384xi32, #tpu.memory_space<hbm>> -> memref<512xi32, #tpu.memory_space<hbm>>
    tpu.wait_dma2 semaphore(%arg58 : memref<!tpu.dma_semaphore, #tpu.memory_space<semaphore_mem>>) src(%dma_wait3A_174 : memref<512xi32, #tpu.memory_space<hbm>>) dst(%dma_wait3A_173 : memref<512xi32, #tpu.memory_space<vmem>>)
    %dma_wait3A_175 = arith.constant 1536 : i32
    %dma_wait3A_176 = tpu.memref_slice %arg55[%dma_wait3A_175] : memref<13312xi32, #tpu.memory_space<vmem>> -> memref<512xi32, #tpu.memory_space<vmem>>
    %dma_wait3A_177 = tpu.memref_slice %arg5[%mul3A_2] : memref<16384xi32, #tpu.memory_space<hbm>> -> memref<512xi32, #tpu.memory_space<hbm>>
    %dma_wait3A_178 = arith.constant 1536 : i32
    %dma_wait3A_179 = tpu.memref_slice %arg55[%dma_wait3A_178] : memref<13312xi32, #tpu.memory_space<vmem>> -> memref<512xi32, #tpu.memory_space<vmem>>
    %dma_wait3A_180 = tpu.memref_slice %arg5[%mul3A_2] : memref<16384xi32, #tpu.memory_space<hbm>> -> memref<512xi32, #tpu.memory_space<hbm>>
    tpu.wait_dma2 semaphore(%arg58 : memref<!tpu.dma_semaphore, #tpu.memory_space<semaphore_mem>>) src(%dma_wait3A_180 : memref<512xi32, #tpu.memory_space<hbm>>) dst(%dma_wait3A_179 : memref<512xi32, #tpu.memory_space<vmem>>)
    %dma_wait3A_181 = arith.constant 2048 : i32
    %dma_wait3A_182 = tpu.memref_slice %arg55[%dma_wait3A_181] : memref<13312xi32, #tpu.memory_space<vmem>> -> memref<512xi32, #tpu.memory_space<vmem>>
    %dma_wait3A_183 = tpu.memref_slice %arg6[%mul3A_2] : memref<16384xi32, #tpu.memory_space<hbm>> -> memref<512xi32, #tpu.memory_space<hbm>>
    %dma_wait3A_184 = arith.constant 2048 : i32
    %dma_wait3A_185 = tpu.memref_slice %arg55[%dma_wait3A_184] : memref<13312xi32, #tpu.memory_space<vmem>> -> memref<512xi32, #tpu.memory_space<vmem>>
    %dma_wait3A_186 = tpu.memref_slice %arg6[%mul3A_2] : memref<16384xi32, #tpu.memory_space<hbm>> -> memref<512xi32, #tpu.memory_space<hbm>>
    tpu.wait_dma2 semaphore(%arg58 : memref<!tpu.dma_semaphore, #tpu.memory_space<semaphore_mem>>) src(%dma_wait3A_186 : memref<512xi32, #tpu.memory_space<hbm>>) dst(%dma_wait3A_185 : memref<512xi32, #tpu.memory_space<vmem>>)
    %dma_wait3A_187 = arith.constant 2560 : i32
    %dma_wait3A_188 = tpu.memref_slice %arg55[%dma_wait3A_187] : memref<13312xi32, #tpu.memory_space<vmem>> -> memref<512xi32, #tpu.memory_space<vmem>>
    %dma_wait3A_189 = tpu.memref_slice %arg7[%mul3A_2] : memref<16384xi32, #tpu.memory_space<hbm>> -> memref<512xi32, #tpu.memory_space<hbm>>
    %dma_wait3A_190 = arith.constant 2560 : i32
    %dma_wait3A_191 = tpu.memref_slice %arg55[%dma_wait3A_190] : memref<13312xi32, #tpu.memory_space<vmem>> -> memref<512xi32, #tpu.memory_space<vmem>>
    %dma_wait3A_192 = tpu.memref_slice %arg7[%mul3A_2] : memref<16384xi32, #tpu.memory_space<hbm>> -> memref<512xi32, #tpu.memory_space<hbm>>
    tpu.wait_dma2 semaphore(%arg58 : memref<!tpu.dma_semaphore, #tpu.memory_space<semaphore_mem>>) src(%dma_wait3A_192 : memref<512xi32, #tpu.memory_space<hbm>>) dst(%dma_wait3A_191 : memref<512xi32, #tpu.memory_space<vmem>>)
    %dma_wait3A_193 = arith.constant 3072 : i32
    %dma_wait3A_194 = tpu.memref_slice %arg55[%dma_wait3A_193] : memref<13312xi32, #tpu.memory_space<vmem>> -> memref<512xi32, #tpu.memory_space<vmem>>
    %dma_wait3A_195 = tpu.memref_slice %arg8[%mul3A_2] : memref<16384xi32, #tpu.memory_space<hbm>> -> memref<512xi32, #tpu.memory_space<hbm>>
    %dma_wait3A_196 = arith.constant 3072 : i32
    %dma_wait3A_197 = tpu.memref_slice %arg55[%dma_wait3A_196] : memref<13312xi32, #tpu.memory_space<vmem>> -> memref<512xi32, #tpu.memory_space<vmem>>
    %dma_wait3A_198 = tpu.memref_slice %arg8[%mul3A_2] : memref<16384xi32, #tpu.memory_space<hbm>> -> memref<512xi32, #tpu.memory_space<hbm>>
    tpu.wait_dma2 semaphore(%arg58 : memref<!tpu.dma_semaphore, #tpu.memory_space<semaphore_mem>>) src(%dma_wait3A_198 : memref<512xi32, #tpu.memory_space<hbm>>) dst(%dma_wait3A_197 : memref<512xi32, #tpu.memory_space<vmem>>)
    %dma_wait3A_199 = arith.constant 3584 : i32
    %dma_wait3A_200 = tpu.memref_slice %arg55[%dma_wait3A_199] : memref<13312xi32, #tpu.memory_space<vmem>> -> memref<512xi32, #tpu.memory_space<vmem>>
    %dma_wait3A_201 = tpu.memref_slice %arg9[%mul3A_2] : memref<16384xi32, #tpu.memory_space<hbm>> -> memref<512xi32, #tpu.memory_space<hbm>>
    %dma_wait3A_202 = arith.constant 3584 : i32
    %dma_wait3A_203 = tpu.memref_slice %arg55[%dma_wait3A_202] : memref<13312xi32, #tpu.memory_space<vmem>> -> memref<512xi32, #tpu.memory_space<vmem>>
    %dma_wait3A_204 = tpu.memref_slice %arg9[%mul3A_2] : memref<16384xi32, #tpu.memory_space<hbm>> -> memref<512xi32, #tpu.memory_space<hbm>>
    tpu.wait_dma2 semaphore(%arg58 : memref<!tpu.dma_semaphore, #tpu.memory_space<semaphore_mem>>) src(%dma_wait3A_204 : memref<512xi32, #tpu.memory_space<hbm>>) dst(%dma_wait3A_203 : memref<512xi32, #tpu.memory_space<vmem>>)
    %dma_wait3A_205 = arith.constant 4096 : i32
    %dma_wait3A_206 = tpu.memref_slice %arg55[%dma_wait3A_205] : memref<13312xi32, #tpu.memory_space<vmem>> -> memref<512xi32, #tpu.memory_space<vmem>>
    %dma_wait3A_207 = tpu.memref_slice %arg10[%mul3A_2] : memref<16384xi32, #tpu.memory_space<hbm>> -> memref<512xi32, #tpu.memory_space<hbm>>
    %dma_wait3A_208 = arith.constant 4096 : i32
    %dma_wait3A_209 = tpu.memref_slice %arg55[%dma_wait3A_208] : memref<13312xi32, #tpu.memory_space<vmem>> -> memref<512xi32, #tpu.memory_space<vmem>>
    %dma_wait3A_210 = tpu.memref_slice %arg10[%mul3A_2] : memref<16384xi32, #tpu.memory_space<hbm>> -> memref<512xi32, #tpu.memory_space<hbm>>
    tpu.wait_dma2 semaphore(%arg58 : memref<!tpu.dma_semaphore, #tpu.memory_space<semaphore_mem>>) src(%dma_wait3A_210 : memref<512xi32, #tpu.memory_space<hbm>>) dst(%dma_wait3A_209 : memref<512xi32, #tpu.memory_space<vmem>>)
    %dma_wait3A_211 = arith.constant 4608 : i32
    %dma_wait3A_212 = tpu.memref_slice %arg55[%dma_wait3A_211] : memref<13312xi32, #tpu.memory_space<vmem>> -> memref<512xi32, #tpu.memory_space<vmem>>
    %dma_wait3A_213 = tpu.memref_slice %arg11[%mul3A_2] : memref<16384xi32, #tpu.memory_space<hbm>> -> memref<512xi32, #tpu.memory_space<hbm>>
    %dma_wait3A_214 = arith.constant 4608 : i32
    %dma_wait3A_215 = tpu.memref_slice %arg55[%dma_wait3A_214] : memref<13312xi32, #tpu.memory_space<vmem>> -> memref<512xi32, #tpu.memory_space<vmem>>
    %dma_wait3A_216 = tpu.memref_slice %arg11[%mul3A_2] : memref<16384xi32, #tpu.memory_space<hbm>> -> memref<512xi32, #tpu.memory_space<hbm>>
    tpu.wait_dma2 semaphore(%arg58 : memref<!tpu.dma_semaphore, #tpu.memory_space<semaphore_mem>>) src(%dma_wait3A_216 : memref<512xi32, #tpu.memory_space<hbm>>) dst(%dma_wait3A_215 : memref<512xi32, #tpu.memory_space<vmem>>)
    %dma_wait3A_217 = arith.constant 5120 : i32
    %dma_wait3A_218 = tpu.memref_slice %arg55[%dma_wait3A_217] : memref<13312xi32, #tpu.memory_space<vmem>> -> memref<512xi32, #tpu.memory_space<vmem>>
    %dma_wait3A_219 = tpu.memref_slice %arg12[%mul3A_2] : memref<16384xi32, #tpu.memory_space<hbm>> -> memref<512xi32, #tpu.memory_space<hbm>>
    %dma_wait3A_220 = arith.constant 5120 : i32
    %dma_wait3A_221 = tpu.memref_slice %arg55[%dma_wait3A_220] : memref<13312xi32, #tpu.memory_space<vmem>> -> memref<512xi32, #tpu.memory_space<vmem>>
    %dma_wait3A_222 = tpu.memref_slice %arg12[%mul3A_2] : memref<16384xi32, #tpu.memory_space<hbm>> -> memref<512xi32, #tpu.memory_space<hbm>>
    tpu.wait_dma2 semaphore(%arg58 : memref<!tpu.dma_semaphore, #tpu.memory_space<semaphore_mem>>) src(%dma_wait3A_222 : memref<512xi32, #tpu.memory_space<hbm>>) dst(%dma_wait3A_221 : memref<512xi32, #tpu.memory_space<vmem>>)
    %dma_wait3A_223 = arith.constant 5632 : i32
    %dma_wait3A_224 = tpu.memref_slice %arg55[%dma_wait3A_223] : memref<13312xi32, #tpu.memory_space<vmem>> -> memref<512xi32, #tpu.memory_space<vmem>>
    %dma_wait3A_225 = tpu.memref_slice %arg13[%mul3A_2] : memref<16384xi32, #tpu.memory_space<hbm>> -> memref<512xi32, #tpu.memory_space<hbm>>
    %dma_wait3A_226 = arith.constant 5632 : i32
    %dma_wait3A_227 = tpu.memref_slice %arg55[%dma_wait3A_226] : memref<13312xi32, #tpu.memory_space<vmem>> -> memref<512xi32, #tpu.memory_space<vmem>>
    %dma_wait3A_228 = tpu.memref_slice %arg13[%mul3A_2] : memref<16384xi32, #tpu.memory_space<hbm>> -> memref<512xi32, #tpu.memory_space<hbm>>
    tpu.wait_dma2 semaphore(%arg58 : memref<!tpu.dma_semaphore, #tpu.memory_space<semaphore_mem>>) src(%dma_wait3A_228 : memref<512xi32, #tpu.memory_space<hbm>>) dst(%dma_wait3A_227 : memref<512xi32, #tpu.memory_space<vmem>>)
    %dma_wait3A_229 = arith.constant 6144 : i32
    %dma_wait3A_230 = tpu.memref_slice %arg55[%dma_wait3A_229] : memref<13312xi32, #tpu.memory_space<vmem>> -> memref<512xi32, #tpu.memory_space<vmem>>
    %dma_wait3A_231 = tpu.memref_slice %arg14[%mul3A_2] : memref<16384xi32, #tpu.memory_space<hbm>> -> memref<512xi32, #tpu.memory_space<hbm>>
    %dma_wait3A_232 = arith.constant 6144 : i32
    %dma_wait3A_233 = tpu.memref_slice %arg55[%dma_wait3A_232] : memref<13312xi32, #tpu.memory_space<vmem>> -> memref<512xi32, #tpu.memory_space<vmem>>
    %dma_wait3A_234 = tpu.memref_slice %arg14[%mul3A_2] : memref<16384xi32, #tpu.memory_space<hbm>> -> memref<512xi32, #tpu.memory_space<hbm>>
    tpu.wait_dma2 semaphore(%arg58 : memref<!tpu.dma_semaphore, #tpu.memory_space<semaphore_mem>>) src(%dma_wait3A_234 : memref<512xi32, #tpu.memory_space<hbm>>) dst(%dma_wait3A_233 : memref<512xi32, #tpu.memory_space<vmem>>)
    %dma_wait3A_235 = arith.constant 6656 : i32
    %dma_wait3A_236 = tpu.memref_slice %arg55[%dma_wait3A_235] : memref<13312xi32, #tpu.memory_space<vmem>> -> memref<512xi32, #tpu.memory_space<vmem>>
    %dma_wait3A_237 = tpu.memref_slice %arg15[%mul3A_2] : memref<16384xi32, #tpu.memory_space<hbm>> -> memref<512xi32, #tpu.memory_space<hbm>>
    %dma_wait3A_238 = arith.constant 6656 : i32
    %dma_wait3A_239 = tpu.memref_slice %arg55[%dma_wait3A_238] : memref<13312xi32, #tpu.memory_space<vmem>> -> memref<512xi32, #tpu.memory_space<vmem>>
    %dma_wait3A_240 = tpu.memref_slice %arg15[%mul3A_2] : memref<16384xi32, #tpu.memory_space<hbm>> -> memref<512xi32, #tpu.memory_space<hbm>>
    tpu.wait_dma2 semaphore(%arg58 : memref<!tpu.dma_semaphore, #tpu.memory_space<semaphore_mem>>) src(%dma_wait3A_240 : memref<512xi32, #tpu.memory_space<hbm>>) dst(%dma_wait3A_239 : memref<512xi32, #tpu.memory_space<vmem>>)
    %dma_wait3A_241 = arith.constant 7168 : i32
    %dma_wait3A_242 = tpu.memref_slice %arg55[%dma_wait3A_241] : memref<13312xi32, #tpu.memory_space<vmem>> -> memref<512xi32, #tpu.memory_space<vmem>>
    %dma_wait3A_243 = tpu.memref_slice %arg16[%mul3A_2] : memref<16384xi32, #tpu.memory_space<hbm>> -> memref<512xi32, #tpu.memory_space<hbm>>
    %dma_wait3A_244 = arith.constant 7168 : i32
    %dma_wait3A_245 = tpu.memref_slice %arg55[%dma_wait3A_244] : memref<13312xi32, #tpu.memory_space<vmem>> -> memref<512xi32, #tpu.memory_space<vmem>>
    %dma_wait3A_246 = tpu.memref_slice %arg16[%mul3A_2] : memref<16384xi32, #tpu.memory_space<hbm>> -> memref<512xi32, #tpu.memory_space<hbm>>
    tpu.wait_dma2 semaphore(%arg58 : memref<!tpu.dma_semaphore, #tpu.memory_space<semaphore_mem>>) src(%dma_wait3A_246 : memref<512xi32, #tpu.memory_space<hbm>>) dst(%dma_wait3A_245 : memref<512xi32, #tpu.memory_space<vmem>>)
    %dma_wait3A_247 = arith.constant 7680 : i32
    %dma_wait3A_248 = tpu.memref_slice %arg55[%dma_wait3A_247] : memref<13312xi32, #tpu.memory_space<vmem>> -> memref<512xi32, #tpu.memory_space<vmem>>
    %dma_wait3A_249 = tpu.memref_slice %arg17[%mul3A_2] : memref<16384xi32, #tpu.memory_space<hbm>> -> memref<512xi32, #tpu.memory_space<hbm>>
    %dma_wait3A_250 = arith.constant 7680 : i32
    %dma_wait3A_251 = tpu.memref_slice %arg55[%dma_wait3A_250] : memref<13312xi32, #tpu.memory_space<vmem>> -> memref<512xi32, #tpu.memory_space<vmem>>
    %dma_wait3A_252 = tpu.memref_slice %arg17[%mul3A_2] : memref<16384xi32, #tpu.memory_space<hbm>> -> memref<512xi32, #tpu.memory_space<hbm>>
    tpu.wait_dma2 semaphore(%arg58 : memref<!tpu.dma_semaphore, #tpu.memory_space<semaphore_mem>>) src(%dma_wait3A_252 : memref<512xi32, #tpu.memory_space<hbm>>) dst(%dma_wait3A_251 : memref<512xi32, #tpu.memory_space<vmem>>)
    %dma_wait3A_253 = arith.constant 8192 : i32
    %dma_wait3A_254 = tpu.memref_slice %arg55[%dma_wait3A_253] : memref<13312xi32, #tpu.memory_space<vmem>> -> memref<512xi32, #tpu.memory_space<vmem>>
    %dma_wait3A_255 = tpu.memref_slice %arg18[%mul3A_2] : memref<16384xi32, #tpu.memory_space<hbm>> -> memref<512xi32, #tpu.memory_space<hbm>>
    %dma_wait3A_256 = arith.constant 8192 : i32
    %dma_wait3A_257 = tpu.memref_slice %arg55[%dma_wait3A_256] : memref<13312xi32, #tpu.memory_space<vmem>> -> memref<512xi32, #tpu.memory_space<vmem>>
    %dma_wait3A_258 = tpu.memref_slice %arg18[%mul3A_2] : memref<16384xi32, #tpu.memory_space<hbm>> -> memref<512xi32, #tpu.memory_space<hbm>>
    tpu.wait_dma2 semaphore(%arg58 : memref<!tpu.dma_semaphore, #tpu.memory_space<semaphore_mem>>) src(%dma_wait3A_258 : memref<512xi32, #tpu.memory_space<hbm>>) dst(%dma_wait3A_257 : memref<512xi32, #tpu.memory_space<vmem>>)
    %dma_wait3A_259 = arith.constant 8704 : i32
    %dma_wait3A_260 = tpu.memref_slice %arg55[%dma_wait3A_259] : memref<13312xi32, #tpu.memory_space<vmem>> -> memref<512xi32, #tpu.memory_space<vmem>>
    %dma_wait3A_261 = tpu.memref_slice %arg19[%mul3A_2] : memref<16384xi32, #tpu.memory_space<hbm>> -> memref<512xi32, #tpu.memory_space<hbm>>
    %dma_wait3A_262 = arith.constant 8704 : i32
    %dma_wait3A_263 = tpu.memref_slice %arg55[%dma_wait3A_262] : memref<13312xi32, #tpu.memory_space<vmem>> -> memref<512xi32, #tpu.memory_space<vmem>>
    %dma_wait3A_264 = tpu.memref_slice %arg19[%mul3A_2] : memref<16384xi32, #tpu.memory_space<hbm>> -> memref<512xi32, #tpu.memory_space<hbm>>
    tpu.wait_dma2 semaphore(%arg58 : memref<!tpu.dma_semaphore, #tpu.memory_space<semaphore_mem>>) src(%dma_wait3A_264 : memref<512xi32, #tpu.memory_space<hbm>>) dst(%dma_wait3A_263 : memref<512xi32, #tpu.memory_space<vmem>>)
    %dma_wait3A_265 = arith.constant 9216 : i32
    %dma_wait3A_266 = tpu.memref_slice %arg55[%dma_wait3A_265] : memref<13312xi32, #tpu.memory_space<vmem>> -> memref<512xi32, #tpu.memory_space<vmem>>
    %dma_wait3A_267 = tpu.memref_slice %arg20[%mul3A_2] : memref<16384xi32, #tpu.memory_space<hbm>> -> memref<512xi32, #tpu.memory_space<hbm>>
    %dma_wait3A_268 = arith.constant 9216 : i32
    %dma_wait3A_269 = tpu.memref_slice %arg55[%dma_wait3A_268] : memref<13312xi32, #tpu.memory_space<vmem>> -> memref<512xi32, #tpu.memory_space<vmem>>
    %dma_wait3A_270 = tpu.memref_slice %arg20[%mul3A_2] : memref<16384xi32, #tpu.memory_space<hbm>> -> memref<512xi32, #tpu.memory_space<hbm>>
    tpu.wait_dma2 semaphore(%arg58 : memref<!tpu.dma_semaphore, #tpu.memory_space<semaphore_mem>>) src(%dma_wait3A_270 : memref<512xi32, #tpu.memory_space<hbm>>) dst(%dma_wait3A_269 : memref<512xi32, #tpu.memory_space<vmem>>)
    %dma_wait3A_271 = arith.constant 9728 : i32
    %dma_wait3A_272 = tpu.memref_slice %arg55[%dma_wait3A_271] : memref<13312xi32, #tpu.memory_space<vmem>> -> memref<512xi32, #tpu.memory_space<vmem>>
    %dma_wait3A_273 = tpu.memref_slice %arg21[%mul3A_2] : memref<16384xi32, #tpu.memory_space<hbm>> -> memref<512xi32, #tpu.memory_space<hbm>>
    %dma_wait3A_274 = arith.constant 9728 : i32
    %dma_wait3A_275 = tpu.memref_slice %arg55[%dma_wait3A_274] : memref<13312xi32, #tpu.memory_space<vmem>> -> memref<512xi32, #tpu.memory_space<vmem>>
    %dma_wait3A_276 = tpu.memref_slice %arg21[%mul3A_2] : memref<16384xi32, #tpu.memory_space<hbm>> -> memref<512xi32, #tpu.memory_space<hbm>>
    tpu.wait_dma2 semaphore(%arg58 : memref<!tpu.dma_semaphore, #tpu.memory_space<semaphore_mem>>) src(%dma_wait3A_276 : memref<512xi32, #tpu.memory_space<hbm>>) dst(%dma_wait3A_275 : memref<512xi32, #tpu.memory_space<vmem>>)
    %dma_wait3A_277 = arith.constant 10240 : i32
    %dma_wait3A_278 = tpu.memref_slice %arg55[%dma_wait3A_277] : memref<13312xi32, #tpu.memory_space<vmem>> -> memref<512xi32, #tpu.memory_space<vmem>>
    %dma_wait3A_279 = tpu.memref_slice %arg22[%mul3A_2] : memref<16384xi32, #tpu.memory_space<hbm>> -> memref<512xi32, #tpu.memory_space<hbm>>
    %dma_wait3A_280 = arith.constant 10240 : i32
    %dma_wait3A_281 = tpu.memref_slice %arg55[%dma_wait3A_280] : memref<13312xi32, #tpu.memory_space<vmem>> -> memref<512xi32, #tpu.memory_space<vmem>>
    %dma_wait3A_282 = tpu.memref_slice %arg22[%mul3A_2] : memref<16384xi32, #tpu.memory_space<hbm>> -> memref<512xi32, #tpu.memory_space<hbm>>
    tpu.wait_dma2 semaphore(%arg58 : memref<!tpu.dma_semaphore, #tpu.memory_space<semaphore_mem>>) src(%dma_wait3A_282 : memref<512xi32, #tpu.memory_space<hbm>>) dst(%dma_wait3A_281 : memref<512xi32, #tpu.memory_space<vmem>>)
    %dma_wait3A_283 = arith.constant 10752 : i32
    %dma_wait3A_284 = tpu.memref_slice %arg55[%dma_wait3A_283] : memref<13312xi32, #tpu.memory_space<vmem>> -> memref<512xi32, #tpu.memory_space<vmem>>
    %dma_wait3A_285 = tpu.memref_slice %arg23[%mul3A_2] : memref<16384xi32, #tpu.memory_space<hbm>> -> memref<512xi32, #tpu.memory_space<hbm>>
    %dma_wait3A_286 = arith.constant 10752 : i32
    %dma_wait3A_287 = tpu.memref_slice %arg55[%dma_wait3A_286] : memref<13312xi32, #tpu.memory_space<vmem>> -> memref<512xi32, #tpu.memory_space<vmem>>
    %dma_wait3A_288 = tpu.memref_slice %arg23[%mul3A_2] : memref<16384xi32, #tpu.memory_space<hbm>> -> memref<512xi32, #tpu.memory_space<hbm>>
    tpu.wait_dma2 semaphore(%arg58 : memref<!tpu.dma_semaphore, #tpu.memory_space<semaphore_mem>>) src(%dma_wait3A_288 : memref<512xi32, #tpu.memory_space<hbm>>) dst(%dma_wait3A_287 : memref<512xi32, #tpu.memory_space<vmem>>)
    %dma_wait3A_289 = arith.constant 11264 : i32
    %dma_wait3A_290 = tpu.memref_slice %arg55[%dma_wait3A_289] : memref<13312xi32, #tpu.memory_space<vmem>> -> memref<512xi32, #tpu.memory_space<vmem>>
    %dma_wait3A_291 = tpu.memref_slice %arg24[%mul3A_2] : memref<16384xi32, #tpu.memory_space<hbm>> -> memref<512xi32, #tpu.memory_space<hbm>>
    %dma_wait3A_292 = arith.constant 11264 : i32
    %dma_wait3A_293 = tpu.memref_slice %arg55[%dma_wait3A_292] : memref<13312xi32, #tpu.memory_space<vmem>> -> memref<512xi32, #tpu.memory_space<vmem>>
    %dma_wait3A_294 = tpu.memref_slice %arg24[%mul3A_2] : memref<16384xi32, #tpu.memory_space<hbm>> -> memref<512xi32, #tpu.memory_space<hbm>>
    tpu.wait_dma2 semaphore(%arg58 : memref<!tpu.dma_semaphore, #tpu.memory_space<semaphore_mem>>) src(%dma_wait3A_294 : memref<512xi32, #tpu.memory_space<hbm>>) dst(%dma_wait3A_293 : memref<512xi32, #tpu.memory_space<vmem>>)
    %dma_wait3A_295 = arith.constant 11776 : i32
    %dma_wait3A_296 = tpu.memref_slice %arg55[%dma_wait3A_295] : memref<13312xi32, #tpu.memory_space<vmem>> -> memref<512xi32, #tpu.memory_space<vmem>>
    %dma_wait3A_297 = tpu.memref_slice %arg25[%mul3A_2] : memref<16384xi32, #tpu.memory_space<hbm>> -> memref<512xi32, #tpu.memory_space<hbm>>
    %dma_wait3A_298 = arith.constant 11776 : i32
    %dma_wait3A_299 = tpu.memref_slice %arg55[%dma_wait3A_298] : memref<13312xi32, #tpu.memory_space<vmem>> -> memref<512xi32, #tpu.memory_space<vmem>>
    %dma_wait3A_300 = tpu.memref_slice %arg25[%mul3A_2] : memref<16384xi32, #tpu.memory_space<hbm>> -> memref<512xi32, #tpu.memory_space<hbm>>
    tpu.wait_dma2 semaphore(%arg58 : memref<!tpu.dma_semaphore, #tpu.memory_space<semaphore_mem>>) src(%dma_wait3A_300 : memref<512xi32, #tpu.memory_space<hbm>>) dst(%dma_wait3A_299 : memref<512xi32, #tpu.memory_space<vmem>>)
    %dma_wait3A_301 = arith.constant 12288 : i32
    %dma_wait3A_302 = tpu.memref_slice %arg55[%dma_wait3A_301] : memref<13312xi32, #tpu.memory_space<vmem>> -> memref<512xi32, #tpu.memory_space<vmem>>
    %dma_wait3A_303 = tpu.memref_slice %arg26[%mul3A_2] : memref<16384xi32, #tpu.memory_space<hbm>> -> memref<512xi32, #tpu.memory_space<hbm>>
    %dma_wait3A_304 = arith.constant 12288 : i32
    %dma_wait3A_305 = tpu.memref_slice %arg55[%dma_wait3A_304] : memref<13312xi32, #tpu.memory_space<vmem>> -> memref<512xi32, #tpu.memory_space<vmem>>
    %dma_wait3A_306 = tpu.memref_slice %arg26[%mul3A_2] : memref<16384xi32, #tpu.memory_space<hbm>> -> memref<512xi32, #tpu.memory_space<hbm>>
    tpu.wait_dma2 semaphore(%arg58 : memref<!tpu.dma_semaphore, #tpu.memory_space<semaphore_mem>>) src(%dma_wait3A_306 : memref<512xi32, #tpu.memory_space<hbm>>) dst(%dma_wait3A_305 : memref<512xi32, #tpu.memory_space<vmem>>)
    %dma_wait3A_307 = arith.constant 12800 : i32
    %dma_wait3A_308 = tpu.memref_slice %arg55[%dma_wait3A_307] : memref<13312xi32, #tpu.memory_space<vmem>> -> memref<512xi32, #tpu.memory_space<vmem>>
    %dma_wait3A_309 = tpu.memref_slice %arg27[%mul3A_2] : memref<16384xi32, #tpu.memory_space<hbm>> -> memref<512xi32, #tpu.memory_space<hbm>>
    %dma_wait3A_310 = arith.constant 12800 : i32
    %dma_wait3A_311 = tpu.memref_slice %arg55[%dma_wait3A_310] : memref<13312xi32, #tpu.memory_space<vmem>> -> memref<512xi32, #tpu.memory_space<vmem>>
    %dma_wait3A_312 = tpu.memref_slice %arg27[%mul3A_2] : memref<16384xi32, #tpu.memory_space<hbm>> -> memref<512xi32, #tpu.memory_space<hbm>>
    tpu.wait_dma2 semaphore(%arg58 : memref<!tpu.dma_semaphore, #tpu.memory_space<semaphore_mem>>) src(%dma_wait3A_312 : memref<512xi32, #tpu.memory_space<hbm>>) dst(%dma_wait3A_311 : memref<512xi32, #tpu.memory_space<vmem>>)
    %dma_start3A_313 = arith.constant 0 : i32
    %dma_start3A_314 = arith.constant 0 : i32
    %dma_start3A_315 = tpu.memref_slice %arg56[%dma_start3A_314] : memref<13312xf32, #tpu.memory_space<vmem>> -> memref<512xf32, #tpu.memory_space<vmem>>
    %dma_start3A_316 = arith.constant 0 : i32
    %dma_start3A_317 = tpu.memref_slice %arg55[%dma_start3A_316] : memref<13312xi32, #tpu.memory_space<vmem>> -> memref<512xi32, #tpu.memory_space<vmem>>
    %dma_start3A_318 = arith.constant 0 : i32
    %dma_start3A_319 = tpu.memref_slice %arg28[%dma_start3A_313, %dma_start3A_318] : memref<1x100000xf32, #tpu.memory_space<hbm>> -> memref<1x100000xf32, #tpu.memory_space<hbm>>
    %dma_start3A_320 = tpu.memref_squeeze %dma_start3A_319 : memref<1x100000xf32, #tpu.memory_space<hbm>> -> memref<100000xf32, #tpu.memory_space<hbm>>
    %dma_start3A_321 = arith.constant 0 : i32
    %dma_start3A_322 = tpu.memref_slice %dma_start3A_320[%dma_start3A_321] : memref<100000xf32, #tpu.memory_space<hbm>> -> memref<100000xf32, #tpu.memory_space<hbm>>
    tpu.enqueue_indirect_dma source(%dma_start3A_322 : memref<100000xf32, #tpu.memory_space<hbm>>) target(%dma_start3A_315 : memref<512xf32, #tpu.memory_space<vmem>>) offsets(%dma_start3A_317 : memref<512xi32, #tpu.memory_space<vmem>>) semaphore(%arg58 : memref<!tpu.dma_semaphore, #tpu.memory_space<semaphore_mem>>)
    %dma_start3A_323 = arith.constant 0 : i32
    %dma_start3A_324 = arith.constant 512 : i32
    %dma_start3A_325 = tpu.memref_slice %arg56[%dma_start3A_324] : memref<13312xf32, #tpu.memory_space<vmem>> -> memref<512xf32, #tpu.memory_space<vmem>>
    %dma_start3A_326 = arith.constant 512 : i32
    %dma_start3A_327 = tpu.memref_slice %arg55[%dma_start3A_326] : memref<13312xi32, #tpu.memory_space<vmem>> -> memref<512xi32, #tpu.memory_space<vmem>>
    %dma_start3A_328 = arith.constant 0 : i32
    %dma_start3A_329 = tpu.memref_slice %arg29[%dma_start3A_323, %dma_start3A_328] : memref<1x100000xf32, #tpu.memory_space<hbm>> -> memref<1x100000xf32, #tpu.memory_space<hbm>>
    %dma_start3A_330 = tpu.memref_squeeze %dma_start3A_329 : memref<1x100000xf32, #tpu.memory_space<hbm>> -> memref<100000xf32, #tpu.memory_space<hbm>>
    %dma_start3A_331 = arith.constant 0 : i32
    %dma_start3A_332 = tpu.memref_slice %dma_start3A_330[%dma_start3A_331] : memref<100000xf32, #tpu.memory_space<hbm>> -> memref<100000xf32, #tpu.memory_space<hbm>>
    tpu.enqueue_indirect_dma source(%dma_start3A_332 : memref<100000xf32, #tpu.memory_space<hbm>>) target(%dma_start3A_325 : memref<512xf32, #tpu.memory_space<vmem>>) offsets(%dma_start3A_327 : memref<512xi32, #tpu.memory_space<vmem>>) semaphore(%arg58 : memref<!tpu.dma_semaphore, #tpu.memory_space<semaphore_mem>>)
    %dma_start3A_333 = arith.constant 0 : i32
    %dma_start3A_334 = arith.constant 1024 : i32
    %dma_start3A_335 = tpu.memref_slice %arg56[%dma_start3A_334] : memref<13312xf32, #tpu.memory_space<vmem>> -> memref<512xf32, #tpu.memory_space<vmem>>
    %dma_start3A_336 = arith.constant 1024 : i32
    %dma_start3A_337 = tpu.memref_slice %arg55[%dma_start3A_336] : memref<13312xi32, #tpu.memory_space<vmem>> -> memref<512xi32, #tpu.memory_space<vmem>>
    %dma_start3A_338 = arith.constant 0 : i32
    %dma_start3A_339 = tpu.memref_slice %arg30[%dma_start3A_333, %dma_start3A_338] : memref<1x100000xf32, #tpu.memory_space<hbm>> -> memref<1x100000xf32, #tpu.memory_space<hbm>>
    %dma_start3A_340 = tpu.memref_squeeze %dma_start3A_339 : memref<1x100000xf32, #tpu.memory_space<hbm>> -> memref<100000xf32, #tpu.memory_space<hbm>>
    %dma_start3A_341 = arith.constant 0 : i32
    %dma_start3A_342 = tpu.memref_slice %dma_start3A_340[%dma_start3A_341] : memref<100000xf32, #tpu.memory_space<hbm>> -> memref<100000xf32, #tpu.memory_space<hbm>>
    tpu.enqueue_indirect_dma source(%dma_start3A_342 : memref<100000xf32, #tpu.memory_space<hbm>>) target(%dma_start3A_335 : memref<512xf32, #tpu.memory_space<vmem>>) offsets(%dma_start3A_337 : memref<512xi32, #tpu.memory_space<vmem>>) semaphore(%arg58 : memref<!tpu.dma_semaphore, #tpu.memory_space<semaphore_mem>>)
    %dma_start3A_343 = arith.constant 0 : i32
    %dma_start3A_344 = arith.constant 1536 : i32
    %dma_start3A_345 = tpu.memref_slice %arg56[%dma_start3A_344] : memref<13312xf32, #tpu.memory_space<vmem>> -> memref<512xf32, #tpu.memory_space<vmem>>
    %dma_start3A_346 = arith.constant 1536 : i32
    %dma_start3A_347 = tpu.memref_slice %arg55[%dma_start3A_346] : memref<13312xi32, #tpu.memory_space<vmem>> -> memref<512xi32, #tpu.memory_space<vmem>>
    %dma_start3A_348 = arith.constant 0 : i32
    %dma_start3A_349 = tpu.memref_slice %arg31[%dma_start3A_343, %dma_start3A_348] : memref<1x100000xf32, #tpu.memory_space<hbm>> -> memref<1x100000xf32, #tpu.memory_space<hbm>>
    %dma_start3A_350 = tpu.memref_squeeze %dma_start3A_349 : memref<1x100000xf32, #tpu.memory_space<hbm>> -> memref<100000xf32, #tpu.memory_space<hbm>>
    %dma_start3A_351 = arith.constant 0 : i32
    %dma_start3A_352 = tpu.memref_slice %dma_start3A_350[%dma_start3A_351] : memref<100000xf32, #tpu.memory_space<hbm>> -> memref<100000xf32, #tpu.memory_space<hbm>>
    tpu.enqueue_indirect_dma source(%dma_start3A_352 : memref<100000xf32, #tpu.memory_space<hbm>>) target(%dma_start3A_345 : memref<512xf32, #tpu.memory_space<vmem>>) offsets(%dma_start3A_347 : memref<512xi32, #tpu.memory_space<vmem>>) semaphore(%arg58 : memref<!tpu.dma_semaphore, #tpu.memory_space<semaphore_mem>>)
    %dma_start3A_353 = arith.constant 0 : i32
    %dma_start3A_354 = arith.constant 2048 : i32
    %dma_start3A_355 = tpu.memref_slice %arg56[%dma_start3A_354] : memref<13312xf32, #tpu.memory_space<vmem>> -> memref<512xf32, #tpu.memory_space<vmem>>
    %dma_start3A_356 = arith.constant 2048 : i32
    %dma_start3A_357 = tpu.memref_slice %arg55[%dma_start3A_356] : memref<13312xi32, #tpu.memory_space<vmem>> -> memref<512xi32, #tpu.memory_space<vmem>>
    %dma_start3A_358 = arith.constant 0 : i32
    %dma_start3A_359 = tpu.memref_slice %arg32[%dma_start3A_353, %dma_start3A_358] : memref<1x100000xf32, #tpu.memory_space<hbm>> -> memref<1x100000xf32, #tpu.memory_space<hbm>>
    %dma_start3A_360 = tpu.memref_squeeze %dma_start3A_359 : memref<1x100000xf32, #tpu.memory_space<hbm>> -> memref<100000xf32, #tpu.memory_space<hbm>>
    %dma_start3A_361 = arith.constant 0 : i32
    %dma_start3A_362 = tpu.memref_slice %dma_start3A_360[%dma_start3A_361] : memref<100000xf32, #tpu.memory_space<hbm>> -> memref<100000xf32, #tpu.memory_space<hbm>>
    tpu.enqueue_indirect_dma source(%dma_start3A_362 : memref<100000xf32, #tpu.memory_space<hbm>>) target(%dma_start3A_355 : memref<512xf32, #tpu.memory_space<vmem>>) offsets(%dma_start3A_357 : memref<512xi32, #tpu.memory_space<vmem>>) semaphore(%arg58 : memref<!tpu.dma_semaphore, #tpu.memory_space<semaphore_mem>>)
    %dma_start3A_363 = arith.constant 0 : i32
    %dma_start3A_364 = arith.constant 2560 : i32
    %dma_start3A_365 = tpu.memref_slice %arg56[%dma_start3A_364] : memref<13312xf32, #tpu.memory_space<vmem>> -> memref<512xf32, #tpu.memory_space<vmem>>
    %dma_start3A_366 = arith.constant 2560 : i32
    %dma_start3A_367 = tpu.memref_slice %arg55[%dma_start3A_366] : memref<13312xi32, #tpu.memory_space<vmem>> -> memref<512xi32, #tpu.memory_space<vmem>>
    %dma_start3A_368 = arith.constant 0 : i32
    %dma_start3A_369 = tpu.memref_slice %arg33[%dma_start3A_363, %dma_start3A_368] : memref<1x100000xf32, #tpu.memory_space<hbm>> -> memref<1x100000xf32, #tpu.memory_space<hbm>>
    %dma_start3A_370 = tpu.memref_squeeze %dma_start3A_369 : memref<1x100000xf32, #tpu.memory_space<hbm>> -> memref<100000xf32, #tpu.memory_space<hbm>>
    %dma_start3A_371 = arith.constant 0 : i32
    %dma_start3A_372 = tpu.memref_slice %dma_start3A_370[%dma_start3A_371] : memref<100000xf32, #tpu.memory_space<hbm>> -> memref<100000xf32, #tpu.memory_space<hbm>>
    tpu.enqueue_indirect_dma source(%dma_start3A_372 : memref<100000xf32, #tpu.memory_space<hbm>>) target(%dma_start3A_365 : memref<512xf32, #tpu.memory_space<vmem>>) offsets(%dma_start3A_367 : memref<512xi32, #tpu.memory_space<vmem>>) semaphore(%arg58 : memref<!tpu.dma_semaphore, #tpu.memory_space<semaphore_mem>>)
    %dma_start3A_373 = arith.constant 0 : i32
    %dma_start3A_374 = arith.constant 3072 : i32
    %dma_start3A_375 = tpu.memref_slice %arg56[%dma_start3A_374] : memref<13312xf32, #tpu.memory_space<vmem>> -> memref<512xf32, #tpu.memory_space<vmem>>
    %dma_start3A_376 = arith.constant 3072 : i32
    %dma_start3A_377 = tpu.memref_slice %arg55[%dma_start3A_376] : memref<13312xi32, #tpu.memory_space<vmem>> -> memref<512xi32, #tpu.memory_space<vmem>>
    %dma_start3A_378 = arith.constant 0 : i32
    %dma_start3A_379 = tpu.memref_slice %arg34[%dma_start3A_373, %dma_start3A_378] : memref<1x100000xf32, #tpu.memory_space<hbm>> -> memref<1x100000xf32, #tpu.memory_space<hbm>>
    %dma_start3A_380 = tpu.memref_squeeze %dma_start3A_379 : memref<1x100000xf32, #tpu.memory_space<hbm>> -> memref<100000xf32, #tpu.memory_space<hbm>>
    %dma_start3A_381 = arith.constant 0 : i32
    %dma_start3A_382 = tpu.memref_slice %dma_start3A_380[%dma_start3A_381] : memref<100000xf32, #tpu.memory_space<hbm>> -> memref<100000xf32, #tpu.memory_space<hbm>>
    tpu.enqueue_indirect_dma source(%dma_start3A_382 : memref<100000xf32, #tpu.memory_space<hbm>>) target(%dma_start3A_375 : memref<512xf32, #tpu.memory_space<vmem>>) offsets(%dma_start3A_377 : memref<512xi32, #tpu.memory_space<vmem>>) semaphore(%arg58 : memref<!tpu.dma_semaphore, #tpu.memory_space<semaphore_mem>>)
    %dma_start3A_383 = arith.constant 0 : i32
    %dma_start3A_384 = arith.constant 3584 : i32
    %dma_start3A_385 = tpu.memref_slice %arg56[%dma_start3A_384] : memref<13312xf32, #tpu.memory_space<vmem>> -> memref<512xf32, #tpu.memory_space<vmem>>
    %dma_start3A_386 = arith.constant 3584 : i32
    %dma_start3A_387 = tpu.memref_slice %arg55[%dma_start3A_386] : memref<13312xi32, #tpu.memory_space<vmem>> -> memref<512xi32, #tpu.memory_space<vmem>>
    %dma_start3A_388 = arith.constant 0 : i32
    %dma_start3A_389 = tpu.memref_slice %arg35[%dma_start3A_383, %dma_start3A_388] : memref<1x100000xf32, #tpu.memory_space<hbm>> -> memref<1x100000xf32, #tpu.memory_space<hbm>>
    %dma_start3A_390 = tpu.memref_squeeze %dma_start3A_389 : memref<1x100000xf32, #tpu.memory_space<hbm>> -> memref<100000xf32, #tpu.memory_space<hbm>>
    %dma_start3A_391 = arith.constant 0 : i32
    %dma_start3A_392 = tpu.memref_slice %dma_start3A_390[%dma_start3A_391] : memref<100000xf32, #tpu.memory_space<hbm>> -> memref<100000xf32, #tpu.memory_space<hbm>>
    tpu.enqueue_indirect_dma source(%dma_start3A_392 : memref<100000xf32, #tpu.memory_space<hbm>>) target(%dma_start3A_385 : memref<512xf32, #tpu.memory_space<vmem>>) offsets(%dma_start3A_387 : memref<512xi32, #tpu.memory_space<vmem>>) semaphore(%arg58 : memref<!tpu.dma_semaphore, #tpu.memory_space<semaphore_mem>>)
    %dma_start3A_393 = arith.constant 0 : i32
    %dma_start3A_394 = arith.constant 4096 : i32
    %dma_start3A_395 = tpu.memref_slice %arg56[%dma_start3A_394] : memref<13312xf32, #tpu.memory_space<vmem>> -> memref<512xf32, #tpu.memory_space<vmem>>
    %dma_start3A_396 = arith.constant 4096 : i32
    %dma_start3A_397 = tpu.memref_slice %arg55[%dma_start3A_396] : memref<13312xi32, #tpu.memory_space<vmem>> -> memref<512xi32, #tpu.memory_space<vmem>>
    %dma_start3A_398 = arith.constant 0 : i32
    %dma_start3A_399 = tpu.memref_slice %arg36[%dma_start3A_393, %dma_start3A_398] : memref<1x100000xf32, #tpu.memory_space<hbm>> -> memref<1x100000xf32, #tpu.memory_space<hbm>>
    %dma_start3A_400 = tpu.memref_squeeze %dma_start3A_399 : memref<1x100000xf32, #tpu.memory_space<hbm>> -> memref<100000xf32, #tpu.memory_space<hbm>>
    %dma_start3A_401 = arith.constant 0 : i32
    %dma_start3A_402 = tpu.memref_slice %dma_start3A_400[%dma_start3A_401] : memref<100000xf32, #tpu.memory_space<hbm>> -> memref<100000xf32, #tpu.memory_space<hbm>>
    tpu.enqueue_indirect_dma source(%dma_start3A_402 : memref<100000xf32, #tpu.memory_space<hbm>>) target(%dma_start3A_395 : memref<512xf32, #tpu.memory_space<vmem>>) offsets(%dma_start3A_397 : memref<512xi32, #tpu.memory_space<vmem>>) semaphore(%arg58 : memref<!tpu.dma_semaphore, #tpu.memory_space<semaphore_mem>>)
    %dma_start3A_403 = arith.constant 0 : i32
    %dma_start3A_404 = arith.constant 4608 : i32
    %dma_start3A_405 = tpu.memref_slice %arg56[%dma_start3A_404] : memref<13312xf32, #tpu.memory_space<vmem>> -> memref<512xf32, #tpu.memory_space<vmem>>
    %dma_start3A_406 = arith.constant 4608 : i32
    %dma_start3A_407 = tpu.memref_slice %arg55[%dma_start3A_406] : memref<13312xi32, #tpu.memory_space<vmem>> -> memref<512xi32, #tpu.memory_space<vmem>>
    %dma_start3A_408 = arith.constant 0 : i32
    %dma_start3A_409 = tpu.memref_slice %arg37[%dma_start3A_403, %dma_start3A_408] : memref<1x100000xf32, #tpu.memory_space<hbm>> -> memref<1x100000xf32, #tpu.memory_space<hbm>>
    %dma_start3A_410 = tpu.memref_squeeze %dma_start3A_409 : memref<1x100000xf32, #tpu.memory_space<hbm>> -> memref<100000xf32, #tpu.memory_space<hbm>>
    %dma_start3A_411 = arith.constant 0 : i32
    %dma_start3A_412 = tpu.memref_slice %dma_start3A_410[%dma_start3A_411] : memref<100000xf32, #tpu.memory_space<hbm>> -> memref<100000xf32, #tpu.memory_space<hbm>>
    tpu.enqueue_indirect_dma source(%dma_start3A_412 : memref<100000xf32, #tpu.memory_space<hbm>>) target(%dma_start3A_405 : memref<512xf32, #tpu.memory_space<vmem>>) offsets(%dma_start3A_407 : memref<512xi32, #tpu.memory_space<vmem>>) semaphore(%arg58 : memref<!tpu.dma_semaphore, #tpu.memory_space<semaphore_mem>>)
    %dma_start3A_413 = arith.constant 0 : i32
    %dma_start3A_414 = arith.constant 5120 : i32
    %dma_start3A_415 = tpu.memref_slice %arg56[%dma_start3A_414] : memref<13312xf32, #tpu.memory_space<vmem>> -> memref<512xf32, #tpu.memory_space<vmem>>
    %dma_start3A_416 = arith.constant 5120 : i32
    %dma_start3A_417 = tpu.memref_slice %arg55[%dma_start3A_416] : memref<13312xi32, #tpu.memory_space<vmem>> -> memref<512xi32, #tpu.memory_space<vmem>>
    %dma_start3A_418 = arith.constant 0 : i32
    %dma_start3A_419 = tpu.memref_slice %arg38[%dma_start3A_413, %dma_start3A_418] : memref<1x100000xf32, #tpu.memory_space<hbm>> -> memref<1x100000xf32, #tpu.memory_space<hbm>>
    %dma_start3A_420 = tpu.memref_squeeze %dma_start3A_419 : memref<1x100000xf32, #tpu.memory_space<hbm>> -> memref<100000xf32, #tpu.memory_space<hbm>>
    %dma_start3A_421 = arith.constant 0 : i32
    %dma_start3A_422 = tpu.memref_slice %dma_start3A_420[%dma_start3A_421] : memref<100000xf32, #tpu.memory_space<hbm>> -> memref<100000xf32, #tpu.memory_space<hbm>>
    tpu.enqueue_indirect_dma source(%dma_start3A_422 : memref<100000xf32, #tpu.memory_space<hbm>>) target(%dma_start3A_415 : memref<512xf32, #tpu.memory_space<vmem>>) offsets(%dma_start3A_417 : memref<512xi32, #tpu.memory_space<vmem>>) semaphore(%arg58 : memref<!tpu.dma_semaphore, #tpu.memory_space<semaphore_mem>>)
    %dma_start3A_423 = arith.constant 0 : i32
    %dma_start3A_424 = arith.constant 5632 : i32
    %dma_start3A_425 = tpu.memref_slice %arg56[%dma_start3A_424] : memref<13312xf32, #tpu.memory_space<vmem>> -> memref<512xf32, #tpu.memory_space<vmem>>
    %dma_start3A_426 = arith.constant 5632 : i32
    %dma_start3A_427 = tpu.memref_slice %arg55[%dma_start3A_426] : memref<13312xi32, #tpu.memory_space<vmem>> -> memref<512xi32, #tpu.memory_space<vmem>>
    %dma_start3A_428 = arith.constant 0 : i32
    %dma_start3A_429 = tpu.memref_slice %arg39[%dma_start3A_423, %dma_start3A_428] : memref<1x100000xf32, #tpu.memory_space<hbm>> -> memref<1x100000xf32, #tpu.memory_space<hbm>>
    %dma_start3A_430 = tpu.memref_squeeze %dma_start3A_429 : memref<1x100000xf32, #tpu.memory_space<hbm>> -> memref<100000xf32, #tpu.memory_space<hbm>>
    %dma_start3A_431 = arith.constant 0 : i32
    %dma_start3A_432 = tpu.memref_slice %dma_start3A_430[%dma_start3A_431] : memref<100000xf32, #tpu.memory_space<hbm>> -> memref<100000xf32, #tpu.memory_space<hbm>>
    tpu.enqueue_indirect_dma source(%dma_start3A_432 : memref<100000xf32, #tpu.memory_space<hbm>>) target(%dma_start3A_425 : memref<512xf32, #tpu.memory_space<vmem>>) offsets(%dma_start3A_427 : memref<512xi32, #tpu.memory_space<vmem>>) semaphore(%arg58 : memref<!tpu.dma_semaphore, #tpu.memory_space<semaphore_mem>>)
    %dma_start3A_433 = arith.constant 0 : i32
    %dma_start3A_434 = arith.constant 6144 : i32
    %dma_start3A_435 = tpu.memref_slice %arg56[%dma_start3A_434] : memref<13312xf32, #tpu.memory_space<vmem>> -> memref<512xf32, #tpu.memory_space<vmem>>
    %dma_start3A_436 = arith.constant 6144 : i32
    %dma_start3A_437 = tpu.memref_slice %arg55[%dma_start3A_436] : memref<13312xi32, #tpu.memory_space<vmem>> -> memref<512xi32, #tpu.memory_space<vmem>>
    %dma_start3A_438 = arith.constant 0 : i32
    %dma_start3A_439 = tpu.memref_slice %arg40[%dma_start3A_433, %dma_start3A_438] : memref<1x100000xf32, #tpu.memory_space<hbm>> -> memref<1x100000xf32, #tpu.memory_space<hbm>>
    %dma_start3A_440 = tpu.memref_squeeze %dma_start3A_439 : memref<1x100000xf32, #tpu.memory_space<hbm>> -> memref<100000xf32, #tpu.memory_space<hbm>>
    %dma_start3A_441 = arith.constant 0 : i32
    %dma_start3A_442 = tpu.memref_slice %dma_start3A_440[%dma_start3A_441] : memref<100000xf32, #tpu.memory_space<hbm>> -> memref<100000xf32, #tpu.memory_space<hbm>>
    tpu.enqueue_indirect_dma source(%dma_start3A_442 : memref<100000xf32, #tpu.memory_space<hbm>>) target(%dma_start3A_435 : memref<512xf32, #tpu.memory_space<vmem>>) offsets(%dma_start3A_437 : memref<512xi32, #tpu.memory_space<vmem>>) semaphore(%arg58 : memref<!tpu.dma_semaphore, #tpu.memory_space<semaphore_mem>>)
    %dma_start3A_443 = arith.constant 0 : i32
    %dma_start3A_444 = arith.constant 6656 : i32
    %dma_start3A_445 = tpu.memref_slice %arg56[%dma_start3A_444] : memref<13312xf32, #tpu.memory_space<vmem>> -> memref<512xf32, #tpu.memory_space<vmem>>
    %dma_start3A_446 = arith.constant 6656 : i32
    %dma_start3A_447 = tpu.memref_slice %arg55[%dma_start3A_446] : memref<13312xi32, #tpu.memory_space<vmem>> -> memref<512xi32, #tpu.memory_space<vmem>>
    %dma_start3A_448 = arith.constant 0 : i32
    %dma_start3A_449 = tpu.memref_slice %arg41[%dma_start3A_443, %dma_start3A_448] : memref<1x100000xf32, #tpu.memory_space<hbm>> -> memref<1x100000xf32, #tpu.memory_space<hbm>>
    %dma_start3A_450 = tpu.memref_squeeze %dma_start3A_449 : memref<1x100000xf32, #tpu.memory_space<hbm>> -> memref<100000xf32, #tpu.memory_space<hbm>>
    %dma_start3A_451 = arith.constant 0 : i32
    %dma_start3A_452 = tpu.memref_slice %dma_start3A_450[%dma_start3A_451] : memref<100000xf32, #tpu.memory_space<hbm>> -> memref<100000xf32, #tpu.memory_space<hbm>>
    tpu.enqueue_indirect_dma source(%dma_start3A_452 : memref<100000xf32, #tpu.memory_space<hbm>>) target(%dma_start3A_445 : memref<512xf32, #tpu.memory_space<vmem>>) offsets(%dma_start3A_447 : memref<512xi32, #tpu.memory_space<vmem>>) semaphore(%arg58 : memref<!tpu.dma_semaphore, #tpu.memory_space<semaphore_mem>>)
    %dma_start3A_453 = arith.constant 0 : i32
    %dma_start3A_454 = arith.constant 7168 : i32
    %dma_start3A_455 = tpu.memref_slice %arg56[%dma_start3A_454] : memref<13312xf32, #tpu.memory_space<vmem>> -> memref<512xf32, #tpu.memory_space<vmem>>
    %dma_start3A_456 = arith.constant 7168 : i32
    %dma_start3A_457 = tpu.memref_slice %arg55[%dma_start3A_456] : memref<13312xi32, #tpu.memory_space<vmem>> -> memref<512xi32, #tpu.memory_space<vmem>>
    %dma_start3A_458 = arith.constant 0 : i32
    %dma_start3A_459 = tpu.memref_slice %arg42[%dma_start3A_453, %dma_start3A_458] : memref<1x100000xf32, #tpu.memory_space<hbm>> -> memref<1x100000xf32, #tpu.memory_space<hbm>>
    %dma_start3A_460 = tpu.memref_squeeze %dma_start3A_459 : memref<1x100000xf32, #tpu.memory_space<hbm>> -> memref<100000xf32, #tpu.memory_space<hbm>>
    %dma_start3A_461 = arith.constant 0 : i32
    %dma_start3A_462 = tpu.memref_slice %dma_start3A_460[%dma_start3A_461] : memref<100000xf32, #tpu.memory_space<hbm>> -> memref<100000xf32, #tpu.memory_space<hbm>>
    tpu.enqueue_indirect_dma source(%dma_start3A_462 : memref<100000xf32, #tpu.memory_space<hbm>>) target(%dma_start3A_455 : memref<512xf32, #tpu.memory_space<vmem>>) offsets(%dma_start3A_457 : memref<512xi32, #tpu.memory_space<vmem>>) semaphore(%arg58 : memref<!tpu.dma_semaphore, #tpu.memory_space<semaphore_mem>>)
    %dma_start3A_463 = arith.constant 0 : i32
    %dma_start3A_464 = arith.constant 7680 : i32
    %dma_start3A_465 = tpu.memref_slice %arg56[%dma_start3A_464] : memref<13312xf32, #tpu.memory_space<vmem>> -> memref<512xf32, #tpu.memory_space<vmem>>
    %dma_start3A_466 = arith.constant 7680 : i32
    %dma_start3A_467 = tpu.memref_slice %arg55[%dma_start3A_466] : memref<13312xi32, #tpu.memory_space<vmem>> -> memref<512xi32, #tpu.memory_space<vmem>>
    %dma_start3A_468 = arith.constant 0 : i32
    %dma_start3A_469 = tpu.memref_slice %arg43[%dma_start3A_463, %dma_start3A_468] : memref<1x100000xf32, #tpu.memory_space<hbm>> -> memref<1x100000xf32, #tpu.memory_space<hbm>>
    %dma_start3A_470 = tpu.memref_squeeze %dma_start3A_469 : memref<1x100000xf32, #tpu.memory_space<hbm>> -> memref<100000xf32, #tpu.memory_space<hbm>>
    %dma_start3A_471 = arith.constant 0 : i32
    %dma_start3A_472 = tpu.memref_slice %dma_start3A_470[%dma_start3A_471] : memref<100000xf32, #tpu.memory_space<hbm>> -> memref<100000xf32, #tpu.memory_space<hbm>>
    tpu.enqueue_indirect_dma source(%dma_start3A_472 : memref<100000xf32, #tpu.memory_space<hbm>>) target(%dma_start3A_465 : memref<512xf32, #tpu.memory_space<vmem>>) offsets(%dma_start3A_467 : memref<512xi32, #tpu.memory_space<vmem>>) semaphore(%arg58 : memref<!tpu.dma_semaphore, #tpu.memory_space<semaphore_mem>>)
    %dma_start3A_473 = arith.constant 0 : i32
    %dma_start3A_474 = arith.constant 8192 : i32
    %dma_start3A_475 = tpu.memref_slice %arg56[%dma_start3A_474] : memref<13312xf32, #tpu.memory_space<vmem>> -> memref<512xf32, #tpu.memory_space<vmem>>
    %dma_start3A_476 = arith.constant 8192 : i32
    %dma_start3A_477 = tpu.memref_slice %arg55[%dma_start3A_476] : memref<13312xi32, #tpu.memory_space<vmem>> -> memref<512xi32, #tpu.memory_space<vmem>>
    %dma_start3A_478 = arith.constant 0 : i32
    %dma_start3A_479 = tpu.memref_slice %arg44[%dma_start3A_473, %dma_start3A_478] : memref<1x100000xf32, #tpu.memory_space<hbm>> -> memref<1x100000xf32, #tpu.memory_space<hbm>>
    %dma_start3A_480 = tpu.memref_squeeze %dma_start3A_479 : memref<1x100000xf32, #tpu.memory_space<hbm>> -> memref<100000xf32, #tpu.memory_space<hbm>>
    %dma_start3A_481 = arith.constant 0 : i32
    %dma_start3A_482 = tpu.memref_slice %dma_start3A_480[%dma_start3A_481] : memref<100000xf32, #tpu.memory_space<hbm>> -> memref<100000xf32, #tpu.memory_space<hbm>>
    tpu.enqueue_indirect_dma source(%dma_start3A_482 : memref<100000xf32, #tpu.memory_space<hbm>>) target(%dma_start3A_475 : memref<512xf32, #tpu.memory_space<vmem>>) offsets(%dma_start3A_477 : memref<512xi32, #tpu.memory_space<vmem>>) semaphore(%arg58 : memref<!tpu.dma_semaphore, #tpu.memory_space<semaphore_mem>>)
    %dma_start3A_483 = arith.constant 0 : i32
    %dma_start3A_484 = arith.constant 8704 : i32
    %dma_start3A_485 = tpu.memref_slice %arg56[%dma_start3A_484] : memref<13312xf32, #tpu.memory_space<vmem>> -> memref<512xf32, #tpu.memory_space<vmem>>
    %dma_start3A_486 = arith.constant 8704 : i32
    %dma_start3A_487 = tpu.memref_slice %arg55[%dma_start3A_486] : memref<13312xi32, #tpu.memory_space<vmem>> -> memref<512xi32, #tpu.memory_space<vmem>>
    %dma_start3A_488 = arith.constant 0 : i32
    %dma_start3A_489 = tpu.memref_slice %arg45[%dma_start3A_483, %dma_start3A_488] : memref<1x100000xf32, #tpu.memory_space<hbm>> -> memref<1x100000xf32, #tpu.memory_space<hbm>>
    %dma_start3A_490 = tpu.memref_squeeze %dma_start3A_489 : memref<1x100000xf32, #tpu.memory_space<hbm>> -> memref<100000xf32, #tpu.memory_space<hbm>>
    %dma_start3A_491 = arith.constant 0 : i32
    %dma_start3A_492 = tpu.memref_slice %dma_start3A_490[%dma_start3A_491] : memref<100000xf32, #tpu.memory_space<hbm>> -> memref<100000xf32, #tpu.memory_space<hbm>>
    tpu.enqueue_indirect_dma source(%dma_start3A_492 : memref<100000xf32, #tpu.memory_space<hbm>>) target(%dma_start3A_485 : memref<512xf32, #tpu.memory_space<vmem>>) offsets(%dma_start3A_487 : memref<512xi32, #tpu.memory_space<vmem>>) semaphore(%arg58 : memref<!tpu.dma_semaphore, #tpu.memory_space<semaphore_mem>>)
    %dma_start3A_493 = arith.constant 0 : i32
    %dma_start3A_494 = arith.constant 9216 : i32
    %dma_start3A_495 = tpu.memref_slice %arg56[%dma_start3A_494] : memref<13312xf32, #tpu.memory_space<vmem>> -> memref<512xf32, #tpu.memory_space<vmem>>
    %dma_start3A_496 = arith.constant 9216 : i32
    %dma_start3A_497 = tpu.memref_slice %arg55[%dma_start3A_496] : memref<13312xi32, #tpu.memory_space<vmem>> -> memref<512xi32, #tpu.memory_space<vmem>>
    %dma_start3A_498 = arith.constant 0 : i32
    %dma_start3A_499 = tpu.memref_slice %arg46[%dma_start3A_493, %dma_start3A_498] : memref<1x100000xf32, #tpu.memory_space<hbm>> -> memref<1x100000xf32, #tpu.memory_space<hbm>>
    %dma_start3A_500 = tpu.memref_squeeze %dma_start3A_499 : memref<1x100000xf32, #tpu.memory_space<hbm>> -> memref<100000xf32, #tpu.memory_space<hbm>>
    %dma_start3A_501 = arith.constant 0 : i32
    %dma_start3A_502 = tpu.memref_slice %dma_start3A_500[%dma_start3A_501] : memref<100000xf32, #tpu.memory_space<hbm>> -> memref<100000xf32, #tpu.memory_space<hbm>>
    tpu.enqueue_indirect_dma source(%dma_start3A_502 : memref<100000xf32, #tpu.memory_space<hbm>>) target(%dma_start3A_495 : memref<512xf32, #tpu.memory_space<vmem>>) offsets(%dma_start3A_497 : memref<512xi32, #tpu.memory_space<vmem>>) semaphore(%arg58 : memref<!tpu.dma_semaphore, #tpu.memory_space<semaphore_mem>>)
    %dma_start3A_503 = arith.constant 0 : i32
    %dma_start3A_504 = arith.constant 9728 : i32
    %dma_start3A_505 = tpu.memref_slice %arg56[%dma_start3A_504] : memref<13312xf32, #tpu.memory_space<vmem>> -> memref<512xf32, #tpu.memory_space<vmem>>
    %dma_start3A_506 = arith.constant 9728 : i32
    %dma_start3A_507 = tpu.memref_slice %arg55[%dma_start3A_506] : memref<13312xi32, #tpu.memory_space<vmem>> -> memref<512xi32, #tpu.memory_space<vmem>>
    %dma_start3A_508 = arith.constant 0 : i32
    %dma_start3A_509 = tpu.memref_slice %arg47[%dma_start3A_503, %dma_start3A_508] : memref<1x100000xf32, #tpu.memory_space<hbm>> -> memref<1x100000xf32, #tpu.memory_space<hbm>>
    %dma_start3A_510 = tpu.memref_squeeze %dma_start3A_509 : memref<1x100000xf32, #tpu.memory_space<hbm>> -> memref<100000xf32, #tpu.memory_space<hbm>>
    %dma_start3A_511 = arith.constant 0 : i32
    %dma_start3A_512 = tpu.memref_slice %dma_start3A_510[%dma_start3A_511] : memref<100000xf32, #tpu.memory_space<hbm>> -> memref<100000xf32, #tpu.memory_space<hbm>>
    tpu.enqueue_indirect_dma source(%dma_start3A_512 : memref<100000xf32, #tpu.memory_space<hbm>>) target(%dma_start3A_505 : memref<512xf32, #tpu.memory_space<vmem>>) offsets(%dma_start3A_507 : memref<512xi32, #tpu.memory_space<vmem>>) semaphore(%arg58 : memref<!tpu.dma_semaphore, #tpu.memory_space<semaphore_mem>>)
    %dma_start3A_513 = arith.constant 0 : i32
    %dma_start3A_514 = arith.constant 10240 : i32
    %dma_start3A_515 = tpu.memref_slice %arg56[%dma_start3A_514] : memref<13312xf32, #tpu.memory_space<vmem>> -> memref<512xf32, #tpu.memory_space<vmem>>
    %dma_start3A_516 = arith.constant 10240 : i32
    %dma_start3A_517 = tpu.memref_slice %arg55[%dma_start3A_516] : memref<13312xi32, #tpu.memory_space<vmem>> -> memref<512xi32, #tpu.memory_space<vmem>>
    %dma_start3A_518 = arith.constant 0 : i32
    %dma_start3A_519 = tpu.memref_slice %arg48[%dma_start3A_513, %dma_start3A_518] : memref<1x100000xf32, #tpu.memory_space<hbm>> -> memref<1x100000xf32, #tpu.memory_space<hbm>>
    %dma_start3A_520 = tpu.memref_squeeze %dma_start3A_519 : memref<1x100000xf32, #tpu.memory_space<hbm>> -> memref<100000xf32, #tpu.memory_space<hbm>>
    %dma_start3A_521 = arith.constant 0 : i32
    %dma_start3A_522 = tpu.memref_slice %dma_start3A_520[%dma_start3A_521] : memref<100000xf32, #tpu.memory_space<hbm>> -> memref<100000xf32, #tpu.memory_space<hbm>>
    tpu.enqueue_indirect_dma source(%dma_start3A_522 : memref<100000xf32, #tpu.memory_space<hbm>>) target(%dma_start3A_515 : memref<512xf32, #tpu.memory_space<vmem>>) offsets(%dma_start3A_517 : memref<512xi32, #tpu.memory_space<vmem>>) semaphore(%arg58 : memref<!tpu.dma_semaphore, #tpu.memory_space<semaphore_mem>>)
    %dma_start3A_523 = arith.constant 0 : i32
    %dma_start3A_524 = arith.constant 10752 : i32
    %dma_start3A_525 = tpu.memref_slice %arg56[%dma_start3A_524] : memref<13312xf32, #tpu.memory_space<vmem>> -> memref<512xf32, #tpu.memory_space<vmem>>
    %dma_start3A_526 = arith.constant 10752 : i32
    %dma_start3A_527 = tpu.memref_slice %arg55[%dma_start3A_526] : memref<13312xi32, #tpu.memory_space<vmem>> -> memref<512xi32, #tpu.memory_space<vmem>>
    %dma_start3A_528 = arith.constant 0 : i32
    %dma_start3A_529 = tpu.memref_slice %arg49[%dma_start3A_523, %dma_start3A_528] : memref<1x100000xf32, #tpu.memory_space<hbm>> -> memref<1x100000xf32, #tpu.memory_space<hbm>>
    %dma_start3A_530 = tpu.memref_squeeze %dma_start3A_529 : memref<1x100000xf32, #tpu.memory_space<hbm>> -> memref<100000xf32, #tpu.memory_space<hbm>>
    %dma_start3A_531 = arith.constant 0 : i32
    %dma_start3A_532 = tpu.memref_slice %dma_start3A_530[%dma_start3A_531] : memref<100000xf32, #tpu.memory_space<hbm>> -> memref<100000xf32, #tpu.memory_space<hbm>>
    tpu.enqueue_indirect_dma source(%dma_start3A_532 : memref<100000xf32, #tpu.memory_space<hbm>>) target(%dma_start3A_525 : memref<512xf32, #tpu.memory_space<vmem>>) offsets(%dma_start3A_527 : memref<512xi32, #tpu.memory_space<vmem>>) semaphore(%arg58 : memref<!tpu.dma_semaphore, #tpu.memory_space<semaphore_mem>>)
    %dma_start3A_533 = arith.constant 0 : i32
    %dma_start3A_534 = arith.constant 11264 : i32
    %dma_start3A_535 = tpu.memref_slice %arg56[%dma_start3A_534] : memref<13312xf32, #tpu.memory_space<vmem>> -> memref<512xf32, #tpu.memory_space<vmem>>
    %dma_start3A_536 = arith.constant 11264 : i32
    %dma_start3A_537 = tpu.memref_slice %arg55[%dma_start3A_536] : memref<13312xi32, #tpu.memory_space<vmem>> -> memref<512xi32, #tpu.memory_space<vmem>>
    %dma_start3A_538 = arith.constant 0 : i32
    %dma_start3A_539 = tpu.memref_slice %arg50[%dma_start3A_533, %dma_start3A_538] : memref<1x100000xf32, #tpu.memory_space<hbm>> -> memref<1x100000xf32, #tpu.memory_space<hbm>>
    %dma_start3A_540 = tpu.memref_squeeze %dma_start3A_539 : memref<1x100000xf32, #tpu.memory_space<hbm>> -> memref<100000xf32, #tpu.memory_space<hbm>>
    %dma_start3A_541 = arith.constant 0 : i32
    %dma_start3A_542 = tpu.memref_slice %dma_start3A_540[%dma_start3A_541] : memref<100000xf32, #tpu.memory_space<hbm>> -> memref<100000xf32, #tpu.memory_space<hbm>>
    tpu.enqueue_indirect_dma source(%dma_start3A_542 : memref<100000xf32, #tpu.memory_space<hbm>>) target(%dma_start3A_535 : memref<512xf32, #tpu.memory_space<vmem>>) offsets(%dma_start3A_537 : memref<512xi32, #tpu.memory_space<vmem>>) semaphore(%arg58 : memref<!tpu.dma_semaphore, #tpu.memory_space<semaphore_mem>>)
    %dma_start3A_543 = arith.constant 0 : i32
    %dma_start3A_544 = arith.constant 11776 : i32
    %dma_start3A_545 = tpu.memref_slice %arg56[%dma_start3A_544] : memref<13312xf32, #tpu.memory_space<vmem>> -> memref<512xf32, #tpu.memory_space<vmem>>
    %dma_start3A_546 = arith.constant 11776 : i32
    %dma_start3A_547 = tpu.memref_slice %arg55[%dma_start3A_546] : memref<13312xi32, #tpu.memory_space<vmem>> -> memref<512xi32, #tpu.memory_space<vmem>>
    %dma_start3A_548 = arith.constant 0 : i32
    %dma_start3A_549 = tpu.memref_slice %arg51[%dma_start3A_543, %dma_start3A_548] : memref<1x100000xf32, #tpu.memory_space<hbm>> -> memref<1x100000xf32, #tpu.memory_space<hbm>>
    %dma_start3A_550 = tpu.memref_squeeze %dma_start3A_549 : memref<1x100000xf32, #tpu.memory_space<hbm>> -> memref<100000xf32, #tpu.memory_space<hbm>>
    %dma_start3A_551 = arith.constant 0 : i32
    %dma_start3A_552 = tpu.memref_slice %dma_start3A_550[%dma_start3A_551] : memref<100000xf32, #tpu.memory_space<hbm>> -> memref<100000xf32, #tpu.memory_space<hbm>>
    tpu.enqueue_indirect_dma source(%dma_start3A_552 : memref<100000xf32, #tpu.memory_space<hbm>>) target(%dma_start3A_545 : memref<512xf32, #tpu.memory_space<vmem>>) offsets(%dma_start3A_547 : memref<512xi32, #tpu.memory_space<vmem>>) semaphore(%arg58 : memref<!tpu.dma_semaphore, #tpu.memory_space<semaphore_mem>>)
    %dma_start3A_553 = arith.constant 0 : i32
    %dma_start3A_554 = arith.constant 12288 : i32
    %dma_start3A_555 = tpu.memref_slice %arg56[%dma_start3A_554] : memref<13312xf32, #tpu.memory_space<vmem>> -> memref<512xf32, #tpu.memory_space<vmem>>
    %dma_start3A_556 = arith.constant 12288 : i32
    %dma_start3A_557 = tpu.memref_slice %arg55[%dma_start3A_556] : memref<13312xi32, #tpu.memory_space<vmem>> -> memref<512xi32, #tpu.memory_space<vmem>>
    %dma_start3A_558 = arith.constant 0 : i32
    %dma_start3A_559 = tpu.memref_slice %arg52[%dma_start3A_553, %dma_start3A_558] : memref<1x100000xf32, #tpu.memory_space<hbm>> -> memref<1x100000xf32, #tpu.memory_space<hbm>>
    %dma_start3A_560 = tpu.memref_squeeze %dma_start3A_559 : memref<1x100000xf32, #tpu.memory_space<hbm>> -> memref<100000xf32, #tpu.memory_space<hbm>>
    %dma_start3A_561 = arith.constant 0 : i32
    %dma_start3A_562 = tpu.memref_slice %dma_start3A_560[%dma_start3A_561] : memref<100000xf32, #tpu.memory_space<hbm>> -> memref<100000xf32, #tpu.memory_space<hbm>>
    tpu.enqueue_indirect_dma source(%dma_start3A_562 : memref<100000xf32, #tpu.memory_space<hbm>>) target(%dma_start3A_555 : memref<512xf32, #tpu.memory_space<vmem>>) offsets(%dma_start3A_557 : memref<512xi32, #tpu.memory_space<vmem>>) semaphore(%arg58 : memref<!tpu.dma_semaphore, #tpu.memory_space<semaphore_mem>>)
    %dma_start3A_563 = arith.constant 0 : i32
    %dma_start3A_564 = arith.constant 12800 : i32
    %dma_start3A_565 = tpu.memref_slice %arg56[%dma_start3A_564] : memref<13312xf32, #tpu.memory_space<vmem>> -> memref<512xf32, #tpu.memory_space<vmem>>
    %dma_start3A_566 = arith.constant 12800 : i32
    %dma_start3A_567 = tpu.memref_slice %arg55[%dma_start3A_566] : memref<13312xi32, #tpu.memory_space<vmem>> -> memref<512xi32, #tpu.memory_space<vmem>>
    %dma_start3A_568 = arith.constant 0 : i32
    %dma_start3A_569 = tpu.memref_slice %arg53[%dma_start3A_563, %dma_start3A_568] : memref<1x100000xf32, #tpu.memory_space<hbm>> -> memref<1x100000xf32, #tpu.memory_space<hbm>>
    %dma_start3A_570 = tpu.memref_squeeze %dma_start3A_569 : memref<1x100000xf32, #tpu.memory_space<hbm>> -> memref<100000xf32, #tpu.memory_space<hbm>>
    %dma_start3A_571 = arith.constant 0 : i32
    %dma_start3A_572 = tpu.memref_slice %dma_start3A_570[%dma_start3A_571] : memref<100000xf32, #tpu.memory_space<hbm>> -> memref<100000xf32, #tpu.memory_space<hbm>>
    tpu.enqueue_indirect_dma source(%dma_start3A_572 : memref<100000xf32, #tpu.memory_space<hbm>>) target(%dma_start3A_565 : memref<512xf32, #tpu.memory_space<vmem>>) offsets(%dma_start3A_567 : memref<512xi32, #tpu.memory_space<vmem>>) semaphore(%arg58 : memref<!tpu.dma_semaphore, #tpu.memory_space<semaphore_mem>>)
    %dma_wait3A_573 = arith.constant 0 : i32
    %dma_wait3A_574 = arith.constant 0 : i32
    %dma_wait3A_575 = tpu.memref_slice %arg56[%dma_wait3A_574] : memref<13312xf32, #tpu.memory_space<vmem>> -> memref<512xf32, #tpu.memory_space<vmem>>
    %dma_wait3A_576 = arith.constant 0 : i32
    %dma_wait3A_577 = tpu.memref_slice %arg55[%dma_wait3A_576] : memref<13312xi32, #tpu.memory_space<vmem>> -> memref<512xi32, #tpu.memory_space<vmem>>
    %dma_wait3A_578 = arith.constant 0 : i32
    %dma_wait3A_579 = tpu.memref_slice %arg28[%dma_wait3A_573, %dma_wait3A_578] : memref<1x100000xf32, #tpu.memory_space<hbm>> -> memref<1x100000xf32, #tpu.memory_space<hbm>>
    %dma_wait3A_580 = tpu.memref_squeeze %dma_wait3A_579 : memref<1x100000xf32, #tpu.memory_space<hbm>> -> memref<100000xf32, #tpu.memory_space<hbm>>
    %dma_wait3A_581 = arith.constant 0 : i32
    %dma_wait3A_582 = tpu.memref_slice %dma_wait3A_580[%dma_wait3A_581] : memref<100000xf32, #tpu.memory_space<hbm>> -> memref<100000xf32, #tpu.memory_space<hbm>>
    tpu.wait_indirect_dma semaphore(%arg58 : memref<!tpu.dma_semaphore, #tpu.memory_space<semaphore_mem>>) src(%dma_wait3A_582 : memref<100000xf32, #tpu.memory_space<hbm>>) dst(%dma_wait3A_575 : memref<512xf32, #tpu.memory_space<vmem>>)
    %dma_wait3A_583 = arith.constant 0 : i32
    %dma_wait3A_584 = arith.constant 512 : i32
    %dma_wait3A_585 = tpu.memref_slice %arg56[%dma_wait3A_584] : memref<13312xf32, #tpu.memory_space<vmem>> -> memref<512xf32, #tpu.memory_space<vmem>>
    %dma_wait3A_586 = arith.constant 512 : i32
    %dma_wait3A_587 = tpu.memref_slice %arg55[%dma_wait3A_586] : memref<13312xi32, #tpu.memory_space<vmem>> -> memref<512xi32, #tpu.memory_space<vmem>>
    %dma_wait3A_588 = arith.constant 0 : i32
    %dma_wait3A_589 = tpu.memref_slice %arg29[%dma_wait3A_583, %dma_wait3A_588] : memref<1x100000xf32, #tpu.memory_space<hbm>> -> memref<1x100000xf32, #tpu.memory_space<hbm>>
    %dma_wait3A_590 = tpu.memref_squeeze %dma_wait3A_589 : memref<1x100000xf32, #tpu.memory_space<hbm>> -> memref<100000xf32, #tpu.memory_space<hbm>>
    %dma_wait3A_591 = arith.constant 0 : i32
    %dma_wait3A_592 = tpu.memref_slice %dma_wait3A_590[%dma_wait3A_591] : memref<100000xf32, #tpu.memory_space<hbm>> -> memref<100000xf32, #tpu.memory_space<hbm>>
    tpu.wait_indirect_dma semaphore(%arg58 : memref<!tpu.dma_semaphore, #tpu.memory_space<semaphore_mem>>) src(%dma_wait3A_592 : memref<100000xf32, #tpu.memory_space<hbm>>) dst(%dma_wait3A_585 : memref<512xf32, #tpu.memory_space<vmem>>)
    %dma_wait3A_593 = arith.constant 0 : i32
    %dma_wait3A_594 = arith.constant 1024 : i32
    %dma_wait3A_595 = tpu.memref_slice %arg56[%dma_wait3A_594] : memref<13312xf32, #tpu.memory_space<vmem>> -> memref<512xf32, #tpu.memory_space<vmem>>
    %dma_wait3A_596 = arith.constant 1024 : i32
    %dma_wait3A_597 = tpu.memref_slice %arg55[%dma_wait3A_596] : memref<13312xi32, #tpu.memory_space<vmem>> -> memref<512xi32, #tpu.memory_space<vmem>>
    %dma_wait3A_598 = arith.constant 0 : i32
    %dma_wait3A_599 = tpu.memref_slice %arg30[%dma_wait3A_593, %dma_wait3A_598] : memref<1x100000xf32, #tpu.memory_space<hbm>> -> memref<1x100000xf32, #tpu.memory_space<hbm>>
    %dma_wait3A_600 = tpu.memref_squeeze %dma_wait3A_599 : memref<1x100000xf32, #tpu.memory_space<hbm>> -> memref<100000xf32, #tpu.memory_space<hbm>>
    %dma_wait3A_601 = arith.constant 0 : i32
    %dma_wait3A_602 = tpu.memref_slice %dma_wait3A_600[%dma_wait3A_601] : memref<100000xf32, #tpu.memory_space<hbm>> -> memref<100000xf32, #tpu.memory_space<hbm>>
    tpu.wait_indirect_dma semaphore(%arg58 : memref<!tpu.dma_semaphore, #tpu.memory_space<semaphore_mem>>) src(%dma_wait3A_602 : memref<100000xf32, #tpu.memory_space<hbm>>) dst(%dma_wait3A_595 : memref<512xf32, #tpu.memory_space<vmem>>)
    %dma_wait3A_603 = arith.constant 0 : i32
    %dma_wait3A_604 = arith.constant 1536 : i32
    %dma_wait3A_605 = tpu.memref_slice %arg56[%dma_wait3A_604] : memref<13312xf32, #tpu.memory_space<vmem>> -> memref<512xf32, #tpu.memory_space<vmem>>
    %dma_wait3A_606 = arith.constant 1536 : i32
    %dma_wait3A_607 = tpu.memref_slice %arg55[%dma_wait3A_606] : memref<13312xi32, #tpu.memory_space<vmem>> -> memref<512xi32, #tpu.memory_space<vmem>>
    %dma_wait3A_608 = arith.constant 0 : i32
    %dma_wait3A_609 = tpu.memref_slice %arg31[%dma_wait3A_603, %dma_wait3A_608] : memref<1x100000xf32, #tpu.memory_space<hbm>> -> memref<1x100000xf32, #tpu.memory_space<hbm>>
    %dma_wait3A_610 = tpu.memref_squeeze %dma_wait3A_609 : memref<1x100000xf32, #tpu.memory_space<hbm>> -> memref<100000xf32, #tpu.memory_space<hbm>>
    %dma_wait3A_611 = arith.constant 0 : i32
    %dma_wait3A_612 = tpu.memref_slice %dma_wait3A_610[%dma_wait3A_611] : memref<100000xf32, #tpu.memory_space<hbm>> -> memref<100000xf32, #tpu.memory_space<hbm>>
    tpu.wait_indirect_dma semaphore(%arg58 : memref<!tpu.dma_semaphore, #tpu.memory_space<semaphore_mem>>) src(%dma_wait3A_612 : memref<100000xf32, #tpu.memory_space<hbm>>) dst(%dma_wait3A_605 : memref<512xf32, #tpu.memory_space<vmem>>)
    %dma_wait3A_613 = arith.constant 0 : i32
    %dma_wait3A_614 = arith.constant 2048 : i32
    %dma_wait3A_615 = tpu.memref_slice %arg56[%dma_wait3A_614] : memref<13312xf32, #tpu.memory_space<vmem>> -> memref<512xf32, #tpu.memory_space<vmem>>
    %dma_wait3A_616 = arith.constant 2048 : i32
    %dma_wait3A_617 = tpu.memref_slice %arg55[%dma_wait3A_616] : memref<13312xi32, #tpu.memory_space<vmem>> -> memref<512xi32, #tpu.memory_space<vmem>>
    %dma_wait3A_618 = arith.constant 0 : i32
    %dma_wait3A_619 = tpu.memref_slice %arg32[%dma_wait3A_613, %dma_wait3A_618] : memref<1x100000xf32, #tpu.memory_space<hbm>> -> memref<1x100000xf32, #tpu.memory_space<hbm>>
    %dma_wait3A_620 = tpu.memref_squeeze %dma_wait3A_619 : memref<1x100000xf32, #tpu.memory_space<hbm>> -> memref<100000xf32, #tpu.memory_space<hbm>>
    %dma_wait3A_621 = arith.constant 0 : i32
    %dma_wait3A_622 = tpu.memref_slice %dma_wait3A_620[%dma_wait3A_621] : memref<100000xf32, #tpu.memory_space<hbm>> -> memref<100000xf32, #tpu.memory_space<hbm>>
    tpu.wait_indirect_dma semaphore(%arg58 : memref<!tpu.dma_semaphore, #tpu.memory_space<semaphore_mem>>) src(%dma_wait3A_622 : memref<100000xf32, #tpu.memory_space<hbm>>) dst(%dma_wait3A_615 : memref<512xf32, #tpu.memory_space<vmem>>)
    %dma_wait3A_623 = arith.constant 0 : i32
    %dma_wait3A_624 = arith.constant 2560 : i32
    %dma_wait3A_625 = tpu.memref_slice %arg56[%dma_wait3A_624] : memref<13312xf32, #tpu.memory_space<vmem>> -> memref<512xf32, #tpu.memory_space<vmem>>
    %dma_wait3A_626 = arith.constant 2560 : i32
    %dma_wait3A_627 = tpu.memref_slice %arg55[%dma_wait3A_626] : memref<13312xi32, #tpu.memory_space<vmem>> -> memref<512xi32, #tpu.memory_space<vmem>>
    %dma_wait3A_628 = arith.constant 0 : i32
    %dma_wait3A_629 = tpu.memref_slice %arg33[%dma_wait3A_623, %dma_wait3A_628] : memref<1x100000xf32, #tpu.memory_space<hbm>> -> memref<1x100000xf32, #tpu.memory_space<hbm>>
    %dma_wait3A_630 = tpu.memref_squeeze %dma_wait3A_629 : memref<1x100000xf32, #tpu.memory_space<hbm>> -> memref<100000xf32, #tpu.memory_space<hbm>>
    %dma_wait3A_631 = arith.constant 0 : i32
    %dma_wait3A_632 = tpu.memref_slice %dma_wait3A_630[%dma_wait3A_631] : memref<100000xf32, #tpu.memory_space<hbm>> -> memref<100000xf32, #tpu.memory_space<hbm>>
    tpu.wait_indirect_dma semaphore(%arg58 : memref<!tpu.dma_semaphore, #tpu.memory_space<semaphore_mem>>) src(%dma_wait3A_632 : memref<100000xf32, #tpu.memory_space<hbm>>) dst(%dma_wait3A_625 : memref<512xf32, #tpu.memory_space<vmem>>)
    %dma_wait3A_633 = arith.constant 0 : i32
    %dma_wait3A_634 = arith.constant 3072 : i32
    %dma_wait3A_635 = tpu.memref_slice %arg56[%dma_wait3A_634] : memref<13312xf32, #tpu.memory_space<vmem>> -> memref<512xf32, #tpu.memory_space<vmem>>
    %dma_wait3A_636 = arith.constant 3072 : i32
    %dma_wait3A_637 = tpu.memref_slice %arg55[%dma_wait3A_636] : memref<13312xi32, #tpu.memory_space<vmem>> -> memref<512xi32, #tpu.memory_space<vmem>>
    %dma_wait3A_638 = arith.constant 0 : i32
    %dma_wait3A_639 = tpu.memref_slice %arg34[%dma_wait3A_633, %dma_wait3A_638] : memref<1x100000xf32, #tpu.memory_space<hbm>> -> memref<1x100000xf32, #tpu.memory_space<hbm>>
    %dma_wait3A_640 = tpu.memref_squeeze %dma_wait3A_639 : memref<1x100000xf32, #tpu.memory_space<hbm>> -> memref<100000xf32, #tpu.memory_space<hbm>>
    %dma_wait3A_641 = arith.constant 0 : i32
    %dma_wait3A_642 = tpu.memref_slice %dma_wait3A_640[%dma_wait3A_641] : memref<100000xf32, #tpu.memory_space<hbm>> -> memref<100000xf32, #tpu.memory_space<hbm>>
    tpu.wait_indirect_dma semaphore(%arg58 : memref<!tpu.dma_semaphore, #tpu.memory_space<semaphore_mem>>) src(%dma_wait3A_642 : memref<100000xf32, #tpu.memory_space<hbm>>) dst(%dma_wait3A_635 : memref<512xf32, #tpu.memory_space<vmem>>)
    %dma_wait3A_643 = arith.constant 0 : i32
    %dma_wait3A_644 = arith.constant 3584 : i32
    %dma_wait3A_645 = tpu.memref_slice %arg56[%dma_wait3A_644] : memref<13312xf32, #tpu.memory_space<vmem>> -> memref<512xf32, #tpu.memory_space<vmem>>
    %dma_wait3A_646 = arith.constant 3584 : i32
    %dma_wait3A_647 = tpu.memref_slice %arg55[%dma_wait3A_646] : memref<13312xi32, #tpu.memory_space<vmem>> -> memref<512xi32, #tpu.memory_space<vmem>>
    %dma_wait3A_648 = arith.constant 0 : i32
    %dma_wait3A_649 = tpu.memref_slice %arg35[%dma_wait3A_643, %dma_wait3A_648] : memref<1x100000xf32, #tpu.memory_space<hbm>> -> memref<1x100000xf32, #tpu.memory_space<hbm>>
    %dma_wait3A_650 = tpu.memref_squeeze %dma_wait3A_649 : memref<1x100000xf32, #tpu.memory_space<hbm>> -> memref<100000xf32, #tpu.memory_space<hbm>>
    %dma_wait3A_651 = arith.constant 0 : i32
    %dma_wait3A_652 = tpu.memref_slice %dma_wait3A_650[%dma_wait3A_651] : memref<100000xf32, #tpu.memory_space<hbm>> -> memref<100000xf32, #tpu.memory_space<hbm>>
    tpu.wait_indirect_dma semaphore(%arg58 : memref<!tpu.dma_semaphore, #tpu.memory_space<semaphore_mem>>) src(%dma_wait3A_652 : memref<100000xf32, #tpu.memory_space<hbm>>) dst(%dma_wait3A_645 : memref<512xf32, #tpu.memory_space<vmem>>)
    %dma_wait3A_653 = arith.constant 0 : i32
    %dma_wait3A_654 = arith.constant 4096 : i32
    %dma_wait3A_655 = tpu.memref_slice %arg56[%dma_wait3A_654] : memref<13312xf32, #tpu.memory_space<vmem>> -> memref<512xf32, #tpu.memory_space<vmem>>
    %dma_wait3A_656 = arith.constant 4096 : i32
    %dma_wait3A_657 = tpu.memref_slice %arg55[%dma_wait3A_656] : memref<13312xi32, #tpu.memory_space<vmem>> -> memref<512xi32, #tpu.memory_space<vmem>>
    %dma_wait3A_658 = arith.constant 0 : i32
    %dma_wait3A_659 = tpu.memref_slice %arg36[%dma_wait3A_653, %dma_wait3A_658] : memref<1x100000xf32, #tpu.memory_space<hbm>> -> memref<1x100000xf32, #tpu.memory_space<hbm>>
    %dma_wait3A_660 = tpu.memref_squeeze %dma_wait3A_659 : memref<1x100000xf32, #tpu.memory_space<hbm>> -> memref<100000xf32, #tpu.memory_space<hbm>>
    %dma_wait3A_661 = arith.constant 0 : i32
    %dma_wait3A_662 = tpu.memref_slice %dma_wait3A_660[%dma_wait3A_661] : memref<100000xf32, #tpu.memory_space<hbm>> -> memref<100000xf32, #tpu.memory_space<hbm>>
    tpu.wait_indirect_dma semaphore(%arg58 : memref<!tpu.dma_semaphore, #tpu.memory_space<semaphore_mem>>) src(%dma_wait3A_662 : memref<100000xf32, #tpu.memory_space<hbm>>) dst(%dma_wait3A_655 : memref<512xf32, #tpu.memory_space<vmem>>)
    %dma_wait3A_663 = arith.constant 0 : i32
    %dma_wait3A_664 = arith.constant 4608 : i32
    %dma_wait3A_665 = tpu.memref_slice %arg56[%dma_wait3A_664] : memref<13312xf32, #tpu.memory_space<vmem>> -> memref<512xf32, #tpu.memory_space<vmem>>
    %dma_wait3A_666 = arith.constant 4608 : i32
    %dma_wait3A_667 = tpu.memref_slice %arg55[%dma_wait3A_666] : memref<13312xi32, #tpu.memory_space<vmem>> -> memref<512xi32, #tpu.memory_space<vmem>>
    %dma_wait3A_668 = arith.constant 0 : i32
    %dma_wait3A_669 = tpu.memref_slice %arg37[%dma_wait3A_663, %dma_wait3A_668] : memref<1x100000xf32, #tpu.memory_space<hbm>> -> memref<1x100000xf32, #tpu.memory_space<hbm>>
    %dma_wait3A_670 = tpu.memref_squeeze %dma_wait3A_669 : memref<1x100000xf32, #tpu.memory_space<hbm>> -> memref<100000xf32, #tpu.memory_space<hbm>>
    %dma_wait3A_671 = arith.constant 0 : i32
    %dma_wait3A_672 = tpu.memref_slice %dma_wait3A_670[%dma_wait3A_671] : memref<100000xf32, #tpu.memory_space<hbm>> -> memref<100000xf32, #tpu.memory_space<hbm>>
    tpu.wait_indirect_dma semaphore(%arg58 : memref<!tpu.dma_semaphore, #tpu.memory_space<semaphore_mem>>) src(%dma_wait3A_672 : memref<100000xf32, #tpu.memory_space<hbm>>) dst(%dma_wait3A_665 : memref<512xf32, #tpu.memory_space<vmem>>)
    %dma_wait3A_673 = arith.constant 0 : i32
    %dma_wait3A_674 = arith.constant 5120 : i32
    %dma_wait3A_675 = tpu.memref_slice %arg56[%dma_wait3A_674] : memref<13312xf32, #tpu.memory_space<vmem>> -> memref<512xf32, #tpu.memory_space<vmem>>
    %dma_wait3A_676 = arith.constant 5120 : i32
    %dma_wait3A_677 = tpu.memref_slice %arg55[%dma_wait3A_676] : memref<13312xi32, #tpu.memory_space<vmem>> -> memref<512xi32, #tpu.memory_space<vmem>>
    %dma_wait3A_678 = arith.constant 0 : i32
    %dma_wait3A_679 = tpu.memref_slice %arg38[%dma_wait3A_673, %dma_wait3A_678] : memref<1x100000xf32, #tpu.memory_space<hbm>> -> memref<1x100000xf32, #tpu.memory_space<hbm>>
    %dma_wait3A_680 = tpu.memref_squeeze %dma_wait3A_679 : memref<1x100000xf32, #tpu.memory_space<hbm>> -> memref<100000xf32, #tpu.memory_space<hbm>>
    %dma_wait3A_681 = arith.constant 0 : i32
    %dma_wait3A_682 = tpu.memref_slice %dma_wait3A_680[%dma_wait3A_681] : memref<100000xf32, #tpu.memory_space<hbm>> -> memref<100000xf32, #tpu.memory_space<hbm>>
    tpu.wait_indirect_dma semaphore(%arg58 : memref<!tpu.dma_semaphore, #tpu.memory_space<semaphore_mem>>) src(%dma_wait3A_682 : memref<100000xf32, #tpu.memory_space<hbm>>) dst(%dma_wait3A_675 : memref<512xf32, #tpu.memory_space<vmem>>)
    %dma_wait3A_683 = arith.constant 0 : i32
    %dma_wait3A_684 = arith.constant 5632 : i32
    %dma_wait3A_685 = tpu.memref_slice %arg56[%dma_wait3A_684] : memref<13312xf32, #tpu.memory_space<vmem>> -> memref<512xf32, #tpu.memory_space<vmem>>
    %dma_wait3A_686 = arith.constant 5632 : i32
    %dma_wait3A_687 = tpu.memref_slice %arg55[%dma_wait3A_686] : memref<13312xi32, #tpu.memory_space<vmem>> -> memref<512xi32, #tpu.memory_space<vmem>>
    %dma_wait3A_688 = arith.constant 0 : i32
    %dma_wait3A_689 = tpu.memref_slice %arg39[%dma_wait3A_683, %dma_wait3A_688] : memref<1x100000xf32, #tpu.memory_space<hbm>> -> memref<1x100000xf32, #tpu.memory_space<hbm>>
    %dma_wait3A_690 = tpu.memref_squeeze %dma_wait3A_689 : memref<1x100000xf32, #tpu.memory_space<hbm>> -> memref<100000xf32, #tpu.memory_space<hbm>>
    %dma_wait3A_691 = arith.constant 0 : i32
    %dma_wait3A_692 = tpu.memref_slice %dma_wait3A_690[%dma_wait3A_691] : memref<100000xf32, #tpu.memory_space<hbm>> -> memref<100000xf32, #tpu.memory_space<hbm>>
    tpu.wait_indirect_dma semaphore(%arg58 : memref<!tpu.dma_semaphore, #tpu.memory_space<semaphore_mem>>) src(%dma_wait3A_692 : memref<100000xf32, #tpu.memory_space<hbm>>) dst(%dma_wait3A_685 : memref<512xf32, #tpu.memory_space<vmem>>)
    %dma_wait3A_693 = arith.constant 0 : i32
    %dma_wait3A_694 = arith.constant 6144 : i32
    %dma_wait3A_695 = tpu.memref_slice %arg56[%dma_wait3A_694] : memref<13312xf32, #tpu.memory_space<vmem>> -> memref<512xf32, #tpu.memory_space<vmem>>
    %dma_wait3A_696 = arith.constant 6144 : i32
    %dma_wait3A_697 = tpu.memref_slice %arg55[%dma_wait3A_696] : memref<13312xi32, #tpu.memory_space<vmem>> -> memref<512xi32, #tpu.memory_space<vmem>>
    %dma_wait3A_698 = arith.constant 0 : i32
    %dma_wait3A_699 = tpu.memref_slice %arg40[%dma_wait3A_693, %dma_wait3A_698] : memref<1x100000xf32, #tpu.memory_space<hbm>> -> memref<1x100000xf32, #tpu.memory_space<hbm>>
    %dma_wait3A_700 = tpu.memref_squeeze %dma_wait3A_699 : memref<1x100000xf32, #tpu.memory_space<hbm>> -> memref<100000xf32, #tpu.memory_space<hbm>>
    %dma_wait3A_701 = arith.constant 0 : i32
    %dma_wait3A_702 = tpu.memref_slice %dma_wait3A_700[%dma_wait3A_701] : memref<100000xf32, #tpu.memory_space<hbm>> -> memref<100000xf32, #tpu.memory_space<hbm>>
    tpu.wait_indirect_dma semaphore(%arg58 : memref<!tpu.dma_semaphore, #tpu.memory_space<semaphore_mem>>) src(%dma_wait3A_702 : memref<100000xf32, #tpu.memory_space<hbm>>) dst(%dma_wait3A_695 : memref<512xf32, #tpu.memory_space<vmem>>)
    %dma_wait3A_703 = arith.constant 0 : i32
    %dma_wait3A_704 = arith.constant 6656 : i32
    %dma_wait3A_705 = tpu.memref_slice %arg56[%dma_wait3A_704] : memref<13312xf32, #tpu.memory_space<vmem>> -> memref<512xf32, #tpu.memory_space<vmem>>
    %dma_wait3A_706 = arith.constant 6656 : i32
    %dma_wait3A_707 = tpu.memref_slice %arg55[%dma_wait3A_706] : memref<13312xi32, #tpu.memory_space<vmem>> -> memref<512xi32, #tpu.memory_space<vmem>>
    %dma_wait3A_708 = arith.constant 0 : i32
    %dma_wait3A_709 = tpu.memref_slice %arg41[%dma_wait3A_703, %dma_wait3A_708] : memref<1x100000xf32, #tpu.memory_space<hbm>> -> memref<1x100000xf32, #tpu.memory_space<hbm>>
    %dma_wait3A_710 = tpu.memref_squeeze %dma_wait3A_709 : memref<1x100000xf32, #tpu.memory_space<hbm>> -> memref<100000xf32, #tpu.memory_space<hbm>>
    %dma_wait3A_711 = arith.constant 0 : i32
    %dma_wait3A_712 = tpu.memref_slice %dma_wait3A_710[%dma_wait3A_711] : memref<100000xf32, #tpu.memory_space<hbm>> -> memref<100000xf32, #tpu.memory_space<hbm>>
    tpu.wait_indirect_dma semaphore(%arg58 : memref<!tpu.dma_semaphore, #tpu.memory_space<semaphore_mem>>) src(%dma_wait3A_712 : memref<100000xf32, #tpu.memory_space<hbm>>) dst(%dma_wait3A_705 : memref<512xf32, #tpu.memory_space<vmem>>)
    %dma_wait3A_713 = arith.constant 0 : i32
    %dma_wait3A_714 = arith.constant 7168 : i32
    %dma_wait3A_715 = tpu.memref_slice %arg56[%dma_wait3A_714] : memref<13312xf32, #tpu.memory_space<vmem>> -> memref<512xf32, #tpu.memory_space<vmem>>
    %dma_wait3A_716 = arith.constant 7168 : i32
    %dma_wait3A_717 = tpu.memref_slice %arg55[%dma_wait3A_716] : memref<13312xi32, #tpu.memory_space<vmem>> -> memref<512xi32, #tpu.memory_space<vmem>>
    %dma_wait3A_718 = arith.constant 0 : i32
    %dma_wait3A_719 = tpu.memref_slice %arg42[%dma_wait3A_713, %dma_wait3A_718] : memref<1x100000xf32, #tpu.memory_space<hbm>> -> memref<1x100000xf32, #tpu.memory_space<hbm>>
    %dma_wait3A_720 = tpu.memref_squeeze %dma_wait3A_719 : memref<1x100000xf32, #tpu.memory_space<hbm>> -> memref<100000xf32, #tpu.memory_space<hbm>>
    %dma_wait3A_721 = arith.constant 0 : i32
    %dma_wait3A_722 = tpu.memref_slice %dma_wait3A_720[%dma_wait3A_721] : memref<100000xf32, #tpu.memory_space<hbm>> -> memref<100000xf32, #tpu.memory_space<hbm>>
    tpu.wait_indirect_dma semaphore(%arg58 : memref<!tpu.dma_semaphore, #tpu.memory_space<semaphore_mem>>) src(%dma_wait3A_722 : memref<100000xf32, #tpu.memory_space<hbm>>) dst(%dma_wait3A_715 : memref<512xf32, #tpu.memory_space<vmem>>)
    %dma_wait3A_723 = arith.constant 0 : i32
    %dma_wait3A_724 = arith.constant 7680 : i32
    %dma_wait3A_725 = tpu.memref_slice %arg56[%dma_wait3A_724] : memref<13312xf32, #tpu.memory_space<vmem>> -> memref<512xf32, #tpu.memory_space<vmem>>
    %dma_wait3A_726 = arith.constant 7680 : i32
    %dma_wait3A_727 = tpu.memref_slice %arg55[%dma_wait3A_726] : memref<13312xi32, #tpu.memory_space<vmem>> -> memref<512xi32, #tpu.memory_space<vmem>>
    %dma_wait3A_728 = arith.constant 0 : i32
    %dma_wait3A_729 = tpu.memref_slice %arg43[%dma_wait3A_723, %dma_wait3A_728] : memref<1x100000xf32, #tpu.memory_space<hbm>> -> memref<1x100000xf32, #tpu.memory_space<hbm>>
    %dma_wait3A_730 = tpu.memref_squeeze %dma_wait3A_729 : memref<1x100000xf32, #tpu.memory_space<hbm>> -> memref<100000xf32, #tpu.memory_space<hbm>>
    %dma_wait3A_731 = arith.constant 0 : i32
    %dma_wait3A_732 = tpu.memref_slice %dma_wait3A_730[%dma_wait3A_731] : memref<100000xf32, #tpu.memory_space<hbm>> -> memref<100000xf32, #tpu.memory_space<hbm>>
    tpu.wait_indirect_dma semaphore(%arg58 : memref<!tpu.dma_semaphore, #tpu.memory_space<semaphore_mem>>) src(%dma_wait3A_732 : memref<100000xf32, #tpu.memory_space<hbm>>) dst(%dma_wait3A_725 : memref<512xf32, #tpu.memory_space<vmem>>)
    %dma_wait3A_733 = arith.constant 0 : i32
    %dma_wait3A_734 = arith.constant 8192 : i32
    %dma_wait3A_735 = tpu.memref_slice %arg56[%dma_wait3A_734] : memref<13312xf32, #tpu.memory_space<vmem>> -> memref<512xf32, #tpu.memory_space<vmem>>
    %dma_wait3A_736 = arith.constant 8192 : i32
    %dma_wait3A_737 = tpu.memref_slice %arg55[%dma_wait3A_736] : memref<13312xi32, #tpu.memory_space<vmem>> -> memref<512xi32, #tpu.memory_space<vmem>>
    %dma_wait3A_738 = arith.constant 0 : i32
    %dma_wait3A_739 = tpu.memref_slice %arg44[%dma_wait3A_733, %dma_wait3A_738] : memref<1x100000xf32, #tpu.memory_space<hbm>> -> memref<1x100000xf32, #tpu.memory_space<hbm>>
    %dma_wait3A_740 = tpu.memref_squeeze %dma_wait3A_739 : memref<1x100000xf32, #tpu.memory_space<hbm>> -> memref<100000xf32, #tpu.memory_space<hbm>>
    %dma_wait3A_741 = arith.constant 0 : i32
    %dma_wait3A_742 = tpu.memref_slice %dma_wait3A_740[%dma_wait3A_741] : memref<100000xf32, #tpu.memory_space<hbm>> -> memref<100000xf32, #tpu.memory_space<hbm>>
    tpu.wait_indirect_dma semaphore(%arg58 : memref<!tpu.dma_semaphore, #tpu.memory_space<semaphore_mem>>) src(%dma_wait3A_742 : memref<100000xf32, #tpu.memory_space<hbm>>) dst(%dma_wait3A_735 : memref<512xf32, #tpu.memory_space<vmem>>)
    %dma_wait3A_743 = arith.constant 0 : i32
    %dma_wait3A_744 = arith.constant 8704 : i32
    %dma_wait3A_745 = tpu.memref_slice %arg56[%dma_wait3A_744] : memref<13312xf32, #tpu.memory_space<vmem>> -> memref<512xf32, #tpu.memory_space<vmem>>
    %dma_wait3A_746 = arith.constant 8704 : i32
    %dma_wait3A_747 = tpu.memref_slice %arg55[%dma_wait3A_746] : memref<13312xi32, #tpu.memory_space<vmem>> -> memref<512xi32, #tpu.memory_space<vmem>>
    %dma_wait3A_748 = arith.constant 0 : i32
    %dma_wait3A_749 = tpu.memref_slice %arg45[%dma_wait3A_743, %dma_wait3A_748] : memref<1x100000xf32, #tpu.memory_space<hbm>> -> memref<1x100000xf32, #tpu.memory_space<hbm>>
    %dma_wait3A_750 = tpu.memref_squeeze %dma_wait3A_749 : memref<1x100000xf32, #tpu.memory_space<hbm>> -> memref<100000xf32, #tpu.memory_space<hbm>>
    %dma_wait3A_751 = arith.constant 0 : i32
    %dma_wait3A_752 = tpu.memref_slice %dma_wait3A_750[%dma_wait3A_751] : memref<100000xf32, #tpu.memory_space<hbm>> -> memref<100000xf32, #tpu.memory_space<hbm>>
    tpu.wait_indirect_dma semaphore(%arg58 : memref<!tpu.dma_semaphore, #tpu.memory_space<semaphore_mem>>) src(%dma_wait3A_752 : memref<100000xf32, #tpu.memory_space<hbm>>) dst(%dma_wait3A_745 : memref<512xf32, #tpu.memory_space<vmem>>)
    %dma_wait3A_753 = arith.constant 0 : i32
    %dma_wait3A_754 = arith.constant 9216 : i32
    %dma_wait3A_755 = tpu.memref_slice %arg56[%dma_wait3A_754] : memref<13312xf32, #tpu.memory_space<vmem>> -> memref<512xf32, #tpu.memory_space<vmem>>
    %dma_wait3A_756 = arith.constant 9216 : i32
    %dma_wait3A_757 = tpu.memref_slice %arg55[%dma_wait3A_756] : memref<13312xi32, #tpu.memory_space<vmem>> -> memref<512xi32, #tpu.memory_space<vmem>>
    %dma_wait3A_758 = arith.constant 0 : i32
    %dma_wait3A_759 = tpu.memref_slice %arg46[%dma_wait3A_753, %dma_wait3A_758] : memref<1x100000xf32, #tpu.memory_space<hbm>> -> memref<1x100000xf32, #tpu.memory_space<hbm>>
    %dma_wait3A_760 = tpu.memref_squeeze %dma_wait3A_759 : memref<1x100000xf32, #tpu.memory_space<hbm>> -> memref<100000xf32, #tpu.memory_space<hbm>>
    %dma_wait3A_761 = arith.constant 0 : i32
    %dma_wait3A_762 = tpu.memref_slice %dma_wait3A_760[%dma_wait3A_761] : memref<100000xf32, #tpu.memory_space<hbm>> -> memref<100000xf32, #tpu.memory_space<hbm>>
    tpu.wait_indirect_dma semaphore(%arg58 : memref<!tpu.dma_semaphore, #tpu.memory_space<semaphore_mem>>) src(%dma_wait3A_762 : memref<100000xf32, #tpu.memory_space<hbm>>) dst(%dma_wait3A_755 : memref<512xf32, #tpu.memory_space<vmem>>)
    %dma_wait3A_763 = arith.constant 0 : i32
    %dma_wait3A_764 = arith.constant 9728 : i32
    %dma_wait3A_765 = tpu.memref_slice %arg56[%dma_wait3A_764] : memref<13312xf32, #tpu.memory_space<vmem>> -> memref<512xf32, #tpu.memory_space<vmem>>
    %dma_wait3A_766 = arith.constant 9728 : i32
    %dma_wait3A_767 = tpu.memref_slice %arg55[%dma_wait3A_766] : memref<13312xi32, #tpu.memory_space<vmem>> -> memref<512xi32, #tpu.memory_space<vmem>>
    %dma_wait3A_768 = arith.constant 0 : i32
    %dma_wait3A_769 = tpu.memref_slice %arg47[%dma_wait3A_763, %dma_wait3A_768] : memref<1x100000xf32, #tpu.memory_space<hbm>> -> memref<1x100000xf32, #tpu.memory_space<hbm>>
    %dma_wait3A_770 = tpu.memref_squeeze %dma_wait3A_769 : memref<1x100000xf32, #tpu.memory_space<hbm>> -> memref<100000xf32, #tpu.memory_space<hbm>>
    %dma_wait3A_771 = arith.constant 0 : i32
    %dma_wait3A_772 = tpu.memref_slice %dma_wait3A_770[%dma_wait3A_771] : memref<100000xf32, #tpu.memory_space<hbm>> -> memref<100000xf32, #tpu.memory_space<hbm>>
    tpu.wait_indirect_dma semaphore(%arg58 : memref<!tpu.dma_semaphore, #tpu.memory_space<semaphore_mem>>) src(%dma_wait3A_772 : memref<100000xf32, #tpu.memory_space<hbm>>) dst(%dma_wait3A_765 : memref<512xf32, #tpu.memory_space<vmem>>)
    %dma_wait3A_773 = arith.constant 0 : i32
    %dma_wait3A_774 = arith.constant 10240 : i32
    %dma_wait3A_775 = tpu.memref_slice %arg56[%dma_wait3A_774] : memref<13312xf32, #tpu.memory_space<vmem>> -> memref<512xf32, #tpu.memory_space<vmem>>
    %dma_wait3A_776 = arith.constant 10240 : i32
    %dma_wait3A_777 = tpu.memref_slice %arg55[%dma_wait3A_776] : memref<13312xi32, #tpu.memory_space<vmem>> -> memref<512xi32, #tpu.memory_space<vmem>>
    %dma_wait3A_778 = arith.constant 0 : i32
    %dma_wait3A_779 = tpu.memref_slice %arg48[%dma_wait3A_773, %dma_wait3A_778] : memref<1x100000xf32, #tpu.memory_space<hbm>> -> memref<1x100000xf32, #tpu.memory_space<hbm>>
    %dma_wait3A_780 = tpu.memref_squeeze %dma_wait3A_779 : memref<1x100000xf32, #tpu.memory_space<hbm>> -> memref<100000xf32, #tpu.memory_space<hbm>>
    %dma_wait3A_781 = arith.constant 0 : i32
    %dma_wait3A_782 = tpu.memref_slice %dma_wait3A_780[%dma_wait3A_781] : memref<100000xf32, #tpu.memory_space<hbm>> -> memref<100000xf32, #tpu.memory_space<hbm>>
    tpu.wait_indirect_dma semaphore(%arg58 : memref<!tpu.dma_semaphore, #tpu.memory_space<semaphore_mem>>) src(%dma_wait3A_782 : memref<100000xf32, #tpu.memory_space<hbm>>) dst(%dma_wait3A_775 : memref<512xf32, #tpu.memory_space<vmem>>)
    %dma_wait3A_783 = arith.constant 0 : i32
    %dma_wait3A_784 = arith.constant 10752 : i32
    %dma_wait3A_785 = tpu.memref_slice %arg56[%dma_wait3A_784] : memref<13312xf32, #tpu.memory_space<vmem>> -> memref<512xf32, #tpu.memory_space<vmem>>
    %dma_wait3A_786 = arith.constant 10752 : i32
    %dma_wait3A_787 = tpu.memref_slice %arg55[%dma_wait3A_786] : memref<13312xi32, #tpu.memory_space<vmem>> -> memref<512xi32, #tpu.memory_space<vmem>>
    %dma_wait3A_788 = arith.constant 0 : i32
    %dma_wait3A_789 = tpu.memref_slice %arg49[%dma_wait3A_783, %dma_wait3A_788] : memref<1x100000xf32, #tpu.memory_space<hbm>> -> memref<1x100000xf32, #tpu.memory_space<hbm>>
    %dma_wait3A_790 = tpu.memref_squeeze %dma_wait3A_789 : memref<1x100000xf32, #tpu.memory_space<hbm>> -> memref<100000xf32, #tpu.memory_space<hbm>>
    %dma_wait3A_791 = arith.constant 0 : i32
    %dma_wait3A_792 = tpu.memref_slice %dma_wait3A_790[%dma_wait3A_791] : memref<100000xf32, #tpu.memory_space<hbm>> -> memref<100000xf32, #tpu.memory_space<hbm>>
    tpu.wait_indirect_dma semaphore(%arg58 : memref<!tpu.dma_semaphore, #tpu.memory_space<semaphore_mem>>) src(%dma_wait3A_792 : memref<100000xf32, #tpu.memory_space<hbm>>) dst(%dma_wait3A_785 : memref<512xf32, #tpu.memory_space<vmem>>)
    %dma_wait3A_793 = arith.constant 0 : i32
    %dma_wait3A_794 = arith.constant 11264 : i32
    %dma_wait3A_795 = tpu.memref_slice %arg56[%dma_wait3A_794] : memref<13312xf32, #tpu.memory_space<vmem>> -> memref<512xf32, #tpu.memory_space<vmem>>
    %dma_wait3A_796 = arith.constant 11264 : i32
    %dma_wait3A_797 = tpu.memref_slice %arg55[%dma_wait3A_796] : memref<13312xi32, #tpu.memory_space<vmem>> -> memref<512xi32, #tpu.memory_space<vmem>>
    %dma_wait3A_798 = arith.constant 0 : i32
    %dma_wait3A_799 = tpu.memref_slice %arg50[%dma_wait3A_793, %dma_wait3A_798] : memref<1x100000xf32, #tpu.memory_space<hbm>> -> memref<1x100000xf32, #tpu.memory_space<hbm>>
    %dma_wait3A_800 = tpu.memref_squeeze %dma_wait3A_799 : memref<1x100000xf32, #tpu.memory_space<hbm>> -> memref<100000xf32, #tpu.memory_space<hbm>>
    %dma_wait3A_801 = arith.constant 0 : i32
    %dma_wait3A_802 = tpu.memref_slice %dma_wait3A_800[%dma_wait3A_801] : memref<100000xf32, #tpu.memory_space<hbm>> -> memref<100000xf32, #tpu.memory_space<hbm>>
    tpu.wait_indirect_dma semaphore(%arg58 : memref<!tpu.dma_semaphore, #tpu.memory_space<semaphore_mem>>) src(%dma_wait3A_802 : memref<100000xf32, #tpu.memory_space<hbm>>) dst(%dma_wait3A_795 : memref<512xf32, #tpu.memory_space<vmem>>)
    %dma_wait3A_803 = arith.constant 0 : i32
    %dma_wait3A_804 = arith.constant 11776 : i32
    %dma_wait3A_805 = tpu.memref_slice %arg56[%dma_wait3A_804] : memref<13312xf32, #tpu.memory_space<vmem>> -> memref<512xf32, #tpu.memory_space<vmem>>
    %dma_wait3A_806 = arith.constant 11776 : i32
    %dma_wait3A_807 = tpu.memref_slice %arg55[%dma_wait3A_806] : memref<13312xi32, #tpu.memory_space<vmem>> -> memref<512xi32, #tpu.memory_space<vmem>>
    %dma_wait3A_808 = arith.constant 0 : i32
    %dma_wait3A_809 = tpu.memref_slice %arg51[%dma_wait3A_803, %dma_wait3A_808] : memref<1x100000xf32, #tpu.memory_space<hbm>> -> memref<1x100000xf32, #tpu.memory_space<hbm>>
    %dma_wait3A_810 = tpu.memref_squeeze %dma_wait3A_809 : memref<1x100000xf32, #tpu.memory_space<hbm>> -> memref<100000xf32, #tpu.memory_space<hbm>>
    %dma_wait3A_811 = arith.constant 0 : i32
    %dma_wait3A_812 = tpu.memref_slice %dma_wait3A_810[%dma_wait3A_811] : memref<100000xf32, #tpu.memory_space<hbm>> -> memref<100000xf32, #tpu.memory_space<hbm>>
    tpu.wait_indirect_dma semaphore(%arg58 : memref<!tpu.dma_semaphore, #tpu.memory_space<semaphore_mem>>) src(%dma_wait3A_812 : memref<100000xf32, #tpu.memory_space<hbm>>) dst(%dma_wait3A_805 : memref<512xf32, #tpu.memory_space<vmem>>)
    %dma_wait3A_813 = arith.constant 0 : i32
    %dma_wait3A_814 = arith.constant 12288 : i32
    %dma_wait3A_815 = tpu.memref_slice %arg56[%dma_wait3A_814] : memref<13312xf32, #tpu.memory_space<vmem>> -> memref<512xf32, #tpu.memory_space<vmem>>
    %dma_wait3A_816 = arith.constant 12288 : i32
    %dma_wait3A_817 = tpu.memref_slice %arg55[%dma_wait3A_816] : memref<13312xi32, #tpu.memory_space<vmem>> -> memref<512xi32, #tpu.memory_space<vmem>>
    %dma_wait3A_818 = arith.constant 0 : i32
    %dma_wait3A_819 = tpu.memref_slice %arg52[%dma_wait3A_813, %dma_wait3A_818] : memref<1x100000xf32, #tpu.memory_space<hbm>> -> memref<1x100000xf32, #tpu.memory_space<hbm>>
    %dma_wait3A_820 = tpu.memref_squeeze %dma_wait3A_819 : memref<1x100000xf32, #tpu.memory_space<hbm>> -> memref<100000xf32, #tpu.memory_space<hbm>>
    %dma_wait3A_821 = arith.constant 0 : i32
    %dma_wait3A_822 = tpu.memref_slice %dma_wait3A_820[%dma_wait3A_821] : memref<100000xf32, #tpu.memory_space<hbm>> -> memref<100000xf32, #tpu.memory_space<hbm>>
    tpu.wait_indirect_dma semaphore(%arg58 : memref<!tpu.dma_semaphore, #tpu.memory_space<semaphore_mem>>) src(%dma_wait3A_822 : memref<100000xf32, #tpu.memory_space<hbm>>) dst(%dma_wait3A_815 : memref<512xf32, #tpu.memory_space<vmem>>)
    %dma_wait3A_823 = arith.constant 0 : i32
    %dma_wait3A_824 = arith.constant 12800 : i32
    %dma_wait3A_825 = tpu.memref_slice %arg56[%dma_wait3A_824] : memref<13312xf32, #tpu.memory_space<vmem>> -> memref<512xf32, #tpu.memory_space<vmem>>
    %dma_wait3A_826 = arith.constant 12800 : i32
    %dma_wait3A_827 = tpu.memref_slice %arg55[%dma_wait3A_826] : memref<13312xi32, #tpu.memory_space<vmem>> -> memref<512xi32, #tpu.memory_space<vmem>>
    %dma_wait3A_828 = arith.constant 0 : i32
    %dma_wait3A_829 = tpu.memref_slice %arg53[%dma_wait3A_823, %dma_wait3A_828] : memref<1x100000xf32, #tpu.memory_space<hbm>> -> memref<1x100000xf32, #tpu.memory_space<hbm>>
    %dma_wait3A_830 = tpu.memref_squeeze %dma_wait3A_829 : memref<1x100000xf32, #tpu.memory_space<hbm>> -> memref<100000xf32, #tpu.memory_space<hbm>>
    %dma_wait3A_831 = arith.constant 0 : i32
    %dma_wait3A_832 = tpu.memref_slice %dma_wait3A_830[%dma_wait3A_831] : memref<100000xf32, #tpu.memory_space<hbm>> -> memref<100000xf32, #tpu.memory_space<hbm>>
    tpu.wait_indirect_dma semaphore(%arg58 : memref<!tpu.dma_semaphore, #tpu.memory_space<semaphore_mem>>) src(%dma_wait3A_832 : memref<100000xf32, #tpu.memory_space<hbm>>) dst(%dma_wait3A_825 : memref<512xf32, #tpu.memory_space<vmem>>)
    %get3A = arith.constant 0 : index
    %get3A_833 = tpu.vector_load %arg56[%get3A] {strides = array<i32>} : memref<13312xf32, #tpu.memory_space<vmem>>, vector<16xf32>,
    %get3A_834 = vector.shape_cast %get3A_833 : vector<16xf32> to vector<16xf32>
    %swap3A = arith.constant 0 : index
    %swap3A_835 = tpu.vector_load %arg57[%swap3A] {strides = array<i32>} : memref<512xf32, #tpu.memory_space<vmem>>, vector<16xf32>,
    %swap3A_836 = vector.shape_cast %swap3A_835 : vector<16xf32> to vector<16xf32>
    %swap3A_837 = vector.shape_cast %get3A_834 : vector<16xf32> to vector<16xf32>
    tpu.vector_store %arg57[%swap3A], %swap3A_837 {strides = array<i32>} : memref<512xf32, #tpu.memory_space<vmem>>, vector<16xf32>,
    %get3A_838 = arith.constant 16 : index
    %get3A_839 = tpu.vector_load %arg56[%get3A_838] {strides = array<i32>} : memref<13312xf32, #tpu.memory_space<vmem>>, vector<16xf32>,
    %get3A_840 = vector.shape_cast %get3A_839 : vector<16xf32> to vector<16xf32>
    %swap3A_841 = arith.constant 16 : index
    %swap3A_842 = tpu.vector_load %arg57[%swap3A_841] {strides = array<i32>} : memref<512xf32, #tpu.memory_space<vmem>>, vector<16xf32>,
    %swap3A_843 = vector.shape_cast %swap3A_842 : vector<16xf32> to vector<16xf32>
    %swap3A_844 = vector.shape_cast %get3A_840 : vector<16xf32> to vector<16xf32>
    tpu.vector_store %arg57[%swap3A_841], %swap3A_844 {strides = array<i32>} : memref<512xf32, #tpu.memory_space<vmem>>, vector<16xf32>,
    %get3A_845 = arith.constant 32 : index
    %get3A_846 = tpu.vector_load %arg56[%get3A_845] {strides = array<i32>} : memref<13312xf32, #tpu.memory_space<vmem>>, vector<16xf32>,
    %get3A_847 = vector.shape_cast %get3A_846 : vector<16xf32> to vector<16xf32>
    %swap3A_848 = arith.constant 32 : index
    %swap3A_849 = tpu.vector_load %arg57[%swap3A_848] {strides = array<i32>} : memref<512xf32, #tpu.memory_space<vmem>>, vector<16xf32>,
    %swap3A_850 = vector.shape_cast %swap3A_849 : vector<16xf32> to vector<16xf32>
    %swap3A_851 = vector.shape_cast %get3A_847 : vector<16xf32> to vector<16xf32>
    tpu.vector_store %arg57[%swap3A_848], %swap3A_851 {strides = array<i32>} : memref<512xf32, #tpu.memory_space<vmem>>, vector<16xf32>,
    %get3A_852 = arith.constant 48 : index
    %get3A_853 = tpu.vector_load %arg56[%get3A_852] {strides = array<i32>} : memref<13312xf32, #tpu.memory_space<vmem>>, vector<16xf32>,
    %get3A_854 = vector.shape_cast %get3A_853 : vector<16xf32> to vector<16xf32>
    %swap3A_855 = arith.constant 48 : index
    %swap3A_856 = tpu.vector_load %arg57[%swap3A_855] {strides = array<i32>} : memref<512xf32, #tpu.memory_space<vmem>>, vector<16xf32>,
    %swap3A_857 = vector.shape_cast %swap3A_856 : vector<16xf32> to vector<16xf32>
    %swap3A_858 = vector.shape_cast %get3A_854 : vector<16xf32> to vector<16xf32>
    tpu.vector_store %arg57[%swap3A_855], %swap3A_858 {strides = array<i32>} : memref<512xf32, #tpu.memory_space<vmem>>, vector<16xf32>,
    %get3A_859 = arith.constant 64 : index
    %get3A_860 = tpu.vector_load %arg56[%get3A_859] {strides = array<i32>} : memref<13312xf32, #tpu.memory_space<vmem>>, vector<16xf32>,
    %get3A_861 = vector.shape_cast %get3A_860 : vector<16xf32> to vector<16xf32>
    %swap3A_862 = arith.constant 64 : index
    %swap3A_863 = tpu.vector_load %arg57[%swap3A_862] {strides = array<i32>} : memref<512xf32, #tpu.memory_space<vmem>>, vector<16xf32>,
    %swap3A_864 = vector.shape_cast %swap3A_863 : vector<16xf32> to vector<16xf32>
    %swap3A_865 = vector.shape_cast %get3A_861 : vector<16xf32> to vector<16xf32>
    tpu.vector_store %arg57[%swap3A_862], %swap3A_865 {strides = array<i32>} : memref<512xf32, #tpu.memory_space<vmem>>, vector<16xf32>,
    %get3A_866 = arith.constant 80 : index
    %get3A_867 = tpu.vector_load %arg56[%get3A_866] {strides = array<i32>} : memref<13312xf32, #tpu.memory_space<vmem>>, vector<16xf32>,
    %get3A_868 = vector.shape_cast %get3A_867 : vector<16xf32> to vector<16xf32>
    %swap3A_869 = arith.constant 80 : index
    %swap3A_870 = tpu.vector_load %arg57[%swap3A_869] {strides = array<i32>} : memref<512xf32, #tpu.memory_space<vmem>>, vector<16xf32>,
    %swap3A_871 = vector.shape_cast %swap3A_870 : vector<16xf32> to vector<16xf32>
    %swap3A_872 = vector.shape_cast %get3A_868 : vector<16xf32> to vector<16xf32>
    tpu.vector_store %arg57[%swap3A_869], %swap3A_872 {strides = array<i32>} : memref<512xf32, #tpu.memory_space<vmem>>, vector<16xf32>,
    %get3A_873 = arith.constant 96 : index
    %get3A_874 = tpu.vector_load %arg56[%get3A_873] {strides = array<i32>} : memref<13312xf32, #tpu.memory_space<vmem>>, vector<16xf32>,
    %get3A_875 = vector.shape_cast %get3A_874 : vector<16xf32> to vector<16xf32>
    %swap3A_876 = arith.constant 96 : index
    %swap3A_877 = tpu.vector_load %arg57[%swap3A_876] {strides = array<i32>} : memref<512xf32, #tpu.memory_space<vmem>>, vector<16xf32>,
    %swap3A_878 = vector.shape_cast %swap3A_877 : vector<16xf32> to vector<16xf32>
    %swap3A_879 = vector.shape_cast %get3A_875 : vector<16xf32> to vector<16xf32>
    tpu.vector_store %arg57[%swap3A_876], %swap3A_879 {strides = array<i32>} : memref<512xf32, #tpu.memory_space<vmem>>, vector<16xf32>,
    %get3A_880 = arith.constant 112 : index
    %get3A_881 = tpu.vector_load %arg56[%get3A_880] {strides = array<i32>} : memref<13312xf32, #tpu.memory_space<vmem>>, vector<16xf32>,
    %get3A_882 = vector.shape_cast %get3A_881 : vector<16xf32> to vector<16xf32>
    %swap3A_883 = arith.constant 112 : index
    %swap3A_884 = tpu.vector_load %arg57[%swap3A_883] {strides = array<i32>} : memref<512xf32, #tpu.memory_space<vmem>>, vector<16xf32>,
    %swap3A_885 = vector.shape_cast %swap3A_884 : vector<16xf32> to vector<16xf32>
    %swap3A_886 = vector.shape_cast %get3A_882 : vector<16xf32> to vector<16xf32>
    tpu.vector_store %arg57[%swap3A_883], %swap3A_886 {strides = array<i32>} : memref<512xf32, #tpu.memory_space<vmem>>, vector<16xf32>,
    %get3A_887 = arith.constant 128 : index
    %get3A_888 = tpu.vector_load %arg56[%get3A_887] {strides = array<i32>} : memref<13312xf32, #tpu.memory_space<vmem>>, vector<16xf32>,
    %get3A_889 = vector.shape_cast %get3A_888 : vector<16xf32> to vector<16xf32>
    %swap3A_890 = arith.constant 128 : index
    %swap3A_891 = tpu.vector_load %arg57[%swap3A_890] {strides = array<i32>} : memref<512xf32, #tpu.memory_space<vmem>>, vector<16xf32>,
    %swap3A_892 = vector.shape_cast %swap3A_891 : vector<16xf32> to vector<16xf32>
    %swap3A_893 = vector.shape_cast %get3A_889 : vector<16xf32> to vector<16xf32>
    tpu.vector_store %arg57[%swap3A_890], %swap3A_893 {strides = array<i32>} : memref<512xf32, #tpu.memory_space<vmem>>, vector<16xf32>,
    %get3A_894 = arith.constant 144 : index
    %get3A_895 = tpu.vector_load %arg56[%get3A_894] {strides = array<i32>} : memref<13312xf32, #tpu.memory_space<vmem>>, vector<16xf32>,
    %get3A_896 = vector.shape_cast %get3A_895 : vector<16xf32> to vector<16xf32>
    %swap3A_897 = arith.constant 144 : index
    %swap3A_898 = tpu.vector_load %arg57[%swap3A_897] {strides = array<i32>} : memref<512xf32, #tpu.memory_space<vmem>>, vector<16xf32>,
    %swap3A_899 = vector.shape_cast %swap3A_898 : vector<16xf32> to vector<16xf32>
    %swap3A_900 = vector.shape_cast %get3A_896 : vector<16xf32> to vector<16xf32>
    tpu.vector_store %arg57[%swap3A_897], %swap3A_900 {strides = array<i32>} : memref<512xf32, #tpu.memory_space<vmem>>, vector<16xf32>,
    %get3A_901 = arith.constant 160 : index
    %get3A_902 = tpu.vector_load %arg56[%get3A_901] {strides = array<i32>} : memref<13312xf32, #tpu.memory_space<vmem>>, vector<16xf32>,
    %get3A_903 = vector.shape_cast %get3A_902 : vector<16xf32> to vector<16xf32>
    %swap3A_904 = arith.constant 160 : index
    %swap3A_905 = tpu.vector_load %arg57[%swap3A_904] {strides = array<i32>} : memref<512xf32, #tpu.memory_space<vmem>>, vector<16xf32>,
    %swap3A_906 = vector.shape_cast %swap3A_905 : vector<16xf32> to vector<16xf32>
    %swap3A_907 = vector.shape_cast %get3A_903 : vector<16xf32> to vector<16xf32>
    tpu.vector_store %arg57[%swap3A_904], %swap3A_907 {strides = array<i32>} : memref<512xf32, #tpu.memory_space<vmem>>, vector<16xf32>,
    %get3A_908 = arith.constant 176 : index
    %get3A_909 = tpu.vector_load %arg56[%get3A_908] {strides = array<i32>} : memref<13312xf32, #tpu.memory_space<vmem>>, vector<16xf32>,
    %get3A_910 = vector.shape_cast %get3A_909 : vector<16xf32> to vector<16xf32>
    %swap3A_911 = arith.constant 176 : index
    %swap3A_912 = tpu.vector_load %arg57[%swap3A_911] {strides = array<i32>} : memref<512xf32, #tpu.memory_space<vmem>>, vector<16xf32>,
    %swap3A_913 = vector.shape_cast %swap3A_912 : vector<16xf32> to vector<16xf32>
    %swap3A_914 = vector.shape_cast %get3A_910 : vector<16xf32> to vector<16xf32>
    tpu.vector_store %arg57[%swap3A_911], %swap3A_914 {strides = array<i32>} : memref<512xf32, #tpu.memory_space<vmem>>, vector<16xf32>,
    %get3A_915 = arith.constant 192 : index
    %get3A_916 = tpu.vector_load %arg56[%get3A_915] {strides = array<i32>} : memref<13312xf32, #tpu.memory_space<vmem>>, vector<16xf32>,
    %get3A_917 = vector.shape_cast %get3A_916 : vector<16xf32> to vector<16xf32>
    %swap3A_918 = arith.constant 192 : index
    %swap3A_919 = tpu.vector_load %arg57[%swap3A_918] {strides = array<i32>} : memref<512xf32, #tpu.memory_space<vmem>>, vector<16xf32>,
    %swap3A_920 = vector.shape_cast %swap3A_919 : vector<16xf32> to vector<16xf32>
    %swap3A_921 = vector.shape_cast %get3A_917 : vector<16xf32> to vector<16xf32>
    tpu.vector_store %arg57[%swap3A_918], %swap3A_921 {strides = array<i32>} : memref<512xf32, #tpu.memory_space<vmem>>, vector<16xf32>,
    %get3A_922 = arith.constant 208 : index
    %get3A_923 = tpu.vector_load %arg56[%get3A_922] {strides = array<i32>} : memref<13312xf32, #tpu.memory_space<vmem>>, vector<16xf32>,
    %get3A_924 = vector.shape_cast %get3A_923 : vector<16xf32> to vector<16xf32>
    %swap3A_925 = arith.constant 208 : index
    %swap3A_926 = tpu.vector_load %arg57[%swap3A_925] {strides = array<i32>} : memref<512xf32, #tpu.memory_space<vmem>>, vector<16xf32>,
    %swap3A_927 = vector.shape_cast %swap3A_926 : vector<16xf32> to vector<16xf32>
    %swap3A_928 = vector.shape_cast %get3A_924 : vector<16xf32> to vector<16xf32>
    tpu.vector_store %arg57[%swap3A_925], %swap3A_928 {strides = array<i32>} : memref<512xf32, #tpu.memory_space<vmem>>, vector<16xf32>,
    %get3A_929 = arith.constant 224 : index
    %get3A_930 = tpu.vector_load %arg56[%get3A_929] {strides = array<i32>} : memref<13312xf32, #tpu.memory_space<vmem>>, vector<16xf32>,
    %get3A_931 = vector.shape_cast %get3A_930 : vector<16xf32> to vector<16xf32>
    %swap3A_932 = arith.constant 224 : index
    %swap3A_933 = tpu.vector_load %arg57[%swap3A_932] {strides = array<i32>} : memref<512xf32, #tpu.memory_space<vmem>>, vector<16xf32>,
    %swap3A_934 = vector.shape_cast %swap3A_933 : vector<16xf32> to vector<16xf32>
    %swap3A_935 = vector.shape_cast %get3A_931 : vector<16xf32> to vector<16xf32>
    tpu.vector_store %arg57[%swap3A_932], %swap3A_935 {strides = array<i32>} : memref<512xf32, #tpu.memory_space<vmem>>, vector<16xf32>,
    %get3A_936 = arith.constant 240 : index
    %get3A_937 = tpu.vector_load %arg56[%get3A_936] {strides = array<i32>} : memref<13312xf32, #tpu.memory_space<vmem>>, vector<16xf32>,
    %get3A_938 = vector.shape_cast %get3A_937 : vector<16xf32> to vector<16xf32>
    %swap3A_939 = arith.constant 240 : index
    %swap3A_940 = tpu.vector_load %arg57[%swap3A_939] {strides = array<i32>} : memref<512xf32, #tpu.memory_space<vmem>>, vector<16xf32>,
    %swap3A_941 = vector.shape_cast %swap3A_940 : vector<16xf32> to vector<16xf32>
    %swap3A_942 = vector.shape_cast %get3A_938 : vector<16xf32> to vector<16xf32>
    tpu.vector_store %arg57[%swap3A_939], %swap3A_942 {strides = array<i32>} : memref<512xf32, #tpu.memory_space<vmem>>, vector<16xf32>,
    %get3A_943 = arith.constant 256 : index
    %get3A_944 = tpu.vector_load %arg56[%get3A_943] {strides = array<i32>} : memref<13312xf32, #tpu.memory_space<vmem>>, vector<16xf32>,
    %get3A_945 = vector.shape_cast %get3A_944 : vector<16xf32> to vector<16xf32>
    %swap3A_946 = arith.constant 256 : index
    %swap3A_947 = tpu.vector_load %arg57[%swap3A_946] {strides = array<i32>} : memref<512xf32, #tpu.memory_space<vmem>>, vector<16xf32>,
    %swap3A_948 = vector.shape_cast %swap3A_947 : vector<16xf32> to vector<16xf32>
    %swap3A_949 = vector.shape_cast %get3A_945 : vector<16xf32> to vector<16xf32>
    tpu.vector_store %arg57[%swap3A_946], %swap3A_949 {strides = array<i32>} : memref<512xf32, #tpu.memory_space<vmem>>, vector<16xf32>,
    %get3A_950 = arith.constant 272 : index
    %get3A_951 = tpu.vector_load %arg56[%get3A_950] {strides = array<i32>} : memref<13312xf32, #tpu.memory_space<vmem>>, vector<16xf32>,
    %get3A_952 = vector.shape_cast %get3A_951 : vector<16xf32> to vector<16xf32>
    %swap3A_953 = arith.constant 272 : index
    %swap3A_954 = tpu.vector_load %arg57[%swap3A_953] {strides = array<i32>} : memref<512xf32, #tpu.memory_space<vmem>>, vector<16xf32>,
    %swap3A_955 = vector.shape_cast %swap3A_954 : vector<16xf32> to vector<16xf32>
    %swap3A_956 = vector.shape_cast %get3A_952 : vector<16xf32> to vector<16xf32>
    tpu.vector_store %arg57[%swap3A_953], %swap3A_956 {strides = array<i32>} : memref<512xf32, #tpu.memory_space<vmem>>, vector<16xf32>,
    %get3A_957 = arith.constant 288 : index
    %get3A_958 = tpu.vector_load %arg56[%get3A_957] {strides = array<i32>} : memref<13312xf32, #tpu.memory_space<vmem>>, vector<16xf32>,
    %get3A_959 = vector.shape_cast %get3A_958 : vector<16xf32> to vector<16xf32>
    %swap3A_960 = arith.constant 288 : index
    %swap3A_961 = tpu.vector_load %arg57[%swap3A_960] {strides = array<i32>} : memref<512xf32, #tpu.memory_space<vmem>>, vector<16xf32>,
    %swap3A_962 = vector.shape_cast %swap3A_961 : vector<16xf32> to vector<16xf32>
    %swap3A_963 = vector.shape_cast %get3A_959 : vector<16xf32> to vector<16xf32>
    tpu.vector_store %arg57[%swap3A_960], %swap3A_963 {strides = array<i32>} : memref<512xf32, #tpu.memory_space<vmem>>, vector<16xf32>,
    %get3A_964 = arith.constant 304 : index
    %get3A_965 = tpu.vector_load %arg56[%get3A_964] {strides = array<i32>} : memref<13312xf32, #tpu.memory_space<vmem>>, vector<16xf32>,
    %get3A_966 = vector.shape_cast %get3A_965 : vector<16xf32> to vector<16xf32>
    %swap3A_967 = arith.constant 304 : index
    %swap3A_968 = tpu.vector_load %arg57[%swap3A_967] {strides = array<i32>} : memref<512xf32, #tpu.memory_space<vmem>>, vector<16xf32>,
    %swap3A_969 = vector.shape_cast %swap3A_968 : vector<16xf32> to vector<16xf32>
    %swap3A_970 = vector.shape_cast %get3A_966 : vector<16xf32> to vector<16xf32>
    tpu.vector_store %arg57[%swap3A_967], %swap3A_970 {strides = array<i32>} : memref<512xf32, #tpu.memory_space<vmem>>, vector<16xf32>,
    %get3A_971 = arith.constant 320 : index
    %get3A_972 = tpu.vector_load %arg56[%get3A_971] {strides = array<i32>} : memref<13312xf32, #tpu.memory_space<vmem>>, vector<16xf32>,
    %get3A_973 = vector.shape_cast %get3A_972 : vector<16xf32> to vector<16xf32>
    %swap3A_974 = arith.constant 320 : index
    %swap3A_975 = tpu.vector_load %arg57[%swap3A_974] {strides = array<i32>} : memref<512xf32, #tpu.memory_space<vmem>>, vector<16xf32>,
    %swap3A_976 = vector.shape_cast %swap3A_975 : vector<16xf32> to vector<16xf32>
    %swap3A_977 = vector.shape_cast %get3A_973 : vector<16xf32> to vector<16xf32>
    tpu.vector_store %arg57[%swap3A_974], %swap3A_977 {strides = array<i32>} : memref<512xf32, #tpu.memory_space<vmem>>, vector<16xf32>,
    %get3A_978 = arith.constant 336 : index
    %get3A_979 = tpu.vector_load %arg56[%get3A_978] {strides = array<i32>} : memref<13312xf32, #tpu.memory_space<vmem>>, vector<16xf32>,
    %get3A_980 = vector.shape_cast %get3A_979 : vector<16xf32> to vector<16xf32>
    %swap3A_981 = arith.constant 336 : index
    %swap3A_982 = tpu.vector_load %arg57[%swap3A_981] {strides = array<i32>} : memref<512xf32, #tpu.memory_space<vmem>>, vector<16xf32>,
    %swap3A_983 = vector.shape_cast %swap3A_982 : vector<16xf32> to vector<16xf32>
    %swap3A_984 = vector.shape_cast %get3A_980 : vector<16xf32> to vector<16xf32>
    tpu.vector_store %arg57[%swap3A_981], %swap3A_984 {strides = array<i32>} : memref<512xf32, #tpu.memory_space<vmem>>, vector<16xf32>,
    %get3A_985 = arith.constant 352 : index
    %get3A_986 = tpu.vector_load %arg56[%get3A_985] {strides = array<i32>} : memref<13312xf32, #tpu.memory_space<vmem>>, vector<16xf32>,
    %get3A_987 = vector.shape_cast %get3A_986 : vector<16xf32> to vector<16xf32>
    %swap3A_988 = arith.constant 352 : index
    %swap3A_989 = tpu.vector_load %arg57[%swap3A_988] {strides = array<i32>} : memref<512xf32, #tpu.memory_space<vmem>>, vector<16xf32>,
    %swap3A_990 = vector.shape_cast %swap3A_989 : vector<16xf32> to vector<16xf32>
    %swap3A_991 = vector.shape_cast %get3A_987 : vector<16xf32> to vector<16xf32>
    tpu.vector_store %arg57[%swap3A_988], %swap3A_991 {strides = array<i32>} : memref<512xf32, #tpu.memory_space<vmem>>, vector<16xf32>,
    %get3A_992 = arith.constant 368 : index
    %get3A_993 = tpu.vector_load %arg56[%get3A_992] {strides = array<i32>} : memref<13312xf32, #tpu.memory_space<vmem>>, vector<16xf32>,
    %get3A_994 = vector.shape_cast %get3A_993 : vector<16xf32> to vector<16xf32>
    %swap3A_995 = arith.constant 368 : index
    %swap3A_996 = tpu.vector_load %arg57[%swap3A_995] {strides = array<i32>} : memref<512xf32, #tpu.memory_space<vmem>>, vector<16xf32>,
    %swap3A_997 = vector.shape_cast %swap3A_996 : vector<16xf32> to vector<16xf32>
    %swap3A_998 = vector.shape_cast %get3A_994 : vector<16xf32> to vector<16xf32>
    tpu.vector_store %arg57[%swap3A_995], %swap3A_998 {strides = array<i32>} : memref<512xf32, #tpu.memory_space<vmem>>, vector<16xf32>,
    %get3A_999 = arith.constant 384 : index
    %get3A_1000 = tpu.vector_load %arg56[%get3A_999] {strides = array<i32>} : memref<13312xf32, #tpu.memory_space<vmem>>, vector<16xf32>,
    %get3A_1001 = vector.shape_cast %get3A_1000 : vector<16xf32> to vector<16xf32>
    %swap3A_1002 = arith.constant 384 : index
    %swap3A_1003 = tpu.vector_load %arg57[%swap3A_1002] {strides = array<i32>} : memref<512xf32, #tpu.memory_space<vmem>>, vector<16xf32>,
    %swap3A_1004 = vector.shape_cast %swap3A_1003 : vector<16xf32> to vector<16xf32>
    %swap3A_1005 = vector.shape_cast %get3A_1001 : vector<16xf32> to vector<16xf32>
    tpu.vector_store %arg57[%swap3A_1002], %swap3A_1005 {strides = array<i32>} : memref<512xf32, #tpu.memory_space<vmem>>, vector<16xf32>,
    %get3A_1006 = arith.constant 400 : index
    %get3A_1007 = tpu.vector_load %arg56[%get3A_1006] {strides = array<i32>} : memref<13312xf32, #tpu.memory_space<vmem>>, vector<16xf32>,
    %get3A_1008 = vector.shape_cast %get3A_1007 : vector<16xf32> to vector<16xf32>
    %swap3A_1009 = arith.constant 400 : index
    %swap3A_1010 = tpu.vector_load %arg57[%swap3A_1009] {strides = array<i32>} : memref<512xf32, #tpu.memory_space<vmem>>, vector<16xf32>,
    %swap3A_1011 = vector.shape_cast %swap3A_1010 : vector<16xf32> to vector<16xf32>
    %swap3A_1012 = vector.shape_cast %get3A_1008 : vector<16xf32> to vector<16xf32>
    tpu.vector_store %arg57[%swap3A_1009], %swap3A_1012 {strides = array<i32>} : memref<512xf32, #tpu.memory_space<vmem>>, vector<16xf32>,
    %get3A_1013 = arith.constant 416 : index
    %get3A_1014 = tpu.vector_load %arg56[%get3A_1013] {strides = array<i32>} : memref<13312xf32, #tpu.memory_space<vmem>>, vector<16xf32>,
    %get3A_1015 = vector.shape_cast %get3A_1014 : vector<16xf32> to vector<16xf32>
    %swap3A_1016 = arith.constant 416 : index
    %swap3A_1017 = tpu.vector_load %arg57[%swap3A_1016] {strides = array<i32>} : memref<512xf32, #tpu.memory_space<vmem>>, vector<16xf32>,
    %swap3A_1018 = vector.shape_cast %swap3A_1017 : vector<16xf32> to vector<16xf32>
    %swap3A_1019 = vector.shape_cast %get3A_1015 : vector<16xf32> to vector<16xf32>
    tpu.vector_store %arg57[%swap3A_1016], %swap3A_1019 {strides = array<i32>} : memref<512xf32, #tpu.memory_space<vmem>>, vector<16xf32>,
    %get3A_1020 = arith.constant 432 : index
    %get3A_1021 = tpu.vector_load %arg56[%get3A_1020] {strides = array<i32>} : memref<13312xf32, #tpu.memory_space<vmem>>, vector<16xf32>,
    %get3A_1022 = vector.shape_cast %get3A_1021 : vector<16xf32> to vector<16xf32>
    %swap3A_1023 = arith.constant 432 : index
    %swap3A_1024 = tpu.vector_load %arg57[%swap3A_1023] {strides = array<i32>} : memref<512xf32, #tpu.memory_space<vmem>>, vector<16xf32>,
    %swap3A_1025 = vector.shape_cast %swap3A_1024 : vector<16xf32> to vector<16xf32>
    %swap3A_1026 = vector.shape_cast %get3A_1022 : vector<16xf32> to vector<16xf32>
    tpu.vector_store %arg57[%swap3A_1023], %swap3A_1026 {strides = array<i32>} : memref<512xf32, #tpu.memory_space<vmem>>, vector<16xf32>,
    %get3A_1027 = arith.constant 448 : index
    %get3A_1028 = tpu.vector_load %arg56[%get3A_1027] {strides = array<i32>} : memref<13312xf32, #tpu.memory_space<vmem>>, vector<16xf32>,
    %get3A_1029 = vector.shape_cast %get3A_1028 : vector<16xf32> to vector<16xf32>
    %swap3A_1030 = arith.constant 448 : index
    %swap3A_1031 = tpu.vector_load %arg57[%swap3A_1030] {strides = array<i32>} : memref<512xf32, #tpu.memory_space<vmem>>, vector<16xf32>,
    %swap3A_1032 = vector.shape_cast %swap3A_1031 : vector<16xf32> to vector<16xf32>
    %swap3A_1033 = vector.shape_cast %get3A_1029 : vector<16xf32> to vector<16xf32>
    tpu.vector_store %arg57[%swap3A_1030], %swap3A_1033 {strides = array<i32>} : memref<512xf32, #tpu.memory_space<vmem>>, vector<16xf32>,
    %get3A_1034 = arith.constant 464 : index
    %get3A_1035 = tpu.vector_load %arg56[%get3A_1034] {strides = array<i32>} : memref<13312xf32, #tpu.memory_space<vmem>>, vector<16xf32>,
    %get3A_1036 = vector.shape_cast %get3A_1035 : vector<16xf32> to vector<16xf32>
    %swap3A_1037 = arith.constant 464 : index
    %swap3A_1038 = tpu.vector_load %arg57[%swap3A_1037] {strides = array<i32>} : memref<512xf32, #tpu.memory_space<vmem>>, vector<16xf32>,
    %swap3A_1039 = vector.shape_cast %swap3A_1038 : vector<16xf32> to vector<16xf32>
    %swap3A_1040 = vector.shape_cast %get3A_1036 : vector<16xf32> to vector<16xf32>
    tpu.vector_store %arg57[%swap3A_1037], %swap3A_1040 {strides = array<i32>} : memref<512xf32, #tpu.memory_space<vmem>>, vector<16xf32>,
    %get3A_1041 = arith.constant 480 : index
    %get3A_1042 = tpu.vector_load %arg56[%get3A_1041] {strides = array<i32>} : memref<13312xf32, #tpu.memory_space<vmem>>, vector<16xf32>,
    %get3A_1043 = vector.shape_cast %get3A_1042 : vector<16xf32> to vector<16xf32>
    %swap3A_1044 = arith.constant 480 : index
    %swap3A_1045 = tpu.vector_load %arg57[%swap3A_1044] {strides = array<i32>} : memref<512xf32, #tpu.memory_space<vmem>>, vector<16xf32>,
    %swap3A_1046 = vector.shape_cast %swap3A_1045 : vector<16xf32> to vector<16xf32>
    %swap3A_1047 = vector.shape_cast %get3A_1043 : vector<16xf32> to vector<16xf32>
    tpu.vector_store %arg57[%swap3A_1044], %swap3A_1047 {strides = array<i32>} : memref<512xf32, #tpu.memory_space<vmem>>, vector<16xf32>,
    %get3A_1048 = arith.constant 496 : index
    %get3A_1049 = tpu.vector_load %arg56[%get3A_1048] {strides = array<i32>} : memref<13312xf32, #tpu.memory_space<vmem>>, vector<16xf32>,
    %get3A_1050 = vector.shape_cast %get3A_1049 : vector<16xf32> to vector<16xf32>
    %swap3A_1051 = arith.constant 496 : index
    %swap3A_1052 = tpu.vector_load %arg57[%swap3A_1051] {strides = array<i32>} : memref<512xf32, #tpu.memory_space<vmem>>, vector<16xf32>,
    %swap3A_1053 = vector.shape_cast %swap3A_1052 : vector<16xf32> to vector<16xf32>
    %swap3A_1054 = vector.shape_cast %get3A_1050 : vector<16xf32> to vector<16xf32>
    tpu.vector_store %arg57[%swap3A_1051], %swap3A_1054 {strides = array<i32>} : memref<512xf32, #tpu.memory_space<vmem>>, vector<16xf32>,
    %scan3A = arith.constant 0 : i32
    %scan3A_1055 = arith.constant 1 : i32
    %scan3A_1056 = arith.constant 25 : i32
    %scan3A_1057 = arith.addi %scan3A_1055, %scan3A_1056 : i32
    %scan3A_1058 = arith.constant 1 : i32
    scf.for %scan3A_1060 = %scan3A_1055 to %scan3A_1057 step %scan3A_1058  : i32 {
      %get3A_1061 = arith.constant 0 : index
      %get3A_1062 = tpu.vector_load %arg57[%get3A_1061] {strides = array<i32>} : memref<512xf32, #tpu.memory_space<vmem>>, vector<16xf32>,
      %get3A_1063 = vector.shape_cast %get3A_1062 : vector<16xf32> to vector<16xf32>
      %mul3A_1064 = arith.constant 512 : i32
      %mul3A_1065 = arith.muli %scan3A_1060, %mul3A_1064 : i32
      %add3A_1066 = arith.constant 0 : i32
      %add3A_1067 = arith.addi %mul3A_1065, %add3A_1066 : i32
      %get3A_1068 = arith.index_cast %add3A_1067 : i32 to index
      %get3A_1069 = tpu.vector_load %arg56[%get3A_1068] {strides = array<i32>} : memref<13312xf32, #tpu.memory_space<vmem>>, vector<16xf32>,
      %get3A_1070 = vector.shape_cast %get3A_1069 : vector<16xf32> to vector<16xf32>
      %add3A_1071 = arith.addf %get3A_1063, %get3A_1070 : vector<16xf32>
      %swap3A_1072 = arith.constant 0 : index
      %swap3A_1073 = tpu.vector_load %arg57[%swap3A_1072] {strides = array<i32>} : memref<512xf32, #tpu.memory_space<vmem>>, vector<16xf32>,
      %swap3A_1074 = vector.shape_cast %swap3A_1073 : vector<16xf32> to vector<16xf32>
      %swap3A_1075 = vector.shape_cast %add3A_1071 : vector<16xf32> to vector<16xf32>
      tpu.vector_store %arg57[%swap3A_1072], %swap3A_1075 {strides = array<i32>} : memref<512xf32, #tpu.memory_space<vmem>>, vector<16xf32>,
      %get3A_1076 = arith.constant 16 : index
      %get3A_1077 = tpu.vector_load %arg57[%get3A_1076] {strides = array<i32>} : memref<512xf32, #tpu.memory_space<vmem>>, vector<16xf32>,
      %get3A_1078 = vector.shape_cast %get3A_1077 : vector<16xf32> to vector<16xf32>
      %mul3A_1079 = arith.constant 512 : i32
      %mul3A_1080 = arith.muli %scan3A_1060, %mul3A_1079 : i32
      %add3A_1081 = arith.constant 16 : i32
      %add3A_1082 = arith.addi %mul3A_1080, %add3A_1081 : i32
      %get3A_1083 = arith.index_cast %add3A_1082 : i32 to index
      %get3A_1084 = tpu.vector_load %arg56[%get3A_1083] {strides = array<i32>} : memref<13312xf32, #tpu.memory_space<vmem>>, vector<16xf32>,
      %get3A_1085 = vector.shape_cast %get3A_1084 : vector<16xf32> to vector<16xf32>
      %add3A_1086 = arith.addf %get3A_1078, %get3A_1085 : vector<16xf32>
      %swap3A_1087 = arith.constant 16 : index
      %swap3A_1088 = tpu.vector_load %arg57[%swap3A_1087] {strides = array<i32>} : memref<512xf32, #tpu.memory_space<vmem>>, vector<16xf32>,
      %swap3A_1089 = vector.shape_cast %swap3A_1088 : vector<16xf32> to vector<16xf32>
      %swap3A_1090 = vector.shape_cast %add3A_1086 : vector<16xf32> to vector<16xf32>
      tpu.vector_store %arg57[%swap3A_1087], %swap3A_1090 {strides = array<i32>} : memref<512xf32, #tpu.memory_space<vmem>>, vector<16xf32>,
      %get3A_1091 = arith.constant 32 : index
      %get3A_1092 = tpu.vector_load %arg57[%get3A_1091] {strides = array<i32>} : memref<512xf32, #tpu.memory_space<vmem>>, vector<16xf32>,
      %get3A_1093 = vector.shape_cast %get3A_1092 : vector<16xf32> to vector<16xf32>
      %mul3A_1094 = arith.constant 512 : i32
      %mul3A_1095 = arith.muli %scan3A_1060, %mul3A_1094 : i32
      %add3A_1096 = arith.constant 32 : i32
      %add3A_1097 = arith.addi %mul3A_1095, %add3A_1096 : i32
      %get3A_1098 = arith.index_cast %add3A_1097 : i32 to index
      %get3A_1099 = tpu.vector_load %arg56[%get3A_1098] {strides = array<i32>} : memref<13312xf32, #tpu.memory_space<vmem>>, vector<16xf32>,
      %get3A_1100 = vector.shape_cast %get3A_1099 : vector<16xf32> to vector<16xf32>
      %add3A_1101 = arith.addf %get3A_1093, %get3A_1100 : vector<16xf32>
      %swap3A_1102 = arith.constant 32 : index
      %swap3A_1103 = tpu.vector_load %arg57[%swap3A_1102] {strides = array<i32>} : memref<512xf32, #tpu.memory_space<vmem>>, vector<16xf32>,
      %swap3A_1104 = vector.shape_cast %swap3A_1103 : vector<16xf32> to vector<16xf32>
      %swap3A_1105 = vector.shape_cast %add3A_1101 : vector<16xf32> to vector<16xf32>
      tpu.vector_store %arg57[%swap3A_1102], %swap3A_1105 {strides = array<i32>} : memref<512xf32, #tpu.memory_space<vmem>>, vector<16xf32>,
      %get3A_1106 = arith.constant 48 : index
      %get3A_1107 = tpu.vector_load %arg57[%get3A_1106] {strides = array<i32>} : memref<512xf32, #tpu.memory_space<vmem>>, vector<16xf32>,
      %get3A_1108 = vector.shape_cast %get3A_1107 : vector<16xf32> to vector<16xf32>
      %mul3A_1109 = arith.constant 512 : i32
      %mul3A_1110 = arith.muli %scan3A_1060, %mul3A_1109 : i32
      %add3A_1111 = arith.constant 48 : i32
      %add3A_1112 = arith.addi %mul3A_1110, %add3A_1111 : i32
      %get3A_1113 = arith.index_cast %add3A_1112 : i32 to index
      %get3A_1114 = tpu.vector_load %arg56[%get3A_1113] {strides = array<i32>} : memref<13312xf32, #tpu.memory_space<vmem>>, vector<16xf32>,
      %get3A_1115 = vector.shape_cast %get3A_1114 : vector<16xf32> to vector<16xf32>
      %add3A_1116 = arith.addf %get3A_1108, %get3A_1115 : vector<16xf32>
      %swap3A_1117 = arith.constant 48 : index
      %swap3A_1118 = tpu.vector_load %arg57[%swap3A_1117] {strides = array<i32>} : memref<512xf32, #tpu.memory_space<vmem>>, vector<16xf32>,
      %swap3A_1119 = vector.shape_cast %swap3A_1118 : vector<16xf32> to vector<16xf32>
      %swap3A_1120 = vector.shape_cast %add3A_1116 : vector<16xf32> to vector<16xf32>
      tpu.vector_store %arg57[%swap3A_1117], %swap3A_1120 {strides = array<i32>} : memref<512xf32, #tpu.memory_space<vmem>>, vector<16xf32>,
      %get3A_1121 = arith.constant 64 : index
      %get3A_1122 = tpu.vector_load %arg57[%get3A_1121] {strides = array<i32>} : memref<512xf32, #tpu.memory_space<vmem>>, vector<16xf32>,
      %get3A_1123 = vector.shape_cast %get3A_1122 : vector<16xf32> to vector<16xf32>
      %mul3A_1124 = arith.constant 512 : i32
      %mul3A_1125 = arith.muli %scan3A_1060, %mul3A_1124 : i32
      %add3A_1126 = arith.constant 64 : i32
      %add3A_1127 = arith.addi %mul3A_1125, %add3A_1126 : i32
      %get3A_1128 = arith.index_cast %add3A_1127 : i32 to index
      %get3A_1129 = tpu.vector_load %arg56[%get3A_1128] {strides = array<i32>} : memref<13312xf32, #tpu.memory_space<vmem>>, vector<16xf32>,
      %get3A_1130 = vector.shape_cast %get3A_1129 : vector<16xf32> to vector<16xf32>
      %add3A_1131 = arith.addf %get3A_1123, %get3A_1130 : vector<16xf32>
      %swap3A_1132 = arith.constant 64 : index
      %swap3A_1133 = tpu.vector_load %arg57[%swap3A_1132] {strides = array<i32>} : memref<512xf32, #tpu.memory_space<vmem>>, vector<16xf32>,
      %swap3A_1134 = vector.shape_cast %swap3A_1133 : vector<16xf32> to vector<16xf32>
      %swap3A_1135 = vector.shape_cast %add3A_1131 : vector<16xf32> to vector<16xf32>
      tpu.vector_store %arg57[%swap3A_1132], %swap3A_1135 {strides = array<i32>} : memref<512xf32, #tpu.memory_space<vmem>>, vector<16xf32>,
      %get3A_1136 = arith.constant 80 : index
      %get3A_1137 = tpu.vector_load %arg57[%get3A_1136] {strides = array<i32>} : memref<512xf32, #tpu.memory_space<vmem>>, vector<16xf32>,
      %get3A_1138 = vector.shape_cast %get3A_1137 : vector<16xf32> to vector<16xf32>
      %mul3A_1139 = arith.constant 512 : i32
      %mul3A_1140 = arith.muli %scan3A_1060, %mul3A_1139 : i32
      %add3A_1141 = arith.constant 80 : i32
      %add3A_1142 = arith.addi %mul3A_1140, %add3A_1141 : i32
      %get3A_1143 = arith.index_cast %add3A_1142 : i32 to index
      %get3A_1144 = tpu.vector_load %arg56[%get3A_1143] {strides = array<i32>} : memref<13312xf32, #tpu.memory_space<vmem>>, vector<16xf32>,
      %get3A_1145 = vector.shape_cast %get3A_1144 : vector<16xf32> to vector<16xf32>
      %add3A_1146 = arith.addf %get3A_1138, %get3A_1145 : vector<16xf32>
      %swap3A_1147 = arith.constant 80 : index
      %swap3A_1148 = tpu.vector_load %arg57[%swap3A_1147] {strides = array<i32>} : memref<512xf32, #tpu.memory_space<vmem>>, vector<16xf32>,
      %swap3A_1149 = vector.shape_cast %swap3A_1148 : vector<16xf32> to vector<16xf32>
      %swap3A_1150 = vector.shape_cast %add3A_1146 : vector<16xf32> to vector<16xf32>
      tpu.vector_store %arg57[%swap3A_1147], %swap3A_1150 {strides = array<i32>} : memref<512xf32, #tpu.memory_space<vmem>>, vector<16xf32>,
      %get3A_1151 = arith.constant 96 : index
      %get3A_1152 = tpu.vector_load %arg57[%get3A_1151] {strides = array<i32>} : memref<512xf32, #tpu.memory_space<vmem>>, vector<16xf32>,
      %get3A_1153 = vector.shape_cast %get3A_1152 : vector<16xf32> to vector<16xf32>
      %mul3A_1154 = arith.constant 512 : i32
      %mul3A_1155 = arith.muli %scan3A_1060, %mul3A_1154 : i32
      %add3A_1156 = arith.constant 96 : i32
      %add3A_1157 = arith.addi %mul3A_1155, %add3A_1156 : i32
      %get3A_1158 = arith.index_cast %add3A_1157 : i32 to index
      %get3A_1159 = tpu.vector_load %arg56[%get3A_1158] {strides = array<i32>} : memref<13312xf32, #tpu.memory_space<vmem>>, vector<16xf32>,
      %get3A_1160 = vector.shape_cast %get3A_1159 : vector<16xf32> to vector<16xf32>
      %add3A_1161 = arith.addf %get3A_1153, %get3A_1160 : vector<16xf32>
      %swap3A_1162 = arith.constant 96 : index
      %swap3A_1163 = tpu.vector_load %arg57[%swap3A_1162] {strides = array<i32>} : memref<512xf32, #tpu.memory_space<vmem>>, vector<16xf32>,
      %swap3A_1164 = vector.shape_cast %swap3A_1163 : vector<16xf32> to vector<16xf32>
      %swap3A_1165 = vector.shape_cast %add3A_1161 : vector<16xf32> to vector<16xf32>
      tpu.vector_store %arg57[%swap3A_1162], %swap3A_1165 {strides = array<i32>} : memref<512xf32, #tpu.memory_space<vmem>>, vector<16xf32>,
      %get3A_1166 = arith.constant 112 : index
      %get3A_1167 = tpu.vector_load %arg57[%get3A_1166] {strides = array<i32>} : memref<512xf32, #tpu.memory_space<vmem>>, vector<16xf32>,
      %get3A_1168 = vector.shape_cast %get3A_1167 : vector<16xf32> to vector<16xf32>
      %mul3A_1169 = arith.constant 512 : i32
      %mul3A_1170 = arith.muli %scan3A_1060, %mul3A_1169 : i32
      %add3A_1171 = arith.constant 112 : i32
      %add3A_1172 = arith.addi %mul3A_1170, %add3A_1171 : i32
      %get3A_1173 = arith.index_cast %add3A_1172 : i32 to index
      %get3A_1174 = tpu.vector_load %arg56[%get3A_1173] {strides = array<i32>} : memref<13312xf32, #tpu.memory_space<vmem>>, vector<16xf32>,
      %get3A_1175 = vector.shape_cast %get3A_1174 : vector<16xf32> to vector<16xf32>
      %add3A_1176 = arith.addf %get3A_1168, %get3A_1175 : vector<16xf32>
      %swap3A_1177 = arith.constant 112 : index
      %swap3A_1178 = tpu.vector_load %arg57[%swap3A_1177] {strides = array<i32>} : memref<512xf32, #tpu.memory_space<vmem>>, vector<16xf32>,
      %swap3A_1179 = vector.shape_cast %swap3A_1178 : vector<16xf32> to vector<16xf32>
      %swap3A_1180 = vector.shape_cast %add3A_1176 : vector<16xf32> to vector<16xf32>
      tpu.vector_store %arg57[%swap3A_1177], %swap3A_1180 {strides = array<i32>} : memref<512xf32, #tpu.memory_space<vmem>>, vector<16xf32>,
      %get3A_1181 = arith.constant 128 : index
      %get3A_1182 = tpu.vector_load %arg57[%get3A_1181] {strides = array<i32>} : memref<512xf32, #tpu.memory_space<vmem>>, vector<16xf32>,
      %get3A_1183 = vector.shape_cast %get3A_1182 : vector<16xf32> to vector<16xf32>
      %mul3A_1184 = arith.constant 512 : i32
      %mul3A_1185 = arith.muli %scan3A_1060, %mul3A_1184 : i32
      %add3A_1186 = arith.constant 128 : i32
      %add3A_1187 = arith.addi %mul3A_1185, %add3A_1186 : i32
      %get3A_1188 = arith.index_cast %add3A_1187 : i32 to index
      %get3A_1189 = tpu.vector_load %arg56[%get3A_1188] {strides = array<i32>} : memref<13312xf32, #tpu.memory_space<vmem>>, vector<16xf32>,
      %get3A_1190 = vector.shape_cast %get3A_1189 : vector<16xf32> to vector<16xf32>
      %add3A_1191 = arith.addf %get3A_1183, %get3A_1190 : vector<16xf32>
      %swap3A_1192 = arith.constant 128 : index
      %swap3A_1193 = tpu.vector_load %arg57[%swap3A_1192] {strides = array<i32>} : memref<512xf32, #tpu.memory_space<vmem>>, vector<16xf32>,
      %swap3A_1194 = vector.shape_cast %swap3A_1193 : vector<16xf32> to vector<16xf32>
      %swap3A_1195 = vector.shape_cast %add3A_1191 : vector<16xf32> to vector<16xf32>
      tpu.vector_store %arg57[%swap3A_1192], %swap3A_1195 {strides = array<i32>} : memref<512xf32, #tpu.memory_space<vmem>>, vector<16xf32>,
      %get3A_1196 = arith.constant 144 : index
      %get3A_1197 = tpu.vector_load %arg57[%get3A_1196] {strides = array<i32>} : memref<512xf32, #tpu.memory_space<vmem>>, vector<16xf32>,
      %get3A_1198 = vector.shape_cast %get3A_1197 : vector<16xf32> to vector<16xf32>
      %mul3A_1199 = arith.constant 512 : i32
      %mul3A_1200 = arith.muli %scan3A_1060, %mul3A_1199 : i32
      %add3A_1201 = arith.constant 144 : i32
      %add3A_1202 = arith.addi %mul3A_1200, %add3A_1201 : i32
      %get3A_1203 = arith.index_cast %add3A_1202 : i32 to index
      %get3A_1204 = tpu.vector_load %arg56[%get3A_1203] {strides = array<i32>} : memref<13312xf32, #tpu.memory_space<vmem>>, vector<16xf32>,
      %get3A_1205 = vector.shape_cast %get3A_1204 : vector<16xf32> to vector<16xf32>
      %add3A_1206 = arith.addf %get3A_1198, %get3A_1205 : vector<16xf32>
      %swap3A_1207 = arith.constant 144 : index
      %swap3A_1208 = tpu.vector_load %arg57[%swap3A_1207] {strides = array<i32>} : memref<512xf32, #tpu.memory_space<vmem>>, vector<16xf32>,
      %swap3A_1209 = vector.shape_cast %swap3A_1208 : vector<16xf32> to vector<16xf32>
      %swap3A_1210 = vector.shape_cast %add3A_1206 : vector<16xf32> to vector<16xf32>
      tpu.vector_store %arg57[%swap3A_1207], %swap3A_1210 {strides = array<i32>} : memref<512xf32, #tpu.memory_space<vmem>>, vector<16xf32>,
      %get3A_1211 = arith.constant 160 : index
      %get3A_1212 = tpu.vector_load %arg57[%get3A_1211] {strides = array<i32>} : memref<512xf32, #tpu.memory_space<vmem>>, vector<16xf32>,
      %get3A_1213 = vector.shape_cast %get3A_1212 : vector<16xf32> to vector<16xf32>
      %mul3A_1214 = arith.constant 512 : i32
      %mul3A_1215 = arith.muli %scan3A_1060, %mul3A_1214 : i32
      %add3A_1216 = arith.constant 160 : i32
      %add3A_1217 = arith.addi %mul3A_1215, %add3A_1216 : i32
      %get3A_1218 = arith.index_cast %add3A_1217 : i32 to index
      %get3A_1219 = tpu.vector_load %arg56[%get3A_1218] {strides = array<i32>} : memref<13312xf32, #tpu.memory_space<vmem>>, vector<16xf32>,
      %get3A_1220 = vector.shape_cast %get3A_1219 : vector<16xf32> to vector<16xf32>
      %add3A_1221 = arith.addf %get3A_1213, %get3A_1220 : vector<16xf32>
      %swap3A_1222 = arith.constant 160 : index
      %swap3A_1223 = tpu.vector_load %arg57[%swap3A_1222] {strides = array<i32>} : memref<512xf32, #tpu.memory_space<vmem>>, vector<16xf32>,
      %swap3A_1224 = vector.shape_cast %swap3A_1223 : vector<16xf32> to vector<16xf32>
      %swap3A_1225 = vector.shape_cast %add3A_1221 : vector<16xf32> to vector<16xf32>
      tpu.vector_store %arg57[%swap3A_1222], %swap3A_1225 {strides = array<i32>} : memref<512xf32, #tpu.memory_space<vmem>>, vector<16xf32>,
      %get3A_1226 = arith.constant 176 : index
      %get3A_1227 = tpu.vector_load %arg57[%get3A_1226] {strides = array<i32>} : memref<512xf32, #tpu.memory_space<vmem>>, vector<16xf32>,
      %get3A_1228 = vector.shape_cast %get3A_1227 : vector<16xf32> to vector<16xf32>
      %mul3A_1229 = arith.constant 512 : i32
      %mul3A_1230 = arith.muli %scan3A_1060, %mul3A_1229 : i32
      %add3A_1231 = arith.constant 176 : i32
      %add3A_1232 = arith.addi %mul3A_1230, %add3A_1231 : i32
      %get3A_1233 = arith.index_cast %add3A_1232 : i32 to index
      %get3A_1234 = tpu.vector_load %arg56[%get3A_1233] {strides = array<i32>} : memref<13312xf32, #tpu.memory_space<vmem>>, vector<16xf32>,
      %get3A_1235 = vector.shape_cast %get3A_1234 : vector<16xf32> to vector<16xf32>
      %add3A_1236 = arith.addf %get3A_1228, %get3A_1235 : vector<16xf32>
      %swap3A_1237 = arith.constant 176 : index
      %swap3A_1238 = tpu.vector_load %arg57[%swap3A_1237] {strides = array<i32>} : memref<512xf32, #tpu.memory_space<vmem>>, vector<16xf32>,
      %swap3A_1239 = vector.shape_cast %swap3A_1238 : vector<16xf32> to vector<16xf32>
      %swap3A_1240 = vector.shape_cast %add3A_1236 : vector<16xf32> to vector<16xf32>
      tpu.vector_store %arg57[%swap3A_1237], %swap3A_1240 {strides = array<i32>} : memref<512xf32, #tpu.memory_space<vmem>>, vector<16xf32>,
      %get3A_1241 = arith.constant 192 : index
      %get3A_1242 = tpu.vector_load %arg57[%get3A_1241] {strides = array<i32>} : memref<512xf32, #tpu.memory_space<vmem>>, vector<16xf32>,
      %get3A_1243 = vector.shape_cast %get3A_1242 : vector<16xf32> to vector<16xf32>
      %mul3A_1244 = arith.constant 512 : i32
      %mul3A_1245 = arith.muli %scan3A_1060, %mul3A_1244 : i32
      %add3A_1246 = arith.constant 192 : i32
      %add3A_1247 = arith.addi %mul3A_1245, %add3A_1246 : i32
      %get3A_1248 = arith.index_cast %add3A_1247 : i32 to index
      %get3A_1249 = tpu.vector_load %arg56[%get3A_1248] {strides = array<i32>} : memref<13312xf32, #tpu.memory_space<vmem>>, vector<16xf32>,
      %get3A_1250 = vector.shape_cast %get3A_1249 : vector<16xf32> to vector<16xf32>
      %add3A_1251 = arith.addf %get3A_1243, %get3A_1250 : vector<16xf32>
      %swap3A_1252 = arith.constant 192 : index
      %swap3A_1253 = tpu.vector_load %arg57[%swap3A_1252] {strides = array<i32>} : memref<512xf32, #tpu.memory_space<vmem>>, vector<16xf32>,
      %swap3A_1254 = vector.shape_cast %swap3A_1253 : vector<16xf32> to vector<16xf32>
      %swap3A_1255 = vector.shape_cast %add3A_1251 : vector<16xf32> to vector<16xf32>
      tpu.vector_store %arg57[%swap3A_1252], %swap3A_1255 {strides = array<i32>} : memref<512xf32, #tpu.memory_space<vmem>>, vector<16xf32>,
      %get3A_1256 = arith.constant 208 : index
      %get3A_1257 = tpu.vector_load %arg57[%get3A_1256] {strides = array<i32>} : memref<512xf32, #tpu.memory_space<vmem>>, vector<16xf32>,
      %get3A_1258 = vector.shape_cast %get3A_1257 : vector<16xf32> to vector<16xf32>
      %mul3A_1259 = arith.constant 512 : i32
      %mul3A_1260 = arith.muli %scan3A_1060, %mul3A_1259 : i32
      %add3A_1261 = arith.constant 208 : i32
      %add3A_1262 = arith.addi %mul3A_1260, %add3A_1261 : i32
      %get3A_1263 = arith.index_cast %add3A_1262 : i32 to index
      %get3A_1264 = tpu.vector_load %arg56[%get3A_1263] {strides = array<i32>} : memref<13312xf32, #tpu.memory_space<vmem>>, vector<16xf32>,
      %get3A_1265 = vector.shape_cast %get3A_1264 : vector<16xf32> to vector<16xf32>
      %add3A_1266 = arith.addf %get3A_1258, %get3A_1265 : vector<16xf32>
      %swap3A_1267 = arith.constant 208 : index
      %swap3A_1268 = tpu.vector_load %arg57[%swap3A_1267] {strides = array<i32>} : memref<512xf32, #tpu.memory_space<vmem>>, vector<16xf32>,
      %swap3A_1269 = vector.shape_cast %swap3A_1268 : vector<16xf32> to vector<16xf32>
      %swap3A_1270 = vector.shape_cast %add3A_1266 : vector<16xf32> to vector<16xf32>
      tpu.vector_store %arg57[%swap3A_1267], %swap3A_1270 {strides = array<i32>} : memref<512xf32, #tpu.memory_space<vmem>>, vector<16xf32>,
      %get3A_1271 = arith.constant 224 : index
      %get3A_1272 = tpu.vector_load %arg57[%get3A_1271] {strides = array<i32>} : memref<512xf32, #tpu.memory_space<vmem>>, vector<16xf32>,
      %get3A_1273 = vector.shape_cast %get3A_1272 : vector<16xf32> to vector<16xf32>
      %mul3A_1274 = arith.constant 512 : i32
      %mul3A_1275 = arith.muli %scan3A_1060, %mul3A_1274 : i32
      %add3A_1276 = arith.constant 224 : i32
      %add3A_1277 = arith.addi %mul3A_1275, %add3A_1276 : i32
      %get3A_1278 = arith.index_cast %add3A_1277 : i32 to index
      %get3A_1279 = tpu.vector_load %arg56[%get3A_1278] {strides = array<i32>} : memref<13312xf32, #tpu.memory_space<vmem>>, vector<16xf32>,
      %get3A_1280 = vector.shape_cast %get3A_1279 : vector<16xf32> to vector<16xf32>
      %add3A_1281 = arith.addf %get3A_1273, %get3A_1280 : vector<16xf32>
      %swap3A_1282 = arith.constant 224 : index
      %swap3A_1283 = tpu.vector_load %arg57[%swap3A_1282] {strides = array<i32>} : memref<512xf32, #tpu.memory_space<vmem>>, vector<16xf32>,
      %swap3A_1284 = vector.shape_cast %swap3A_1283 : vector<16xf32> to vector<16xf32>
      %swap3A_1285 = vector.shape_cast %add3A_1281 : vector<16xf32> to vector<16xf32>
      tpu.vector_store %arg57[%swap3A_1282], %swap3A_1285 {strides = array<i32>} : memref<512xf32, #tpu.memory_space<vmem>>, vector<16xf32>,
      %get3A_1286 = arith.constant 240 : index
      %get3A_1287 = tpu.vector_load %arg57[%get3A_1286] {strides = array<i32>} : memref<512xf32, #tpu.memory_space<vmem>>, vector<16xf32>,
      %get3A_1288 = vector.shape_cast %get3A_1287 : vector<16xf32> to vector<16xf32>
      %mul3A_1289 = arith.constant 512 : i32
      %mul3A_1290 = arith.muli %scan3A_1060, %mul3A_1289 : i32
      %add3A_1291 = arith.constant 240 : i32
      %add3A_1292 = arith.addi %mul3A_1290, %add3A_1291 : i32
      %get3A_1293 = arith.index_cast %add3A_1292 : i32 to index
      %get3A_1294 = tpu.vector_load %arg56[%get3A_1293] {strides = array<i32>} : memref<13312xf32, #tpu.memory_space<vmem>>, vector<16xf32>,
      %get3A_1295 = vector.shape_cast %get3A_1294 : vector<16xf32> to vector<16xf32>
      %add3A_1296 = arith.addf %get3A_1288, %get3A_1295 : vector<16xf32>
      %swap3A_1297 = arith.constant 240 : index
      %swap3A_1298 = tpu.vector_load %arg57[%swap3A_1297] {strides = array<i32>} : memref<512xf32, #tpu.memory_space<vmem>>, vector<16xf32>,
      %swap3A_1299 = vector.shape_cast %swap3A_1298 : vector<16xf32> to vector<16xf32>
      %swap3A_1300 = vector.shape_cast %add3A_1296 : vector<16xf32> to vector<16xf32>
      tpu.vector_store %arg57[%swap3A_1297], %swap3A_1300 {strides = array<i32>} : memref<512xf32, #tpu.memory_space<vmem>>, vector<16xf32>,
      %get3A_1301 = arith.constant 256 : index
      %get3A_1302 = tpu.vector_load %arg57[%get3A_1301] {strides = array<i32>} : memref<512xf32, #tpu.memory_space<vmem>>, vector<16xf32>,
      %get3A_1303 = vector.shape_cast %get3A_1302 : vector<16xf32> to vector<16xf32>
      %mul3A_1304 = arith.constant 512 : i32
      %mul3A_1305 = arith.muli %scan3A_1060, %mul3A_1304 : i32
      %add3A_1306 = arith.constant 256 : i32
      %add3A_1307 = arith.addi %mul3A_1305, %add3A_1306 : i32
      %get3A_1308 = arith.index_cast %add3A_1307 : i32 to index
      %get3A_1309 = tpu.vector_load %arg56[%get3A_1308] {strides = array<i32>} : memref<13312xf32, #tpu.memory_space<vmem>>, vector<16xf32>,
      %get3A_1310 = vector.shape_cast %get3A_1309 : vector<16xf32> to vector<16xf32>
      %add3A_1311 = arith.addf %get3A_1303, %get3A_1310 : vector<16xf32>
      %swap3A_1312 = arith.constant 256 : index
      %swap3A_1313 = tpu.vector_load %arg57[%swap3A_1312] {strides = array<i32>} : memref<512xf32, #tpu.memory_space<vmem>>, vector<16xf32>,
      %swap3A_1314 = vector.shape_cast %swap3A_1313 : vector<16xf32> to vector<16xf32>
      %swap3A_1315 = vector.shape_cast %add3A_1311 : vector<16xf32> to vector<16xf32>
      tpu.vector_store %arg57[%swap3A_1312], %swap3A_1315 {strides = array<i32>} : memref<512xf32, #tpu.memory_space<vmem>>, vector<16xf32>,
      %get3A_1316 = arith.constant 272 : index
      %get3A_1317 = tpu.vector_load %arg57[%get3A_1316] {strides = array<i32>} : memref<512xf32, #tpu.memory_space<vmem>>, vector<16xf32>,
      %get3A_1318 = vector.shape_cast %get3A_1317 : vector<16xf32> to vector<16xf32>
      %mul3A_1319 = arith.constant 512 : i32
      %mul3A_1320 = arith.muli %scan3A_1060, %mul3A_1319 : i32
      %add3A_1321 = arith.constant 272 : i32
      %add3A_1322 = arith.addi %mul3A_1320, %add3A_1321 : i32
      %get3A_1323 = arith.index_cast %add3A_1322 : i32 to index
      %get3A_1324 = tpu.vector_load %arg56[%get3A_1323] {strides = array<i32>} : memref<13312xf32, #tpu.memory_space<vmem>>, vector<16xf32>,
      %get3A_1325 = vector.shape_cast %get3A_1324 : vector<16xf32> to vector<16xf32>
      %add3A_1326 = arith.addf %get3A_1318, %get3A_1325 : vector<16xf32>
      %swap3A_1327 = arith.constant 272 : index
      %swap3A_1328 = tpu.vector_load %arg57[%swap3A_1327] {strides = array<i32>} : memref<512xf32, #tpu.memory_space<vmem>>, vector<16xf32>,
      %swap3A_1329 = vector.shape_cast %swap3A_1328 : vector<16xf32> to vector<16xf32>
      %swap3A_1330 = vector.shape_cast %add3A_1326 : vector<16xf32> to vector<16xf32>
      tpu.vector_store %arg57[%swap3A_1327], %swap3A_1330 {strides = array<i32>} : memref<512xf32, #tpu.memory_space<vmem>>, vector<16xf32>,
      %get3A_1331 = arith.constant 288 : index
      %get3A_1332 = tpu.vector_load %arg57[%get3A_1331] {strides = array<i32>} : memref<512xf32, #tpu.memory_space<vmem>>, vector<16xf32>,
      %get3A_1333 = vector.shape_cast %get3A_1332 : vector<16xf32> to vector<16xf32>
      %mul3A_1334 = arith.constant 512 : i32
      %mul3A_1335 = arith.muli %scan3A_1060, %mul3A_1334 : i32
      %add3A_1336 = arith.constant 288 : i32
      %add3A_1337 = arith.addi %mul3A_1335, %add3A_1336 : i32
      %get3A_1338 = arith.index_cast %add3A_1337 : i32 to index
      %get3A_1339 = tpu.vector_load %arg56[%get3A_1338] {strides = array<i32>} : memref<13312xf32, #tpu.memory_space<vmem>>, vector<16xf32>,
      %get3A_1340 = vector.shape_cast %get3A_1339 : vector<16xf32> to vector<16xf32>
      %add3A_1341 = arith.addf %get3A_1333, %get3A_1340 : vector<16xf32>
      %swap3A_1342 = arith.constant 288 : index
      %swap3A_1343 = tpu.vector_load %arg57[%swap3A_1342] {strides = array<i32>} : memref<512xf32, #tpu.memory_space<vmem>>, vector<16xf32>,
      %swap3A_1344 = vector.shape_cast %swap3A_1343 : vector<16xf32> to vector<16xf32>
      %swap3A_1345 = vector.shape_cast %add3A_1341 : vector<16xf32> to vector<16xf32>
      tpu.vector_store %arg57[%swap3A_1342], %swap3A_1345 {strides = array<i32>} : memref<512xf32, #tpu.memory_space<vmem>>, vector<16xf32>,
      %get3A_1346 = arith.constant 304 : index
      %get3A_1347 = tpu.vector_load %arg57[%get3A_1346] {strides = array<i32>} : memref<512xf32, #tpu.memory_space<vmem>>, vector<16xf32>,
      %get3A_1348 = vector.shape_cast %get3A_1347 : vector<16xf32> to vector<16xf32>
      %mul3A_1349 = arith.constant 512 : i32
      %mul3A_1350 = arith.muli %scan3A_1060, %mul3A_1349 : i32
      %add3A_1351 = arith.constant 304 : i32
      %add3A_1352 = arith.addi %mul3A_1350, %add3A_1351 : i32
      %get3A_1353 = arith.index_cast %add3A_1352 : i32 to index
      %get3A_1354 = tpu.vector_load %arg56[%get3A_1353] {strides = array<i32>} : memref<13312xf32, #tpu.memory_space<vmem>>, vector<16xf32>,
      %get3A_1355 = vector.shape_cast %get3A_1354 : vector<16xf32> to vector<16xf32>
      %add3A_1356 = arith.addf %get3A_1348, %get3A_1355 : vector<16xf32>
      %swap3A_1357 = arith.constant 304 : index
      %swap3A_1358 = tpu.vector_load %arg57[%swap3A_1357] {strides = array<i32>} : memref<512xf32, #tpu.memory_space<vmem>>, vector<16xf32>,
      %swap3A_1359 = vector.shape_cast %swap3A_1358 : vector<16xf32> to vector<16xf32>
      %swap3A_1360 = vector.shape_cast %add3A_1356 : vector<16xf32> to vector<16xf32>
      tpu.vector_store %arg57[%swap3A_1357], %swap3A_1360 {strides = array<i32>} : memref<512xf32, #tpu.memory_space<vmem>>, vector<16xf32>,
      %get3A_1361 = arith.constant 320 : index
      %get3A_1362 = tpu.vector_load %arg57[%get3A_1361] {strides = array<i32>} : memref<512xf32, #tpu.memory_space<vmem>>, vector<16xf32>,
      %get3A_1363 = vector.shape_cast %get3A_1362 : vector<16xf32> to vector<16xf32>
      %mul3A_1364 = arith.constant 512 : i32
      %mul3A_1365 = arith.muli %scan3A_1060, %mul3A_1364 : i32
      %add3A_1366 = arith.constant 320 : i32
      %add3A_1367 = arith.addi %mul3A_1365, %add3A_1366 : i32
      %get3A_1368 = arith.index_cast %add3A_1367 : i32 to index
      %get3A_1369 = tpu.vector_load %arg56[%get3A_1368] {strides = array<i32>} : memref<13312xf32, #tpu.memory_space<vmem>>, vector<16xf32>,
      %get3A_1370 = vector.shape_cast %get3A_1369 : vector<16xf32> to vector<16xf32>
      %add3A_1371 = arith.addf %get3A_1363, %get3A_1370 : vector<16xf32>
      %swap3A_1372 = arith.constant 320 : index
      %swap3A_1373 = tpu.vector_load %arg57[%swap3A_1372] {strides = array<i32>} : memref<512xf32, #tpu.memory_space<vmem>>, vector<16xf32>,
      %swap3A_1374 = vector.shape_cast %swap3A_1373 : vector<16xf32> to vector<16xf32>
      %swap3A_1375 = vector.shape_cast %add3A_1371 : vector<16xf32> to vector<16xf32>
      tpu.vector_store %arg57[%swap3A_1372], %swap3A_1375 {strides = array<i32>} : memref<512xf32, #tpu.memory_space<vmem>>, vector<16xf32>,
      %get3A_1376 = arith.constant 336 : index
      %get3A_1377 = tpu.vector_load %arg57[%get3A_1376] {strides = array<i32>} : memref<512xf32, #tpu.memory_space<vmem>>, vector<16xf32>,
      %get3A_1378 = vector.shape_cast %get3A_1377 : vector<16xf32> to vector<16xf32>
      %mul3A_1379 = arith.constant 512 : i32
      %mul3A_1380 = arith.muli %scan3A_1060, %mul3A_1379 : i32
      %add3A_1381 = arith.constant 336 : i32
      %add3A_1382 = arith.addi %mul3A_1380, %add3A_1381 : i32
      %get3A_1383 = arith.index_cast %add3A_1382 : i32 to index
      %get3A_1384 = tpu.vector_load %arg56[%get3A_1383] {strides = array<i32>} : memref<13312xf32, #tpu.memory_space<vmem>>, vector<16xf32>,
      %get3A_1385 = vector.shape_cast %get3A_1384 : vector<16xf32> to vector<16xf32>
      %add3A_1386 = arith.addf %get3A_1378, %get3A_1385 : vector<16xf32>
      %swap3A_1387 = arith.constant 336 : index
      %swap3A_1388 = tpu.vector_load %arg57[%swap3A_1387] {strides = array<i32>} : memref<512xf32, #tpu.memory_space<vmem>>, vector<16xf32>,
      %swap3A_1389 = vector.shape_cast %swap3A_1388 : vector<16xf32> to vector<16xf32>
      %swap3A_1390 = vector.shape_cast %add3A_1386 : vector<16xf32> to vector<16xf32>
      tpu.vector_store %arg57[%swap3A_1387], %swap3A_1390 {strides = array<i32>} : memref<512xf32, #tpu.memory_space<vmem>>, vector<16xf32>,
      %get3A_1391 = arith.constant 352 : index
      %get3A_1392 = tpu.vector_load %arg57[%get3A_1391] {strides = array<i32>} : memref<512xf32, #tpu.memory_space<vmem>>, vector<16xf32>,
      %get3A_1393 = vector.shape_cast %get3A_1392 : vector<16xf32> to vector<16xf32>
      %mul3A_1394 = arith.constant 512 : i32
      %mul3A_1395 = arith.muli %scan3A_1060, %mul3A_1394 : i32
      %add3A_1396 = arith.constant 352 : i32
      %add3A_1397 = arith.addi %mul3A_1395, %add3A_1396 : i32
      %get3A_1398 = arith.index_cast %add3A_1397 : i32 to index
      %get3A_1399 = tpu.vector_load %arg56[%get3A_1398] {strides = array<i32>} : memref<13312xf32, #tpu.memory_space<vmem>>, vector<16xf32>,
      %get3A_1400 = vector.shape_cast %get3A_1399 : vector<16xf32> to vector<16xf32>
      %add3A_1401 = arith.addf %get3A_1393, %get3A_1400 : vector<16xf32>
      %swap3A_1402 = arith.constant 352 : index
      %swap3A_1403 = tpu.vector_load %arg57[%swap3A_1402] {strides = array<i32>} : memref<512xf32, #tpu.memory_space<vmem>>, vector<16xf32>,
      %swap3A_1404 = vector.shape_cast %swap3A_1403 : vector<16xf32> to vector<16xf32>
      %swap3A_1405 = vector.shape_cast %add3A_1401 : vector<16xf32> to vector<16xf32>
      tpu.vector_store %arg57[%swap3A_1402], %swap3A_1405 {strides = array<i32>} : memref<512xf32, #tpu.memory_space<vmem>>, vector<16xf32>,
      %get3A_1406 = arith.constant 368 : index
      %get3A_1407 = tpu.vector_load %arg57[%get3A_1406] {strides = array<i32>} : memref<512xf32, #tpu.memory_space<vmem>>, vector<16xf32>,
      %get3A_1408 = vector.shape_cast %get3A_1407 : vector<16xf32> to vector<16xf32>
      %mul3A_1409 = arith.constant 512 : i32
      %mul3A_1410 = arith.muli %scan3A_1060, %mul3A_1409 : i32
      %add3A_1411 = arith.constant 368 : i32
      %add3A_1412 = arith.addi %mul3A_1410, %add3A_1411 : i32
      %get3A_1413 = arith.index_cast %add3A_1412 : i32 to index
      %get3A_1414 = tpu.vector_load %arg56[%get3A_1413] {strides = array<i32>} : memref<13312xf32, #tpu.memory_space<vmem>>, vector<16xf32>,
      %get3A_1415 = vector.shape_cast %get3A_1414 : vector<16xf32> to vector<16xf32>
      %add3A_1416 = arith.addf %get3A_1408, %get3A_1415 : vector<16xf32>
      %swap3A_1417 = arith.constant 368 : index
      %swap3A_1418 = tpu.vector_load %arg57[%swap3A_1417] {strides = array<i32>} : memref<512xf32, #tpu.memory_space<vmem>>, vector<16xf32>,
      %swap3A_1419 = vector.shape_cast %swap3A_1418 : vector<16xf32> to vector<16xf32>
      %swap3A_1420 = vector.shape_cast %add3A_1416 : vector<16xf32> to vector<16xf32>
      tpu.vector_store %arg57[%swap3A_1417], %swap3A_1420 {strides = array<i32>} : memref<512xf32, #tpu.memory_space<vmem>>, vector<16xf32>,
      %get3A_1421 = arith.constant 384 : index
      %get3A_1422 = tpu.vector_load %arg57[%get3A_1421] {strides = array<i32>} : memref<512xf32, #tpu.memory_space<vmem>>, vector<16xf32>,
      %get3A_1423 = vector.shape_cast %get3A_1422 : vector<16xf32> to vector<16xf32>
      %mul3A_1424 = arith.constant 512 : i32
      %mul3A_1425 = arith.muli %scan3A_1060, %mul3A_1424 : i32
      %add3A_1426 = arith.constant 384 : i32
      %add3A_1427 = arith.addi %mul3A_1425, %add3A_1426 : i32
      %get3A_1428 = arith.index_cast %add3A_1427 : i32 to index
      %get3A_1429 = tpu.vector_load %arg56[%get3A_1428] {strides = array<i32>} : memref<13312xf32, #tpu.memory_space<vmem>>, vector<16xf32>,
      %get3A_1430 = vector.shape_cast %get3A_1429 : vector<16xf32> to vector<16xf32>
      %add3A_1431 = arith.addf %get3A_1423, %get3A_1430 : vector<16xf32>
      %swap3A_1432 = arith.constant 384 : index
      %swap3A_1433 = tpu.vector_load %arg57[%swap3A_1432] {strides = array<i32>} : memref<512xf32, #tpu.memory_space<vmem>>, vector<16xf32>,
      %swap3A_1434 = vector.shape_cast %swap3A_1433 : vector<16xf32> to vector<16xf32>
      %swap3A_1435 = vector.shape_cast %add3A_1431 : vector<16xf32> to vector<16xf32>
      tpu.vector_store %arg57[%swap3A_1432], %swap3A_1435 {strides = array<i32>} : memref<512xf32, #tpu.memory_space<vmem>>, vector<16xf32>,
      %get3A_1436 = arith.constant 400 : index
      %get3A_1437 = tpu.vector_load %arg57[%get3A_1436] {strides = array<i32>} : memref<512xf32, #tpu.memory_space<vmem>>, vector<16xf32>,
      %get3A_1438 = vector.shape_cast %get3A_1437 : vector<16xf32> to vector<16xf32>
      %mul3A_1439 = arith.constant 512 : i32
      %mul3A_1440 = arith.muli %scan3A_1060, %mul3A_1439 : i32
      %add3A_1441 = arith.constant 400 : i32
      %add3A_1442 = arith.addi %mul3A_1440, %add3A_1441 : i32
      %get3A_1443 = arith.index_cast %add3A_1442 : i32 to index
      %get3A_1444 = tpu.vector_load %arg56[%get3A_1443] {strides = array<i32>} : memref<13312xf32, #tpu.memory_space<vmem>>, vector<16xf32>,
      %get3A_1445 = vector.shape_cast %get3A_1444 : vector<16xf32> to vector<16xf32>
      %add3A_1446 = arith.addf %get3A_1438, %get3A_1445 : vector<16xf32>
      %swap3A_1447 = arith.constant 400 : index
      %swap3A_1448 = tpu.vector_load %arg57[%swap3A_1447] {strides = array<i32>} : memref<512xf32, #tpu.memory_space<vmem>>, vector<16xf32>,
      %swap3A_1449 = vector.shape_cast %swap3A_1448 : vector<16xf32> to vector<16xf32>
      %swap3A_1450 = vector.shape_cast %add3A_1446 : vector<16xf32> to vector<16xf32>
      tpu.vector_store %arg57[%swap3A_1447], %swap3A_1450 {strides = array<i32>} : memref<512xf32, #tpu.memory_space<vmem>>, vector<16xf32>,
      %get3A_1451 = arith.constant 416 : index
      %get3A_1452 = tpu.vector_load %arg57[%get3A_1451] {strides = array<i32>} : memref<512xf32, #tpu.memory_space<vmem>>, vector<16xf32>,
      %get3A_1453 = vector.shape_cast %get3A_1452 : vector<16xf32> to vector<16xf32>
      %mul3A_1454 = arith.constant 512 : i32
      %mul3A_1455 = arith.muli %scan3A_1060, %mul3A_1454 : i32
      %add3A_1456 = arith.constant 416 : i32
      %add3A_1457 = arith.addi %mul3A_1455, %add3A_1456 : i32
      %get3A_1458 = arith.index_cast %add3A_1457 : i32 to index
      %get3A_1459 = tpu.vector_load %arg56[%get3A_1458] {strides = array<i32>} : memref<13312xf32, #tpu.memory_space<vmem>>, vector<16xf32>,
      %get3A_1460 = vector.shape_cast %get3A_1459 : vector<16xf32> to vector<16xf32>
      %add3A_1461 = arith.addf %get3A_1453, %get3A_1460 : vector<16xf32>
      %swap3A_1462 = arith.constant 416 : index
      %swap3A_1463 = tpu.vector_load %arg57[%swap3A_1462] {strides = array<i32>} : memref<512xf32, #tpu.memory_space<vmem>>, vector<16xf32>,
      %swap3A_1464 = vector.shape_cast %swap3A_1463 : vector<16xf32> to vector<16xf32>
      %swap3A_1465 = vector.shape_cast %add3A_1461 : vector<16xf32> to vector<16xf32>
      tpu.vector_store %arg57[%swap3A_1462], %swap3A_1465 {strides = array<i32>} : memref<512xf32, #tpu.memory_space<vmem>>, vector<16xf32>,
      %get3A_1466 = arith.constant 432 : index
      %get3A_1467 = tpu.vector_load %arg57[%get3A_1466] {strides = array<i32>} : memref<512xf32, #tpu.memory_space<vmem>>, vector<16xf32>,
      %get3A_1468 = vector.shape_cast %get3A_1467 : vector<16xf32> to vector<16xf32>
      %mul3A_1469 = arith.constant 512 : i32
      %mul3A_1470 = arith.muli %scan3A_1060, %mul3A_1469 : i32
      %add3A_1471 = arith.constant 432 : i32
      %add3A_1472 = arith.addi %mul3A_1470, %add3A_1471 : i32
      %get3A_1473 = arith.index_cast %add3A_1472 : i32 to index
      %get3A_1474 = tpu.vector_load %arg56[%get3A_1473] {strides = array<i32>} : memref<13312xf32, #tpu.memory_space<vmem>>, vector<16xf32>,
      %get3A_1475 = vector.shape_cast %get3A_1474 : vector<16xf32> to vector<16xf32>
      %add3A_1476 = arith.addf %get3A_1468, %get3A_1475 : vector<16xf32>
      %swap3A_1477 = arith.constant 432 : index
      %swap3A_1478 = tpu.vector_load %arg57[%swap3A_1477] {strides = array<i32>} : memref<512xf32, #tpu.memory_space<vmem>>, vector<16xf32>,
      %swap3A_1479 = vector.shape_cast %swap3A_1478 : vector<16xf32> to vector<16xf32>
      %swap3A_1480 = vector.shape_cast %add3A_1476 : vector<16xf32> to vector<16xf32>
      tpu.vector_store %arg57[%swap3A_1477], %swap3A_1480 {strides = array<i32>} : memref<512xf32, #tpu.memory_space<vmem>>, vector<16xf32>,
      %get3A_1481 = arith.constant 448 : index
      %get3A_1482 = tpu.vector_load %arg57[%get3A_1481] {strides = array<i32>} : memref<512xf32, #tpu.memory_space<vmem>>, vector<16xf32>,
      %get3A_1483 = vector.shape_cast %get3A_1482 : vector<16xf32> to vector<16xf32>
      %mul3A_1484 = arith.constant 512 : i32
      %mul3A_1485 = arith.muli %scan3A_1060, %mul3A_1484 : i32
      %add3A_1486 = arith.constant 448 : i32
      %add3A_1487 = arith.addi %mul3A_1485, %add3A_1486 : i32
      %get3A_1488 = arith.index_cast %add3A_1487 : i32 to index
      %get3A_1489 = tpu.vector_load %arg56[%get3A_1488] {strides = array<i32>} : memref<13312xf32, #tpu.memory_space<vmem>>, vector<16xf32>,
      %get3A_1490 = vector.shape_cast %get3A_1489 : vector<16xf32> to vector<16xf32>
      %add3A_1491 = arith.addf %get3A_1483, %get3A_1490 : vector<16xf32>
      %swap3A_1492 = arith.constant 448 : index
      %swap3A_1493 = tpu.vector_load %arg57[%swap3A_1492] {strides = array<i32>} : memref<512xf32, #tpu.memory_space<vmem>>, vector<16xf32>,
      %swap3A_1494 = vector.shape_cast %swap3A_1493 : vector<16xf32> to vector<16xf32>
      %swap3A_1495 = vector.shape_cast %add3A_1491 : vector<16xf32> to vector<16xf32>
      tpu.vector_store %arg57[%swap3A_1492], %swap3A_1495 {strides = array<i32>} : memref<512xf32, #tpu.memory_space<vmem>>, vector<16xf32>,
      %get3A_1496 = arith.constant 464 : index
      %get3A_1497 = tpu.vector_load %arg57[%get3A_1496] {strides = array<i32>} : memref<512xf32, #tpu.memory_space<vmem>>, vector<16xf32>,
      %get3A_1498 = vector.shape_cast %get3A_1497 : vector<16xf32> to vector<16xf32>
      %mul3A_1499 = arith.constant 512 : i32
      %mul3A_1500 = arith.muli %scan3A_1060, %mul3A_1499 : i32
      %add3A_1501 = arith.constant 464 : i32
      %add3A_1502 = arith.addi %mul3A_1500, %add3A_1501 : i32
      %get3A_1503 = arith.index_cast %add3A_1502 : i32 to index
      %get3A_1504 = tpu.vector_load %arg56[%get3A_1503] {strides = array<i32>} : memref<13312xf32, #tpu.memory_space<vmem>>, vector<16xf32>,
      %get3A_1505 = vector.shape_cast %get3A_1504 : vector<16xf32> to vector<16xf32>
      %add3A_1506 = arith.addf %get3A_1498, %get3A_1505 : vector<16xf32>
      %swap3A_1507 = arith.constant 464 : index
      %swap3A_1508 = tpu.vector_load %arg57[%swap3A_1507] {strides = array<i32>} : memref<512xf32, #tpu.memory_space<vmem>>, vector<16xf32>,
      %swap3A_1509 = vector.shape_cast %swap3A_1508 : vector<16xf32> to vector<16xf32>
      %swap3A_1510 = vector.shape_cast %add3A_1506 : vector<16xf32> to vector<16xf32>
      tpu.vector_store %arg57[%swap3A_1507], %swap3A_1510 {strides = array<i32>} : memref<512xf32, #tpu.memory_space<vmem>>, vector<16xf32>,
      %get3A_1511 = arith.constant 480 : index
      %get3A_1512 = tpu.vector_load %arg57[%get3A_1511] {strides = array<i32>} : memref<512xf32, #tpu.memory_space<vmem>>, vector<16xf32>,
      %get3A_1513 = vector.shape_cast %get3A_1512 : vector<16xf32> to vector<16xf32>
      %mul3A_1514 = arith.constant 512 : i32
      %mul3A_1515 = arith.muli %scan3A_1060, %mul3A_1514 : i32
      %add3A_1516 = arith.constant 480 : i32
      %add3A_1517 = arith.addi %mul3A_1515, %add3A_1516 : i32
      %get3A_1518 = arith.index_cast %add3A_1517 : i32 to index
      %get3A_1519 = tpu.vector_load %arg56[%get3A_1518] {strides = array<i32>} : memref<13312xf32, #tpu.memory_space<vmem>>, vector<16xf32>,
      %get3A_1520 = vector.shape_cast %get3A_1519 : vector<16xf32> to vector<16xf32>
      %add3A_1521 = arith.addf %get3A_1513, %get3A_1520 : vector<16xf32>
      %swap3A_1522 = arith.constant 480 : index
      %swap3A_1523 = tpu.vector_load %arg57[%swap3A_1522] {strides = array<i32>} : memref<512xf32, #tpu.memory_space<vmem>>, vector<16xf32>,
      %swap3A_1524 = vector.shape_cast %swap3A_1523 : vector<16xf32> to vector<16xf32>
      %swap3A_1525 = vector.shape_cast %add3A_1521 : vector<16xf32> to vector<16xf32>
      tpu.vector_store %arg57[%swap3A_1522], %swap3A_1525 {strides = array<i32>} : memref<512xf32, #tpu.memory_space<vmem>>, vector<16xf32>,
      %get3A_1526 = arith.constant 496 : index
      %get3A_1527 = tpu.vector_load %arg57[%get3A_1526] {strides = array<i32>} : memref<512xf32, #tpu.memory_space<vmem>>, vector<16xf32>,
      %get3A_1528 = vector.shape_cast %get3A_1527 : vector<16xf32> to vector<16xf32>
      %mul3A_1529 = arith.constant 512 : i32
      %mul3A_1530 = arith.muli %scan3A_1060, %mul3A_1529 : i32
      %add3A_1531 = arith.constant 496 : i32
      %add3A_1532 = arith.addi %mul3A_1530, %add3A_1531 : i32
      %get3A_1533 = arith.index_cast %add3A_1532 : i32 to index
      %get3A_1534 = tpu.vector_load %arg56[%get3A_1533] {strides = array<i32>} : memref<13312xf32, #tpu.memory_space<vmem>>, vector<16xf32>,
      %get3A_1535 = vector.shape_cast %get3A_1534 : vector<16xf32> to vector<16xf32>
      %add3A_1536 = arith.addf %get3A_1528, %get3A_1535 : vector<16xf32>
      %swap3A_1537 = arith.constant 496 : index
      %swap3A_1538 = tpu.vector_load %arg57[%swap3A_1537] {strides = array<i32>} : memref<512xf32, #tpu.memory_space<vmem>>, vector<16xf32>,
      %swap3A_1539 = vector.shape_cast %swap3A_1538 : vector<16xf32> to vector<16xf32>
      %swap3A_1540 = vector.shape_cast %add3A_1536 : vector<16xf32> to vector<16xf32>
      tpu.vector_store %arg57[%swap3A_1537], %swap3A_1540 {strides = array<i32>} : memref<512xf32, #tpu.memory_space<vmem>>, vector<16xf32>,
    }
    %scan3A_1059 = arith.constant 25 : i32
    "tpu.region"() ({
      %run_scoped3A = tpu.sem_alloc : memref<!tpu.dma_semaphore, #tpu.memory_space<semaphore_mem>>
      %dma_start3A_1060 = tpu.memref_slice %arg54[%mul3A_2] : memref<16384xf32, #tpu.memory_space<hbm>> -> memref<512xf32, #tpu.memory_space<hbm>>
      %dma_start3A_1061 = tpu.memref_slice %arg54[%mul3A_2] : memref<16384xf32, #tpu.memory_space<hbm>> -> memref<512xf32, #tpu.memory_space<hbm>>
      tpu.enqueue_dma source(%arg57 : memref<512xf32, #tpu.memory_space<vmem>>) target(%dma_start3A_1061 : memref<512xf32, #tpu.memory_space<hbm>>) target_semaphore(%run_scoped3A : memref<!tpu.dma_semaphore, #tpu.memory_space<semaphore_mem>>)
      %dma_wait3A_1062 = tpu.memref_slice %arg54[%mul3A_2] : memref<16384xf32, #tpu.memory_space<hbm>> -> memref<512xf32, #tpu.memory_space<hbm>>
      %dma_wait3A_1063 = tpu.memref_slice %arg54[%mul3A_2] : memref<16384xf32, #tpu.memory_space<hbm>> -> memref<512xf32, #tpu.memory_space<hbm>>
      tpu.wait_dma2 semaphore(%run_scoped3A : memref<!tpu.dma_semaphore, #tpu.memory_space<semaphore_mem>>) src(%arg57 : memref<512xf32, #tpu.memory_space<vmem>>) dst(%dma_wait3A_1063 : memref<512xf32, #tpu.memory_space<hbm>>)
      tpu.yield
    }) : () -> ()
    return
  }
}

module attributes {stable_mosaic.version = 14 : i64} {
  func.func @_add_body(%arg0: memref<16384xf32, #tpu.memory_space<vmem>>, %arg1: memref<16384xf32, #tpu.memory_space<vmem>>, %arg2: memref<16384xf32, #tpu.memory_space<vmem>>) attributes {dimension_semantics = [], scalar_prefetch = 0 : i64, scratch_operands = 0 : i64, tpu.core_type = #tpu.core_type<tc>} {
    %get3A = arith.constant 0 : index
    %get3A_0 = vector.load %arg0[%get3A] : memref<16384xf32, #tpu.memory_space<vmem>>, vector<16384xf32>
    %get3A_1 = arith.constant 0 : index
    %get3A_2 = vector.load %arg1[%get3A_1] : memref<16384xf32, #tpu.memory_space<vmem>>, vector<16384xf32>
    %add3A = arith.addf %get3A_0, %get3A_2 : vector<16384xf32>
    %swap3A = arith.constant 0 : index
    %swap3A_3 = vector.load %arg2[%swap3A] : memref<16384xf32, #tpu.memory_space<vmem>>, vector<16384xf32>
    tpu.vector_store %arg2[%swap3A], %add3A {strides = array<i32>} : memref<16384xf32, #tpu.memory_space<vmem>>, vector<16384xf32>,
    return
  }
}

module attributes {stable_mosaic.version = 14 : i64} {
  func.func @_tc_body(%arg0: i32, %arg1: memref<2048x13xf32, #tpu.memory_space<vmem>>, %arg2: memref<2048x1000xf32, #tpu.memory_space<vmem>>, %arg3: memref<13x1xf32, #tpu.memory_space<vmem>>, %arg4: memref<1000x2xf32, #tpu.memory_space<vmem>>, %arg5: memref<2048xf32, #tpu.memory_space<vmem>>) attributes {dimension_semantics = [#tpu.dimension_semantics<arbitrary>], iteration_bounds = array<i64: 8>, scalar_prefetch = 0 : i64, scratch_operands = 0 : i64, tpu.core_type = #tpu.core_type<tc>, window_params = [{transform_indices = @transform_0, window_bounds = array<i64: 2048, 13>}, {transform_indices = @transform_1, window_bounds = array<i64: 2048, 1000>}, {pipeline_mode = #tpu.pipeline_mode<synchronous>, transform_indices = @transform_2, window_bounds = array<i64: 13, 1>}, {pipeline_mode = #tpu.pipeline_mode<synchronous>, transform_indices = @transform_3, window_bounds = array<i64: 1000, 2>}, {transform_indices = @transform_4, window_bounds = array<i64: 2048>}]} {
    %get3A = arith.constant 0 : index
    %get3A_0 = arith.constant 0 : index
    %get3A_1 = vector.load %arg2[%get3A, %get3A_0] : memref<2048x1000xf32, #tpu.memory_space<vmem>>, vector<2048x1000xf32>
    %get3A_2 = arith.constant 0 : index
    %get3A_3 = arith.constant 0 : index
    %get3A_4 = vector.load %arg4[%get3A_2, %get3A_3] : memref<1000x2xf32, #tpu.memory_space<vmem>>, vector<1000x2xf32>
    %dot_general3A = arith.constant dense<0.000000e+00> : vector<2048x2xf32>
    %dot_general3A_5 = tpu.matmul %get3A_1, %get3A_4, %dot_general3A {dimension_numbers = #tpu.dot_dimension_numbers<[1], [0], [0], [1], [0, 0, 1, 1], [], []>, transpose_lhs_hint = false} : vector<2048x1000xf32>, vector<1000x2xf32>, vector<2048x2xf32> -> vector<2048x2xf32>
    %get3A_6 = arith.constant 0 : index
    %get3A_7 = arith.constant 0 : index
    %get3A_8 = vector.load %arg1[%get3A_6, %get3A_7] : memref<2048x13xf32, #tpu.memory_space<vmem>>, vector<2048x13xf32>
    %get3A_9 = arith.constant 0 : index
    %get3A_10 = arith.constant 0 : index
    %get3A_11 = vector.load %arg3[%get3A_9, %get3A_10] : memref<13x1xf32, #tpu.memory_space<vmem>>, vector<13x1xf32>
    %dot_general3A_12 = arith.constant dense<0.000000e+00> : vector<2048x1xf32>
    %dot_general3A_13 = tpu.matmul %get3A_8, %get3A_11, %dot_general3A_12 {dimension_numbers = #tpu.dot_dimension_numbers<[1], [0], [0], [1], [0, 0, 1, 1], [], []>, transpose_lhs_hint = false} : vector<2048x13xf32>, vector<13x1xf32>, vector<2048x1xf32> -> vector<2048x1xf32>
    %squeeze3A = vector.shape_cast %dot_general3A_13 : vector<2048x1xf32> to vector<2048xf32>
    %slice3A = vector.extract_strided_slice %dot_general3A_5 {offsets = [0, 0], sizes = [2048, 1], strides = [1, 1]} : vector<2048x2xf32> to vector<2048x1xf32>
    %squeeze3A_14 = vector.shape_cast %slice3A : vector<2048x1xf32> to vector<2048xf32>
    %slice3A_15 = vector.extract_strided_slice %dot_general3A_5 {offsets = [0, 1], sizes = [2048, 1], strides = [1, 1]} : vector<2048x2xf32> to vector<2048x1xf32>
    %squeeze3A_16 = vector.shape_cast %slice3A_15 : vector<2048x1xf32> to vector<2048xf32>
    %add3A = arith.constant 9.99999993E-9 : f32
    %add3A_17 = vector.broadcast %add3A : f32 to vector<2048xf32>
    %add3A_18 = arith.addf %squeeze3A_16, %add3A_17 : vector<2048xf32>
    %div3A = arith.divf %squeeze3A_14, %add3A_18 : vector<2048xf32>
    %add3A_19 = arith.addf %squeeze3A, %div3A : vector<2048xf32>
    %swap3A = arith.constant 0 : index
    %swap3A_20 = vector.load %arg5[%swap3A] : memref<2048xf32, #tpu.memory_space<vmem>>, vector<2048xf32>
    tpu.vector_store %arg5[%swap3A], %add3A_19 {strides = array<i32>} : memref<2048xf32, #tpu.memory_space<vmem>>, vector<2048xf32>,
    return
  }
  func.func @transform_0(%arg0: i32) -> (i32, i32) {
    %c0_i32 = arith.constant 0 : i32
    %c0_i32_0 = arith.constant 0 : i32
    return %arg0, %c0_i32 : i32, i32
  }
  func.func @transform_1(%arg0: i32) -> (i32, i32) {
    %c0_i32 = arith.constant 0 : i32
    %c0_i32_0 = arith.constant 0 : i32
    return %arg0, %c0_i32 : i32, i32
  }
  func.func @transform_2(%arg0: i32) -> (i32, i32) {
    %c0_i32 = arith.constant 0 : i32
    %c0_i32_0 = arith.constant 0 : i32
    %c0_i32_1 = arith.constant 0 : i32
    return %c0_i32, %c0_i32_0 : i32, i32
  }
  func.func @transform_3(%arg0: i32) -> (i32, i32) {
    %c0_i32 = arith.constant 0 : i32
    %c0_i32_0 = arith.constant 0 : i32
    %c0_i32_1 = arith.constant 0 : i32
    return %c0_i32, %c0_i32_0 : i32, i32
  }
  func.func @transform_4(%arg0: i32) -> i32 {
    %c0_i32 = arith.constant 0 : i32
    return %arg0 : i32
  }
}

</mosaic_0001>

<sc_bundles>
// kernel: kernel.5.cloned.1.call-start
scs
__scs_entry_jumppad:
0x0: {  	(pc) =	sbr.rel $0x88, $3  }
0x1: {  	(tag) =	ssettag $0x0;
	lr =	simm.s32 $0x1  }
0x2: {  	[smem:$0x3F69] =	sst lr;
	_ =	strace $0xD0000000  }
0x3: {  	_ = 	snop  }
0x4: {  	_ = 	snop  }
0x5: {  	_ = 	snop  }
0x6: {  	_ = 	snop  }
0x7: {  	_ = 	snop  }
__scs_overlays_trampoline_lowered:
0x8: {  	[smem:$0x3F78] =	sst s0  }
0x9: {  	[smem:$0x3F79] =	sst s1  }
0xa: {  	[smem:$0x3F7A] =	sst s2  }
0xb: {  	[smem:$0x3F7B] =	sst s3  }
0xc: {  	[smem:$0x3F7C] =	sst s4  }
0xd: {  	[smem:$0x3F7D] =	sst s5  }
0xe: {  	[smem:$0x3F7E] =	sst s6  }
0xf: {  	[smem:$0x3F7F] =	sst s7  }
0x10: {  	[smem:$0x3F80] =	sst s8  }
0x11: {  	[smem:$0x3F81] =	sst s9;
	s0 =	simm.s32 @!p0 $0x0  }
0x12: {  	s1 =	sld [smem:$0x3F67];
	s0 =	simm.s32 @p0 $0x1  }
0x13: {  	[smem:$0x3F82] =	sst s0;
	s0 =	simm.s32 @!p1 $0x0  }
0x14: {  	s2 =	sld [smem:$0x3F66];
	s0 =	simm.s32 @p1 $0x1  }
0x15: {  	[smem:$0x3F83] =	sst s0;
	s0 =	simm.s32 @!p2 $0x0  }
0x16: {  	s3 =	sld [smem:$0x3FDB];
	s0 =	simm.s32 @p2 $0x1  }
0x17: {  	s4 =	simm.s32 $0x1BF5;
	[smem:$0x3F85] =	sst s0  }
0x18: {  	s0 =	sld [smem:$0x3F68];
	_ =	swait.ge [sflag:s4], $0x0  }
0x19: {  	s7 =	sld [smem:$0x3F69]  }
0x1a: {  	s8 =	sadd.s32 $0xFFFFE003, lr  }
0x1b: {  	s9 =	sadd.s32 $0xFFFFFEF7, lr;
	s5 =	simm.s32 $0xFFFFFFFF;
	p2 =	slt.u32 s8, $0xFFFFF086  }
0x1c: {  	p1 =	slt.u32 s9, $0xF7A;
	s5 =	simm.s32 @!p2 $0x0  }
0x1d: {  	s5 =	simm.s32 @p1 $0x1;
	p0 =	seq.s32 s7, s2  }
0x1e: {  	s7 =	smul.u32 @!p0 $0xF7A, s2;
	p2 =	seq.s32 @!p0 s5, $0x0  }
0x1f: {  	s9 =	smul.u32 $0xF7A, s1;
	s8 =	simm.s32 @!p0 $0x1BF5;
	p2 =	por !p2, p0  }
0x20: {  	[sflag:s8] =	ssyncset.s32 @!p0 $0xFFFFF086;
	s6 =	sadd.s32 @!p0 s3, s7;
	s7 =	simm.s32 @!p0 $0x108  }
0x21: {  	s3 =	sadd.s32 s3, s9;
	s6 =	sadd.s32 @!p0 $0x88, s6;
	s7 =	simm.s32 @p2 $0x1082  }
0x22: {  	[simem:s7], [sflag:s8] =	dma.local @!p0 [hbm:s6], $0xF7A  }
0x23: {  	s9 =	sor.u32 $0xD0000000, s2;
	s6 =	simm.s32 $0x108;
	_ =	swait.ge @!p0 [sflag:s8], $0x0  }
0x24: {  	s3 =	sadd.s32 $0x88, s3;
	s6 =	simm.s32 @!p1 $0x1082;
	[sflag:s4] =	ssyncset.s32 $0xFFFFF086  }
0x25: {  	[simem:s6], [sflag:s4] =	dma.local [hbm:s3], $0xF7A  }
0x26: {  	[smem:$0x3F69] =	sst s1;
	(tag) =	ssettag s2;
	_ =	strace s9  }
0x27: {  	s1 =	sld [smem:$0x3F79]  }
0x28: {  	s2 =	sld [smem:$0x3F7A]  }
0x29: {  	s4 =	sld [smem:$0x3F7C]  }
0x2a: {  	p0 =	seq.s32 s5, $0x0;
	s5 =	sld [smem:$0x3F7D]  }
0x2b: {  	s6 =	sld [smem:$0x3F7E]  }
0x2c: {  	s7 =	sld [smem:$0x3F7F]  }
0x2d: {  	s3 =	simm.s32 $0x108;
	s8 =	sld [smem:$0x3F80]  }
0x2e: {  	s3 =	simm.s32 @!p0 $0x1082;
	s9 =	sld [smem:$0x3F81]  }
0x2f: {  	lr =	sadd.s32 s0, s3;
	s0 =	sld [smem:$0x3F78]  }
0x30: {  	s3 =	sld [smem:$0x3F7B]  }
0x31: {  	[smem:$0x3F84] =	sst s10  }
0x32: {  	s10 =	sld [smem:$0x3F82];
	_ =	sdelay $0x3  }
0x33: {  	p0 =	seq.s32 s10, $0x1;
	s10 =	sld [smem:$0x3F84];
	_ =	sdelay $0x3  }
0x34: {  	[smem:$0x3F84] =	sst s10  }
0x35: {  	s10 =	sld [smem:$0x3F83];
	_ =	sdelay $0x3  }
0x36: {  	p1 =	seq.s32 s10, $0x1;
	s10 =	sld [smem:$0x3F84];
	_ =	sdelay $0x3  }
0x37: {  	[smem:$0x3F84] =	sst s10  }
0x38: {  	s10 =	sld [smem:$0x3F85]  }
0x39: {  	_ = 	snop;
	(pc) =	sbr.ind lr, $3  }
0x3a: {  	_ = 	snop  }
0x3b: {  	_ = 	snop  }
0x3c: {  	p2 =	seq.s32 s10, $0x1;
	s10 =	sld [smem:$0x3F84]  }
0x3d: {  	_ =	shalt  }
0x3e: {  	_ =	shalt  }
0x3f: {  	_ =	shalt  }
0x40: {  	_ =	shalt  }
0x41: {  	_ =	shalt  }
0x42: {  	_ =	shalt  }
0x43: {  	_ =	shalt  }
0x44: {  	_ =	shalt  }
0x45: {  	_ =	shalt  }
0x46: {  	_ =	shalt  }
0x47: {  	_ =	shalt  }
0x48: {  	_ =	shalt  }
0x49: {  	_ =	shalt  }
0x4a: {  	_ =	shalt  }
0x4b: {  	_ =	shalt  }
0x4c: {  	_ =	shalt  }
0x4d: {  	_ =	shalt  }
0x4e: {  	_ =	shalt  }
0x4f: {  	_ =	shalt  }
0x50: {  	_ =	shalt  }
0x51: {  	_ =	shalt  }
0x52: {  	_ =	shalt  }
0x53: {  	_ =	shalt  }
0x54: {  	_ =	shalt  }
0x55: {  	_ =	shalt  }
0x56: {  	_ =	shalt  }
0x57: {  	_ =	shalt  }
0x58: {  	_ =	shalt  }
0x59: {  	_ =	shalt  }
0x5a: {  	_ =	shalt  }
0x5b: {  	_ =	shalt  }
0x5c: {  	_ =	shalt  }
0x5d: {  	_ =	shalt  }
0x5e: {  	_ =	shalt  }
0x5f: {  	_ =	shalt  }
0x60: {  	_ =	shalt  }
0x61: {  	_ =	shalt  }
0x62: {  	_ =	shalt  }
0x63: {  	_ =	shalt  }
0x64: {  	_ =	shalt  }
0x65: {  	_ =	shalt  }
0x66: {  	_ =	shalt  }
0x67: {  	_ =	shalt  }
0x68: {  	_ =	shalt  }
0x69: {  	_ =	shalt  }
0x6a: {  	_ =	shalt  }
0x6b: {  	_ =	shalt  }
0x6c: {  	_ =	shalt  }
0x6d: {  	_ =	shalt  }
0x6e: {  	_ =	shalt  }
0x6f: {  	_ =	shalt  }
0x70: {  	_ =	shalt  }
0x71: {  	_ =	shalt  }
0x72: {  	_ =	shalt  }
0x73: {  	_ =	shalt  }
0x74: {  	_ =	shalt  }
0x75: {  	_ =	shalt  }
0x76: {  	_ =	shalt  }
0x77: {  	_ =	shalt  }
0x78: {  	_ =	shalt  }
0x79: {  	_ =	shalt  }
0x7a: {  	_ =	shalt  }
0x7b: {  	_ =	shalt  }
0x7c: {  	_ =	shalt  }
0x7d: {  	_ =	shalt  }
0x7e: {  	_ =	shalt  }
0x7f: {  	_ =	shalt  }
0x80: {  	_ =	shalt  }
0x81: {  	_ =	shalt  }
0x82: {  	_ =	shalt  }
0x83: {  	_ =	shalt  }
0x84: {  	_ =	shalt  }
0x85: {  	_ =	shalt  }
0x86: {  	_ =	shalt  }
0x87: {  	_ =	shalt  }
.Lfunc_end0:
.L_simem_size_0:
called_computation_lowered:
.L_overlay_start_0:
0x88: {  	s2 =	sld [smem:$0x3FD9]  }
0x89: {  	s3 =	sld [smem:$0x3FFE];
	_ =	sdelay $0x1  }
0x8a: {  	s5 =	srdreg.scid  }
0x8b: {  	s4 =	sand.u32 $0x1, s5  }
0x8c: {  	s1 =	sshll.u32 s4, $0xA;
	s2 =	sadd.s32 s3, s2  }
0x8d: {  	s2 =	sadd.s32 s2, s1  }
0x8e: {  	[smem:$0x3F90] =	sst s2  }
0x8f: {  	_ = 	snop  }
0x90: {  	s18 =	sld [smem:$0x3FB9]  }
0x91: {  	s3 =	sld [smem:$0x3FB8]  }
0x92: {  	s15 =	sld [smem:$0x3FB7]  }
0x93: {  	s17 =	sld [smem:$0x3FB6]  }
0x94: {  	s6 =	sld [smem:$0x3FB5]  }
0x95: {  	s7 =	sld [smem:$0x3FB4]  }
0x96: {  	s8 =	sld [smem:$0x3FB3]  }
0x97: {  	s9 =	sld [smem:$0x3FB2]  }
0x98: {  	s10 =	sld [smem:$0x3FB1]  }
0x99: {  	s11 =	sld [smem:$0x3FB0]  }
0x9a: {  	s12 =	sld [smem:$0x3FAF]  }
0x9b: {  	s13 =	sld [smem:$0x3FAE]  }
0x9c: {  	s14 =	sld [smem:$0x3FAB]  }
0x9d: {  	s31 =	sld [smem:$0x3FAA]  }
0x9e: {  	s28 =	sld [smem:$0x3FA9]  }
0x9f: {  	s29 =	sld [smem:$0x3FA8]  }
0xa0: {  	s30 =	sld [smem:$0x3FA7]  }
0xa1: {  	s20 =	sld [smem:$0x3FA4]  }
0xa2: {  	s21 =	sld [smem:$0x3FA3]  }
0xa3: {  	s22 =	sld [smem:$0x3FA2]  }
0xa4: {  	s23 =	sld [smem:$0x3FA1]  }
0xa5: {  	s24 =	sld [smem:$0x3FA0]  }
0xa6: {  	s25 =	sld [smem:$0x3F9F]  }
0xa7: {  	s26 =	sld [smem:$0x3F9E];
	(tm) =	ssettm $0x1  }
0xa8: {  	s16 =	sld [smem:$0x3FFB];
	_ =	sdelay $0x3  }
0xa9: {  	_ =	strace s16  }
0xaa: {  	s16 =	sld [smem:$0x3FFC];
	_ =	sdelay $0x3  }
0xab: {  	_ =	strace s16  }
0xac: {  	s16 =	sld [smem:$0x3FFD];
	_ =	sdelay $0x3  }
0xad: {  	_ =	strace s16  }
0xae: {  	_ =	strace $0x8FFFFFFF  }
0xaf: {  	s2 =	sld [smem:$0x3FDB];
	_ =	sdelay $0x1  }
0xb0: {  	s0 =	simm.s32 $_scs_section_size  }
0xb1: {  	s19 =	simm.s32 $_tile_task_arg_handler_lowered;
	s1 =	simm.s32 $_size__tile_task_arg_handler_lowered  }
0xb2: {  	s1 =	sshll.u32 s1, $0x1;
	s0 =	sadd.s32 s0, s2;
	s2 =	sshll.u32 s19, $0x1  }
0xb3: {  	s16 =	simm.s32 $0x1BFF;
	s19 =	simm.s32 $0x60;
	s2 =	sadd.s32 s2, s0  }
0xb4: {  	[timem:s19], [sflag:s16] =	dma.local [hbm:s2], s1  }
0xb5: {  	_ =	swait.ge [sflag:s16], s1  }
0xb6: {  	s19 =	simm.s32 $_tile_overlayer_lowered;
	s1 =	ssub.s32 $0x0, s1;
	[sflag:s16] =	ssyncset.done $0x0  }
0xb7: {  	[sflag:s16] =	ssyncadd.s32 s1;
	s1 =	sshll.u32 s19, $0x1;
	s19 =	simm.s32 $_size__tile_overlayer_lowered  }
0xb8: {  	s2 =	sshll.u32 s19, $0x1;
	s19 =	sadd.s32 s1, s0;
	s1 =	simm.s32 $0x0  }
0xb9: {  	[timem:s1], [sflag:s16] =	dma.local [hbm:s19], s2  }
0xba: {  	_ =	swait.ge [sflag:s16], s2  }
0xbb: {  	s2 =	ssub.s32 $0x0, s2;
	[sflag:s16] =	ssyncset.done $0x0  }
0xbc: {  	[sflag:s16] =	ssyncadd.s32 s2;
	_ =	sdelay $0x1  }
0xbd: {  	s16 =	simm.s32 $0x1B8B  }
0xbe: {  	_ =	swait.ge [sflag:s16], $0x1  }
0xbf: {  	[sflag:s16] =	ssyncset.done $0x0  }
0xc0: {  	s19 =	simm.s32 $0x1B8E;
	[sflag:s16] =	ssyncadd.s32 $0xFFFFFFFF  }
0xc1: {  	s16 =	simm.s32 $execute0_lowered;
	[smem:$0x3FD2] =	sst s19  }
0xc2: {  	s2 =	sshll.u32 s16, $0x1;
	_ =	strace $0x80000046;
	[dreg:$0x1] =	wrdreg $0xFFFFFFFF  }
0xc3: {  	s19 =	simm.s32 $_size_execute0_lowered;
	s0 =	sadd.s32 s0, s2;
	[dreg:$0x0] =	wrdreg $0x0  }
0xc4: {  	s16 =	sshll.u32 s19, $0x1;
	[dreg:$0x2] =	wrdreg s0  }
0xc5: {  	[dreg:$0x3] =	wrdreg s16  }
0xc6: {  	[dreg:$0x4] =	wrdreg $0xC0  }
0xc7: {  	_ =	task [dreg:s1], $0x5FFFF  }
0xc8: {  	[dreg:$0x1] =	wrdreg $0xFFFFFFFF  }
0xc9: {  	[dreg:$0x0] =	wrdreg $0x30  }
0xca: {  	[dreg:$0x2] =	wrdreg $0x0  }
0xcb: {  	[dreg:$0x3] =	wrdreg s18  }
0xcc: {  	[dreg:$0x4] =	wrdreg s3  }
0xcd: {  	[dreg:$0x5] =	wrdreg s15  }
0xce: {  	[dreg:$0x6] =	wrdreg s17  }
0xcf: {  	[dreg:$0x7] =	wrdreg s6  }
0xd0: {  	[dreg:$0x8] =	wrdreg s7  }
0xd1: {  	[dreg:$0x9] =	wrdreg s8  }
0xd2: {  	[dreg:$0xa] =	wrdreg s9  }
0xd3: {  	[dreg:$0xb] =	wrdreg s10  }
0xd4: {  	[dreg:$0xc] =	wrdreg s11  }
0xd5: {  	[dreg:$0xd] =	wrdreg s12  }
0xd6: {  	[dreg:$0xe] =	wrdreg s13  }
0xd7: {  	[dreg:$0xf] =	wrdreg s14  }
0xd8: {  	_ =	task [dreg:s1], $0x10FFFF  }
0xd9: {  	[dreg:$0x1] =	wrdreg $0xFFFFFFFF  }
0xda: {  	s18 =	sld [smem:$0x3FA6]  }
0xdb: {  	s19 =	sld [smem:$0x3FA5]  }
0xdc: {  	[dreg:$0x0] =	wrdreg $0x30  }
0xdd: {  	[dreg:$0x2] =	wrdreg $0xD  }
0xde: {  	[dreg:$0x3] =	wrdreg s31  }
0xdf: {  	[dreg:$0x4] =	wrdreg s28  }
0xe0: {  	[dreg:$0x5] =	wrdreg s29  }
0xe1: {  	[dreg:$0x6] =	wrdreg s30  }
0xe2: {  	[dreg:$0x7] =	wrdreg s18  }
0xe3: {  	[dreg:$0x8] =	wrdreg s19  }
0xe4: {  	[dreg:$0x9] =	wrdreg s20  }
0xe5: {  	[dreg:$0xa] =	wrdreg s21  }
0xe6: {  	[dreg:$0xb] =	wrdreg s22  }
0xe7: {  	[dreg:$0xc] =	wrdreg s23  }
0xe8: {  	[dreg:$0xd] =	wrdreg s24  }
0xe9: {  	[dreg:$0xe] =	wrdreg s25  }
0xea: {  	[dreg:$0xf] =	wrdreg s26  }
0xeb: {  	_ =	task [dreg:s1], $0x10FFFF  }
0xec: {  	[dreg:$0x1] =	wrdreg $0xFFFFFFFF  }
0xed: {  	s28 =	sld [smem:$0x3F9D]  }
0xee: {  	s29 =	sld [smem:$0x3F9C]  }
0xef: {  	s30 =	sld [smem:$0x3F9B]  }
0xf0: {  	s31 =	sld [smem:$0x3F9A]  }
0xf1: {  	s2 =	sld [smem:$0x3F99]  }
0xf2: {  	s3 =	sld [smem:$0x3F98]  }
0xf3: {  	s6 =	sld [smem:$0x3F97]  }
0xf4: {  	s7 =	sld [smem:$0x3F96]  }
0xf5: {  	s8 =	sld [smem:$0x3F95]  }
0xf6: {  	s9 =	sld [smem:$0x3F94]  }
0xf7: {  	s10 =	sld [smem:$0x3F93]  }
0xf8: {  	s11 =	sld [smem:$0x3F92]  }
0xf9: {  	s12 =	sld [smem:$0x3FD0]  }
0xfa: {  	[dreg:$0x0] =	wrdreg $0x30  }
0xfb: {  	[dreg:$0x2] =	wrdreg $0x1A  }
0xfc: {  	[dreg:$0x3] =	wrdreg s28  }
0xfd: {  	[dreg:$0x4] =	wrdreg s29  }
0xfe: {  	[dreg:$0x5] =	wrdreg s30  }
0xff: {  	[dreg:$0x6] =	wrdreg s31  }
0x100: {  	[dreg:$0x7] =	wrdreg s2  }
0x101: {  	[dreg:$0x8] =	wrdreg s3  }
0x102: {  	[dreg:$0x9] =	wrdreg s6  }
0x103: {  	[dreg:$0xa] =	wrdreg s7  }
0x104: {  	[dreg:$0xb] =	wrdreg s8  }
0x105: {  	[dreg:$0xc] =	wrdreg s9  }
0x106: {  	[dreg:$0xd] =	wrdreg s10  }
0x107: {  	[dreg:$0xe] =	wrdreg s11  }
0x108: {  	[dreg:$0xf] =	wrdreg s12  }
0x109: {  	_ =	task [dreg:s1], $0x10FFFF  }
0x10a: {  	[dreg:$0x1] =	wrdreg $0xFFFFFFFF  }
0x10b: {  	[dreg:$0x0] =	wrdreg $0x30  }
0x10c: {  	[dreg:$0x2] =	wrdreg $0x27  }
0x10d: {  	[dreg:$0x3] =	wrdreg $0x9  }
0x10e: {  	_ =	task [dreg:s1], $0x4FFFF  }
0x10f: {  	[dreg:$0x1] =	wrdreg $0xFFFFFFFF  }
0x110: {  	s13 =	sld [smem:$0x3FC7]  }
0x111: {  	s14 =	sld [smem:$0x3FC6]  }
0x112: {  	s15 =	sld [smem:$0x3FC5]  }
0x113: {  	s16 =	sld [smem:$0x3FC4]  }
0x114: {  	s17 =	sld [smem:$0x3FC3]  }
0x115: {  	s18 =	sld [smem:$0x3FC2]  }
0x116: {  	s19 =	sld [smem:$0x3FC1]  }
0x117: {  	s20 =	sld [smem:$0x3FC0]  }
0x118: {  	s21 =	sld [smem:$0x3FBF]  }
0x119: {  	s22 =	sld [smem:$0x3FBE]  }
0x11a: {  	s23 =	sld [smem:$0x3FBD]  }
0x11b: {  	s24 =	sld [smem:$0x3FBC]  }
0x11c: {  	s25 =	sld [smem:$0x3FBB]  }
0x11d: {  	s26 =	sld [smem:$0x3FBA]  }
0x11e: {  	[dreg:$0x0] =	wrdreg $0x60  }
0x11f: {  	[dreg:$0x2] =	wrdreg s13  }
0x120: {  	[dreg:$0x3] =	wrdreg s14  }
0x121: {  	[dreg:$0x4] =	wrdreg s15  }
0x122: {  	[dreg:$0x5] =	wrdreg s16  }
0x123: {  	[dreg:$0x6] =	wrdreg s17  }
0x124: {  	[dreg:$0x7] =	wrdreg s18  }
0x125: {  	[dreg:$0x8] =	wrdreg s19  }
0x126: {  	[dreg:$0x9] =	wrdreg s20  }
0x127: {  	[dreg:$0xa] =	wrdreg s21  }
0x128: {  	[dreg:$0xb] =	wrdreg s22  }
0x129: {  	[dreg:$0xc] =	wrdreg s23  }
0x12a: {  	[dreg:$0xd] =	wrdreg s24  }
0x12b: {  	[dreg:$0xe] =	wrdreg s25  }
0x12c: {  	[dreg:$0xf] =	wrdreg s26  }
0x12d: {  	_ =	task.clear_ibuf [dreg:s1], $0x10FFFF;
	_ =	strace $0x90000046  }
0x12e: {  	s28 =	simm.s32 $0x9;
	_ =	strace $0x80000048  }
0x12f: {  	_ =	swait.ge [sflag:s28], $0x1  }
0x130: {  	[sflag:s28] =	ssyncadd.s32 $0xFFFFFFFF  }
0x131: {  	_ =	strace $0x90000048  }
0x132: {  	_ =	sfence  }
0x133: {  	s29 =	sld [smem:$0x0];
	_ =	sdelay $0x2  }
0x134: {  	s30 =	sshll.u32 s5, $0xD;
	s31 =	sshrl.u32 s5, $0x2  }
0x135: {  	s2 =	sand.u32 $0x4000, s30;
	s0 =	sadd.s32 s31, s29  }
0x136: {  	s2 =	sor.u32 s2, s4;
	s0 =	sshll.u32 s0, $0x11  }
0x137: {  	s0 =	sor.u32 s0, s2  }
0x138: {  	s0 =	sadd.s32 $0x8F2B, s0  }
0x139: {  	[sflag:s0] =	ssyncadd.remote.s32 $0x1  }
0x13a: {  	_ =	sfence.sel $0xFFFF  }
0x13b: {  	[dreg:$0x0] =	wrdreg $0xFFFFFFFF;
	(pc) =	sbr.abs _section_cstart, $3  }
0x13c: {  	[dreg:$0x1] =	wrdreg $0xFFFFFFFF  }
0x13d: {  	_ =	task.clear_ibuf [dreg:s1], $0x2FFFF;
	_ =	strace $0x9FFFFFFF  }
0x13e: {  	(tm) =	ssettm $0x7FFFFFFF  }
0x13f: {  	_ =	shalt  }
tec
_tile_task_arg_handler_lowered:
.L_overlay_start_1:
0x0: {  	(tag) =	ssettag $0x1  }
0x1: {  	s0 =	rddreg [dreg:$0x0]  }
0x2: {  	s1 =	rddreg [dreg:$0x1]  }
0x3: {  	s2 =	rddreg [dreg:$0x2]  }
0x4: {  	s3 =	rddreg [dreg:$0x3]  }
0x5: {  	s4 =	rddreg [dreg:$0x4]  }
0x6: {  	s5 =	rddreg [dreg:$0x5]  }
0x7: {  	s6 =	rddreg [dreg:$0x6]  }
0x8: {  	s7 =	rddreg [dreg:$0x7]  }
0x9: {  	s8 =	rddreg [dreg:$0x8]  }
0xa: {  	s9 =	rddreg [dreg:$0x9]  }
0xb: {  	s10 =	rddreg [dreg:$0xa]  }
0xc: {  	s11 =	rddreg [dreg:$0xb]  }
0xd: {  	s12 =	rddreg [dreg:$0xc]  }
0xe: {  	s13 =	rddreg [dreg:$0xd]  }
0xf: {  	[smem:s0] =	sst s1  }
0x10: {  	[smem:s0+$0x1] =	sst s2  }
0x11: {  	[smem:s0+$0x2] =	sst s3  }
0x12: {  	[smem:s0+$0x3] =	sst s4  }
0x13: {  	[smem:s0+$0x4] =	sst s5  }
0x14: {  	[smem:s0+$0x5] =	sst s6  }
0x15: {  	[smem:s0+$0x6] =	sst s7  }
0x16: {  	[smem:s0+$0x7] =	sst s8  }
0x17: {  	[smem:s0+$0x8] =	sst s9  }
0x18: {  	[smem:s0+$0x9] =	sst s10  }
0x19: {  	[smem:s0+$0xA] =	sst s11  }
0x1a: {  	[smem:s0+$0xB] =	sst s12  }
0x1b: {  	[smem:s0+$0xC] =	sst s13;
	_ =	shalt  }
.Lfunc_end2:
execute0_lowered:
.L_overlay_start_2:
0x1c: {  	(tag) =	ssettag $0x2  }
0x1d: {  	s1 =	rddreg [dreg:$0x0]  }
0x1e: {  	s2 =	rddreg [dreg:$0x1]  }
0x1f: {  	s3 =	rddreg [dreg:$0x2]  }
0x20: {  	s4 =	rddreg [dreg:$0x3]  }
0x21: {  	s5 =	rddreg [dreg:$0x4]  }
0x22: {  	s6 =	rddreg [dreg:$0x5]  }
0x23: {  	s7 =	rddreg [dreg:$0x6]  }
0x24: {  	s8 =	rddreg [dreg:$0x7]  }
0x25: {  	s9 =	rddreg [dreg:$0x8];
	s0 =	simm.s32 $0x0  }
0x26: {  	[smem:$0x7FF] =	sst s0  }
0x27: {  	s28 =	sld [smem:$0xC]  }
0x28: {  	s10 =	rddreg [dreg:$0x9]  }
0x29: {  	s11 =	rddreg [dreg:$0xa]  }
0x2a: {  	[dreg:$0xe] =	wrdreg s28  }
0x2b: {  	s28 =	sld [smem:$0xD]  }
0x2c: {  	s12 =	rddreg [dreg:$0xb]  }
0x2d: {  	s13 =	rddreg [dreg:$0xc]  }
0x2e: {  	[dreg:$0xf] =	wrdreg s28  }
0x2f: {  	s28 =	sld [smem:$0xE]  }
0x30: {  	s14 =	rddreg [dreg:$0xd]  }
0x31: {  	s15 =	sld [smem:$0x0]  }
0x32: {  	[dreg:$0x10] =	wrdreg s28  }
0x33: {  	s28 =	sld [smem:$0xF]  }
0x34: {  	s16 =	sld [smem:$0x1]  }
0x35: {  	s17 =	sld [smem:$0x2]  }
0x36: {  	[dreg:$0x11] =	wrdreg s28  }
0x37: {  	s28 =	sld [smem:$0x10]  }
0x38: {  	s18 =	sld [smem:$0x3]  }
0x39: {  	s19 =	sld [smem:$0x4]  }
0x3a: {  	[dreg:$0x12] =	wrdreg s28  }
0x3b: {  	s28 =	sld [smem:$0x11]  }
0x3c: {  	s20 =	sld [smem:$0x5]  }
0x3d: {  	s21 =	sld [smem:$0x6]  }
0x3e: {  	[dreg:$0x13] =	wrdreg s28  }
0x3f: {  	s28 =	sld [smem:$0x12]  }
0x40: {  	s22 =	sld [smem:$0x7]  }
0x41: {  	s23 =	sld [smem:$0x8]  }
0x42: {  	[dreg:$0x14] =	wrdreg s28  }
0x43: {  	s28 =	sld [smem:$0x13]  }
0x44: {  	s24 =	sld [smem:$0x9]  }
0x45: {  	s25 =	sld [smem:$0xA]  }
0x46: {  	[dreg:$0x15] =	wrdreg s28  }
0x47: {  	s28 =	sld [smem:$0x14]  }
0x48: {  	s29 =	sld [smem:$0x16]  }
0x49: {  	s31 =	sld [smem:$0x18]  }
0x4a: {  	[dreg:$0x16] =	wrdreg s28  }
0x4b: {  	s28 =	sld [smem:$0x15]  }
0x4c: {  	[dreg:$0x18] =	wrdreg s29  }
0x4d: {  	s30 =	stileid.u32;
	s29 =	sld [smem:$0x17]  }
0x4e: {  	[dreg:$0x17] =	wrdreg s28;
	s28 =	srdreg.scid  }
0x4f: {  	s30 =	sshll.u32 s30, $0x7;
	s26 =	sld [smem:$0xB];
	s28 =	sand.u32 $0x1, s28  }
0x50: {  	[dreg:$0x19] =	wrdreg s29;
	s29 =	ssub.s32 $0x2, s28;
	s28 =	sshll.u32 s28, $0x6  }
0x51: {  	[dreg:$0x1a] =	wrdreg s31;
	s28 =	sor.u32 s28, s30  }
0x52: {  	s30 =	sld [smem:$0x19];
	s1 =	sadd.s32 s1, s28  }
0x53: {  	[dreg:$0x1c] =	wrdreg s1  }
0x54: {  	s2 =	sadd.s32 s2, s28;
	s1 =	sld [smem:$0x1A]  }
0x55: {  	[dreg:$0x1e] =	wrdreg s2  }
0x56: {  	s4 =	sadd.s32 s4, s28;
	s2 =	sadd.s32 s3, s28;
	s3 =	sld [smem:$0x1B]  }
0x57: {  	[smem:$0x7DA] =	sst s4  }
0x58: {  	s10 =	sadd.s32 s10, s28;
	s4 =	sadd.s32 s6, s28;
	s6 =	sld [smem:$0x1D]  }
0x59: {  	s11 =	sadd.s32 s11, s28;
	[smem:$0x7E3] =	sst s10  }
0x5a: {  	[smem:$0x7E4] =	sst s11  }
0x5b: {  	s11 =	sld [smem:$0x22]  }
0x5c: {  	s10 =	sadd.s32 s17, s28;
	s17 =	sld [smem:$0x26]  }
0x5d: {  	[dreg:$0x1b] =	wrdreg s30  }
0x5e: {  	[dreg:$0x1f] =	wrdreg s2  }
0x5f: {  	s2 =	sadd.s32 s5, s28;
	[smem:$0x7DD] =	sst s4;
	s5 =	sadd.s32 s7, s28  }
0x60: {  	s7 =	sadd.s32 s8, s28;
	s8 =	sadd.s32 s9, s28;
	s9 =	sld [smem:$0x1E]  }
0x61: {  	s4 =	sadd.s32 s13, s28;
	[smem:$0x7ED] =	sst s10  }
0x62: {  	s13 =	sadd.s32 s19, s28;
	s19 =	sadd.s32 s23, s28;
	s23 =	sld [smem:$0x25]  }
0x63: {  	[smem:$0x7DB] =	sst s2  }
0x64: {  	[smem:$0x7DE] =	sst s5  }
0x65: {  	[smem:$0x7E0] =	sst s7  }
0x66: {  	[smem:$0x7E1] =	sst s8  }
0x67: {  	s2 =	sld [smem:$0x1F]  }
0x68: {  	[smem:$0x7E7] =	sst s4  }
0x69: {  	s5 =	sld [smem:$0x20]  }
0x6a: {  	s8 =	sld [smem:$0x21]  }
0x6b: {  	[smem:$0x7F0] =	sst s13  }
0x6c: {  	[smem:$0x7F5] =	sst s19  }
0x6d: {  	s7 =	sadd.s32 s15, s28;
	s15 =	sadd.s32 s20, s28;
	s20 =	sld [smem:$0x24]  }
0x6e: {  	[dreg:$0x1d] =	wrdreg s1  }
0x6f: {  	[smem:$0x7D9] =	sst s3  }
0x70: {  	s3 =	sld [smem:$0x1C]  }
0x71: {  	[smem:$0x7DF] =	sst s6  }
0x72: {  	[smem:$0x7EA] =	sst s7  }
0x73: {  	[smem:$0x7EE] =	sst s11  }
0x74: {  	s6 =	sadd.s32 s14, s28;
	s14 =	sld [smem:$0x23]  }
0x75: {  	[smem:$0x7F2] =	sst s15  }
0x76: {  	[smem:$0x7E2] =	sst s9  }
0x77: {  	[smem:$0x7E9] =	sst s6  }
0x78: {  	s1 =	sadd.s32 s17, s28;
	[smem:$0x7F9] =	sst s23  }
0x79: {  	[smem:$0x7FB] =	sst s1  }
0x7a: {  	s31 =	simm.s32 $0x0;
	s30 =	sshrl.u32 s29, $0x1;
	[smem:$0x7E5] =	sst s2  }
0x7b: {  	s10 =	simm.s32 $0x2000;
	s29 =	ssub.s32 s29, s30;
	[smem:$0x7E8] =	sst s5  }
0x7c: {  	s13 =	simm.s32 $0x2400;
	s9 =	sadd.s32 s16, s28;
	[smem:$0x7EB] =	sst s8  }
0x7d: {  	s30 =	simm.s32 $0x1;
	s16 =	sadd.s32 s21, s28;
	[smem:$0x7EC] =	sst s9  }
0x7e: {  	s19 =	simm.s32 $0x2;
	s7 =	simm.s32 $0x1A00;
	[smem:$0x7F3] =	sst s16  }
0x7f: {  	s15 =	simm.s32 $0x2800;
	s21 =	sadd.s32 s24, s28;
	[smem:$0x7F6] =	sst s20  }
0x80: {  	s17 =	simm.s32 $0x2E00;
	s24 =	sadd.s32 s26, s28;
	[smem:$0x7F7] =	sst s21  }
0x81: {  	s26 =	smax.u32 s29, $0x1;
	s29 =	simm.s32 $0x3000;
	[smem:$0x7FA] =	sst s24  }
0x82: {  	s23 =	simm.s32 $0xE00;
	s6 =	simm.s32 $0x1600;
	[smem:$0x7DC] =	sst s3  }
0x83: {  	s3 =	sadd.s32 s12, s28;
	s12 =	sadd.s32 s18, s28;
	[smem:$0x7F1] =	sst s14  }
0x84: {  	s18 =	sadd.s32 s22, s28;
	s22 =	sadd.s32 s25, s28;
	s25 =	sld [smem:$0x27]  }
0x85: {  	s8 =	simm.s32 $0x1C00;
	s9 =	simm.s32 $0x1E00;
	[smem:$0x7E6] =	sst s3  }
0x86: {  	s16 =	simm.s32 $0x2A00;
	s21 =	simm.s32 $0x600;
	[smem:$0x7EF] =	sst s12  }
0x87: {  	s24 =	simm.s32 $0x1200;
	s5 =	simm.s32 $0x1400;
	[smem:$0x7F4] =	sst s18  }
0x88: {  	s14 =	simm.s32 $0x2600;
	s28 =	simm.s32 $0x2C00;
	[smem:$0x7F8] =	sst s22  }
0x89: {  	s12 =	simm.s32 $0x2200;
	s18 =	simm.s32 $0x3200;
	s22 =	simm.s32 $0xA00  }
0x8a: {  	s3 =	simm.s32 $0x1000;
	[smem:$0x7FC] =	sst s25;
	s25 =	simm.s32 $0x1800  }
0x8b: {  	_ =	strace $0x80000047;
	[smem:$0x7FD] =	sst s26;
	s26 =	simm.s32 $0x200  }
.LBB3_1:
0x8c: {  	s11 =	rddreg [dreg:$0x1c]  }
0x8d: {  	s20 =	rddreg [dreg:$0x1e]  }
0x8e: {  	[tilespmem:s0], [sflag:$0x1] =	stream.linear.gather [hbm4b:s11+s0], $0x200, $0x38;
	[tilespmem:$0x6A00] =	vst v63  }
0x8f: {  	s1 =	rddreg [dreg:$0x1f]  }
0x90: {  	[tilespmem:s26], [sflag:$0x1] =	stream.linear.gather [hbm4b:s20+s0], $0x200, $0x38;
	[tilespmem:$0x6A00] =	vst v63  }
0x91: {  	s2 =	sld [smem:$0x7DA];
	s20 =	simm.s32 $0x400  }
0x92: {  	[tilespmem:s20], [sflag:$0x1] =	stream.linear.gather [hbm4b:s1+s0], $0x200, $0x38;
	[tilespmem:$0x6A00] =	vst v63  }
0x93: {  	s4 =	sld [smem:$0x7DB]  }
0x94: {  	[tilespmem:s21], [sflag:$0x1] =	stream.linear.gather [hbm4b:s2+s0], $0x200, $0x38;
	[tilespmem:$0x6A00] =	vst v63  }
0x95: {  	s1 =	simm.s32 $0x800;
	s2 =	sld [smem:$0x7DD]  }
0x96: {  	[tilespmem:s1], [sflag:$0x1] =	stream.linear.gather [hbm4b:s4+s0], $0x200, $0x38;
	[tilespmem:$0x6A00] =	vst v63  }
0x97: {  	s4 =	sld [smem:$0x7DE]  }
0x98: {  	[tilespmem:s22], [sflag:$0x1] =	stream.linear.gather [hbm4b:s2+s0], $0x200, $0x38;
	[tilespmem:$0x6A00] =	vst v63  }
0x99: {  	s2 =	simm.s32 $0xC00  }
0x9a: {  	[tilespmem:s2], [sflag:$0x1] =	stream.linear.gather [hbm4b:s4+s0], $0x200, $0x38;
	[tilespmem:$0x6A00] =	vst v63  }
0x9b: {  	s4 =	sld [smem:$0x7E0];
	_ =	sdelay $0x2  }
0x9c: {  	[tilespmem:s23], [sflag:$0x1] =	stream.linear.gather [hbm4b:s4+s0], $0x200, $0x38;
	[tilespmem:$0x6A00] =	vst v63  }
0x9d: {  	s4 =	sld [smem:$0x7E1];
	_ =	sdelay $0x2  }
0x9e: {  	[tilespmem:s3], [sflag:$0x1] =	stream.linear.gather [hbm4b:s4+s0], $0x200, $0x38;
	[tilespmem:$0x6A00] =	vst v63  }
0x9f: {  	s4 =	sld [smem:$0x7E3];
	_ =	sdelay $0x2  }
0xa0: {  	[tilespmem:s24], [sflag:$0x1] =	stream.linear.gather [hbm4b:s4+s0], $0x200, $0x38;
	[tilespmem:$0x6A00] =	vst v63  }
0xa1: {  	s4 =	sld [smem:$0x7E4];
	_ =	sdelay $0x2  }
0xa2: {  	[tilespmem:s5], [sflag:$0x1] =	stream.linear.gather [hbm4b:s4+s0], $0x200, $0x38;
	[tilespmem:$0x6A00] =	vst v63  }
0xa3: {  	s4 =	sld [smem:$0x7E6];
	_ =	sdelay $0x2  }
0xa4: {  	[tilespmem:s6], [sflag:$0x1] =	stream.linear.gather [hbm4b:s4+s0], $0x200, $0x38;
	[tilespmem:$0x6A00] =	vst v63  }
0xa5: {  	s4 =	sld [smem:$0x7E7];
	_ =	sdelay $0x2  }
0xa6: {  	[tilespmem:s25], [sflag:$0x1] =	stream.linear.gather [hbm4b:s4+s0], $0x200, $0x38;
	[tilespmem:$0x6A00] =	vst v63  }
0xa7: {  	s4 =	sld [smem:$0x7E9];
	_ =	sdelay $0x2  }
0xa8: {  	[tilespmem:s7], [sflag:$0x1] =	stream.linear.gather [hbm4b:s4+s0], $0x200, $0x38;
	[tilespmem:$0x6A00] =	vst v63  }
0xa9: {  	s4 =	sld [smem:$0x7EA];
	_ =	sdelay $0x2  }
0xaa: {  	[tilespmem:s8], [sflag:$0x1] =	stream.linear.gather [hbm4b:s4+s0], $0x200, $0x38;
	[tilespmem:$0x6A00] =	vst v63  }
0xab: {  	s4 =	sld [smem:$0x7EC];
	_ =	sdelay $0x2  }
0xac: {  	[tilespmem:s9], [sflag:$0x1] =	stream.linear.gather [hbm4b:s4+s0], $0x200, $0x38;
	[tilespmem:$0x6A00] =	vst v63  }
0xad: {  	s4 =	sld [smem:$0x7ED];
	_ =	sdelay $0x2  }
0xae: {  	[tilespmem:s10], [sflag:$0x1] =	stream.linear.gather [hbm4b:s4+s0], $0x200, $0x38;
	[tilespmem:$0x6A00] =	vst v63  }
0xaf: {  	s4 =	sld [smem:$0x7EF];
	_ =	sdelay $0x2  }
0xb0: {  	[tilespmem:s12], [sflag:$0x1] =	stream.linear.gather [hbm4b:s4+s0], $0x200, $0x38;
	[tilespmem:$0x6A00] =	vst v63  }
0xb1: {  	s4 =	sld [smem:$0x7F0];
	_ =	sdelay $0x2  }
0xb2: {  	[tilespmem:s13], [sflag:$0x1] =	stream.linear.gather [hbm4b:s4+s0], $0x200, $0x38;
	[tilespmem:$0x6A00] =	vst v63  }
0xb3: {  	s4 =	sld [smem:$0x7F2];
	_ =	sdelay $0x2  }
0xb4: {  	[tilespmem:s14], [sflag:$0x1] =	stream.linear.gather [hbm4b:s4+s0], $0x200, $0x38;
	[tilespmem:$0x6A00] =	vst v63  }
0xb5: {  	s4 =	sld [smem:$0x7F3];
	_ =	sdelay $0x2  }
0xb6: {  	[tilespmem:s15], [sflag:$0x1] =	stream.linear.gather [hbm4b:s4+s0], $0x200, $0x38;
	[tilespmem:$0x6A00] =	vst v63  }
0xb7: {  	s4 =	sld [smem:$0x7F4];
	_ =	sdelay $0x2  }
0xb8: {  	[tilespmem:s16], [sflag:$0x1] =	stream.linear.gather [hbm4b:s4+s0], $0x200, $0x38;
	[tilespmem:$0x6A00] =	vst v63  }
0xb9: {  	s4 =	sld [smem:$0x7F5];
	_ =	sdelay $0x2  }
0xba: {  	[tilespmem:s28], [sflag:$0x1] =	stream.linear.gather [hbm4b:s4+s0], $0x200, $0x38;
	[tilespmem:$0x6A00] =	vst v63  }
0xbb: {  	s4 =	sld [smem:$0x7F7];
	_ =	sdelay $0x2  }
0xbc: {  	[tilespmem:s17], [sflag:$0x1] =	stream.linear.gather [hbm4b:s4+s0], $0x200, $0x38;
	[tilespmem:$0x6A00] =	vst v63  }
0xbd: {  	s4 =	sld [smem:$0x7F8];
	_ =	sdelay $0x2  }
0xbe: {  	[tilespmem:s29], [sflag:$0x1] =	stream.linear.gather [hbm4b:s4+s0], $0x200, $0x38;
	[tilespmem:$0x6A00] =	vst v63  }
0xbf: {  	s4 =	sld [smem:$0x7FA];
	_ =	sdelay $0x2  }
0xc0: {  	[tilespmem:s18], [sflag:$0x1] =	stream.linear.gather [hbm4b:s4+s0], $0x200, $0x38;
	[tilespmem:$0x6A00] =	vst v63  }
0xc1: {  	_ =	swait.ge [sflag:s30], $0x200  }
0xc2: {  	[sflag:s30] =	ssyncset.done $0x0  }
0xc3: {  	[sflag:s30] =	ssyncadd.s32 $0xFFFFFE00  }
0xc4: {  	_ =	swait.ge [sflag:s30], $0x200  }
0xc5: {  	[sflag:s30] =	ssyncset.done $0x0  }
0xc6: {  	[sflag:s30] =	ssyncadd.s32 $0xFFFFFE00  }
0xc7: {  	_ =	swait.ge [sflag:s30], $0x200  }
0xc8: {  	[sflag:s30] =	ssyncset.done $0x0  }
0xc9: {  	[sflag:s30] =	ssyncadd.s32 $0xFFFFFE00  }
0xca: {  	_ =	swait.ge [sflag:s30], $0x200  }
0xcb: {  	[sflag:s30] =	ssyncset.done $0x0  }
0xcc: {  	[sflag:s30] =	ssyncadd.s32 $0xFFFFFE00  }
0xcd: {  	_ =	swait.ge [sflag:s30], $0x200  }
0xce: {  	[sflag:s30] =	ssyncset.done $0x0  }
0xcf: {  	[sflag:s30] =	ssyncadd.s32 $0xFFFFFE00  }
0xd0: {  	_ =	swait.ge [sflag:s30], $0x200  }
0xd1: {  	[sflag:s30] =	ssyncset.done $0x0  }
0xd2: {  	[sflag:s30] =	ssyncadd.s32 $0xFFFFFE00  }
0xd3: {  	_ =	swait.ge [sflag:s30], $0x200  }
0xd4: {  	[sflag:s30] =	ssyncset.done $0x0  }
0xd5: {  	[sflag:s30] =	ssyncadd.s32 $0xFFFFFE00  }
0xd6: {  	_ =	swait.ge [sflag:s30], $0x200  }
0xd7: {  	[sflag:s30] =	ssyncset.done $0x0  }
0xd8: {  	[sflag:s30] =	ssyncadd.s32 $0xFFFFFE00  }
0xd9: {  	_ =	swait.ge [sflag:s30], $0x200  }
0xda: {  	[sflag:s30] =	ssyncset.done $0x0  }
0xdb: {  	[sflag:s30] =	ssyncadd.s32 $0xFFFFFE00  }
0xdc: {  	_ =	swait.ge [sflag:s30], $0x200  }
0xdd: {  	[sflag:s30] =	ssyncset.done $0x0  }
0xde: {  	[sflag:s30] =	ssyncadd.s32 $0xFFFFFE00  }
0xdf: {  	_ =	swait.ge [sflag:s30], $0x200  }
0xe0: {  	[sflag:s30] =	ssyncset.done $0x0  }
0xe1: {  	[sflag:s30] =	ssyncadd.s32 $0xFFFFFE00  }
0xe2: {  	_ =	swait.ge [sflag:s30], $0x200  }
0xe3: {  	[sflag:s30] =	ssyncset.done $0x0  }
0xe4: {  	[sflag:s30] =	ssyncadd.s32 $0xFFFFFE00  }
0xe5: {  	_ =	swait.ge [sflag:s30], $0x200  }
0xe6: {  	[sflag:s30] =	ssyncset.done $0x0  }
0xe7: {  	[sflag:s30] =	ssyncadd.s32 $0xFFFFFE00  }
0xe8: {  	_ =	swait.ge [sflag:s30], $0x200  }
0xe9: {  	[sflag:s30] =	ssyncset.done $0x0  }
0xea: {  	[sflag:s30] =	ssyncadd.s32 $0xFFFFFE00  }
0xeb: {  	_ =	swait.ge [sflag:s30], $0x200  }
0xec: {  	[sflag:s30] =	ssyncset.done $0x0  }
0xed: {  	[sflag:s30] =	ssyncadd.s32 $0xFFFFFE00  }
0xee: {  	_ =	swait.ge [sflag:s30], $0x200  }
0xef: {  	[sflag:s30] =	ssyncset.done $0x0  }
0xf0: {  	[sflag:s30] =	ssyncadd.s32 $0xFFFFFE00  }
0xf1: {  	_ =	swait.ge [sflag:s30], $0x200  }
0xf2: {  	[sflag:s30] =	ssyncset.done $0x0  }
0xf3: {  	[sflag:s30] =	ssyncadd.s32 $0xFFFFFE00  }
0xf4: {  	_ =	swait.ge [sflag:s30], $0x200  }
0xf5: {  	[sflag:s30] =	ssyncset.done $0x0  }
0xf6: {  	[sflag:s30] =	ssyncadd.s32 $0xFFFFFE00  }
0xf7: {  	_ =	swait.ge [sflag:s30], $0x200  }
0xf8: {  	[sflag:s30] =	ssyncset.done $0x0  }
0xf9: {  	[sflag:s30] =	ssyncadd.s32 $0xFFFFFE00  }
0xfa: {  	_ =	swait.ge [sflag:s30], $0x200  }
0xfb: {  	[sflag:s30] =	ssyncset.done $0x0  }
0xfc: {  	[sflag:s30] =	ssyncadd.s32 $0xFFFFFE00  }
0xfd: {  	_ =	swait.ge [sflag:s30], $0x200  }
0xfe: {  	[sflag:s30] =	ssyncset.done $0x0  }
0xff: {  	[sflag:s30] =	ssyncadd.s32 $0xFFFFFE00  }
0x100: {  	_ =	swait.ge [sflag:s30], $0x200  }
0x101: {  	[sflag:s30] =	ssyncset.done $0x0  }
0x102: {  	[sflag:s30] =	ssyncadd.s32 $0xFFFFFE00  }
0x103: {  	_ =	swait.ge [sflag:s30], $0x200  }
0x104: {  	[sflag:s30] =	ssyncset.done $0x0  }
0x105: {  	[sflag:s30] =	ssyncadd.s32 $0xFFFFFE00  }
0x106: {  	_ =	swait.ge [sflag:s30], $0x200  }
0x107: {  	[sflag:s30] =	ssyncset.done $0x0  }
0x108: {  	[sflag:s30] =	ssyncadd.s32 $0xFFFFFE00  }
0x109: {  	_ =	swait.ge [sflag:s30], $0x200  }
0x10a: {  	[sflag:s30] =	ssyncset.done $0x0  }
0x10b: {  	[sflag:s30] =	ssyncadd.s32 $0xFFFFFE00  }
0x10c: {  	_ =	swait.ge [sflag:s30], $0x200  }
0x10d: {  	[sflag:s30] =	ssyncset.done $0x0  }
0x10e: {  	s4 =	simm.s32 $0x3400;
	s11 =	rddreg [dreg:$0xe];
	[sflag:s30] =	ssyncadd.s32 $0xFFFFFE00  }
0x10f: {  	[tilespmem:s4], [sflag:$0x1] =	stream.indirect.gather [hbm4b:s11+s26], $0x1, s0, s26, $0xb8;
	[tilespmem:$0x6A00] =	vst v63  }
0x110: {  	s11 =	rddreg [dreg:$0xf];
	s4 =	simm.s32 $0x3600  }
0x111: {  	[tilespmem:s4], [sflag:$0x1] =	stream.indirect.gather [hbm4b:s11+s26], $0x1, s26, s26, $0xb8;
	[tilespmem:$0x6A00] =	vst v63  }
0x112: {  	s11 =	rddreg [dreg:$0x10];
	s4 =	simm.s32 $0x3800  }
0x113: {  	[tilespmem:s4], [sflag:$0x1] =	stream.indirect.gather [hbm4b:s11+s26], $0x1, s20, s26, $0xb8;
	[tilespmem:$0x6A00] =	vst v63  }
0x114: {  	s4 =	rddreg [dreg:$0x11];
	s20 =	simm.s32 $0x3A00  }
0x115: {  	[tilespmem:s20], [sflag:$0x1] =	stream.indirect.gather [hbm4b:s4+s26], $0x1, s21, s26, $0xb8;
	[tilespmem:$0x6A00] =	vst v63  }
0x116: {  	s4 =	rddreg [dreg:$0x12];
	s20 =	simm.s32 $0x3C00  }
0x117: {  	[tilespmem:s20], [sflag:$0x1] =	stream.indirect.gather [hbm4b:s4+s26], $0x1, s1, s26, $0xb8;
	[tilespmem:$0x6A00] =	vst v63  }
0x118: {  	s4 =	rddreg [dreg:$0x13]  }
0x119: {  	s20 =	simm.s32 $0x3E00;
	s1 =	rddreg [dreg:$0x16]  }
0x11a: {  	[tilespmem:s20], [sflag:$0x1] =	stream.indirect.gather [hbm4b:s4+s26], $0x1, s22, s26, $0xb8;
	[tilespmem:$0x6A00] =	vst v63  }
0x11b: {  	s4 =	rddreg [dreg:$0x14];
	s20 =	simm.s32 $0x4000  }
0x11c: {  	[tilespmem:s20], [sflag:$0x1] =	stream.indirect.gather [hbm4b:s4+s26], $0x1, s2, s26, $0xb8;
	[tilespmem:$0x6A00] =	vst v63  }
0x11d: {  	s4 =	rddreg [dreg:$0x15];
	s20 =	simm.s32 $0x4200  }
0x11e: {  	[tilespmem:s20], [sflag:$0x1] =	stream.indirect.gather [hbm4b:s4+s26], $0x1, s23, s26, $0xb8;
	[tilespmem:$0x6A00] =	vst v63  }
0x11f: {  	s2 =	simm.s32 $0x4400;
	s4 =	rddreg [dreg:$0x17]  }
0x120: {  	[tilespmem:s2], [sflag:$0x1] =	stream.indirect.gather [hbm4b:s1+s26], $0x1, s3, s26, $0xb8;
	[tilespmem:$0x6A00] =	vst v63  }
0x121: {  	s20 =	simm.s32 $0x4600;
	s1 =	rddreg [dreg:$0x18]  }
0x122: {  	[tilespmem:s20], [sflag:$0x1] =	stream.indirect.gather [hbm4b:s4+s26], $0x1, s24, s26, $0xb8;
	[tilespmem:$0x6A00] =	vst v63  }
0x123: {  	s2 =	simm.s32 $0x4800;
	s4 =	rddreg [dreg:$0x19]  }
0x124: {  	[tilespmem:s2], [sflag:$0x1] =	stream.indirect.gather [hbm4b:s1+s26], $0x1, s5, s26, $0xb8;
	[tilespmem:$0x6A00] =	vst v63  }
0x125: {  	s20 =	simm.s32 $0x4A00;
	s1 =	rddreg [dreg:$0x1a]  }
0x126: {  	[tilespmem:s20], [sflag:$0x1] =	stream.indirect.gather [hbm4b:s4+s26], $0x1, s6, s26, $0xb8;
	[tilespmem:$0x6A00] =	vst v63  }
0x127: {  	s2 =	simm.s32 $0x4C00;
	s4 =	rddreg [dreg:$0x1b]  }
0x128: {  	[tilespmem:s2], [sflag:$0x1] =	stream.indirect.gather [hbm4b:s1+s26], $0x1, s25, s26, $0xb8;
	[tilespmem:$0x6A00] =	vst v63  }
0x129: {  	s20 =	simm.s32 $0x4E00;
	s1 =	rddreg [dreg:$0x1d]  }
0x12a: {  	[tilespmem:s20], [sflag:$0x1] =	stream.indirect.gather [hbm4b:s4+s26], $0x1, s7, s26, $0xb8;
	[tilespmem:$0x6A00] =	vst v63  }
0x12b: {  	s2 =	simm.s32 $0x5000;
	s4 =	sld [smem:$0x7D9]  }
0x12c: {  	[tilespmem:s2], [sflag:$0x1] =	stream.indirect.gather [hbm4b:s1+s26], $0x1, s8, s26, $0xb8;
	[tilespmem:$0x6A00] =	vst v63  }
0x12d: {  	s20 =	simm.s32 $0x5200;
	s1 =	sld [smem:$0x7DC]  }
0x12e: {  	[tilespmem:s20], [sflag:$0x1] =	stream.indirect.gather [hbm4b:s4+s26], $0x1, s9, s26, $0xb8;
	[tilespmem:$0x6A00] =	vst v63  }
0x12f: {  	s2 =	simm.s32 $0x5400;
	s4 =	sld [smem:$0x7DF]  }
0x130: {  	[tilespmem:s2], [sflag:$0x1] =	stream.indirect.gather [hbm4b:s1+s26], $0x1, s10, s26, $0xb8;
	[tilespmem:$0x6A00] =	vst v63  }
0x131: {  	s20 =	simm.s32 $0x5600;
	s1 =	sld [smem:$0x7E2]  }
0x132: {  	[tilespmem:s20], [sflag:$0x1] =	stream.indirect.gather [hbm4b:s4+s26], $0x1, s12, s26, $0xb8;
	[tilespmem:$0x6A00] =	vst v63  }
0x133: {  	s2 =	simm.s32 $0x5800;
	s4 =	sld [smem:$0x7E5]  }
0x134: {  	[tilespmem:s2], [sflag:$0x1] =	stream.indirect.gather [hbm4b:s1+s26], $0x1, s13, s26, $0xb8;
	[tilespmem:$0x6A00] =	vst v63  }
0x135: {  	s20 =	simm.s32 $0x5A00;
	s1 =	sld [smem:$0x7E8]  }
0x136: {  	[tilespmem:s20], [sflag:$0x1] =	stream.indirect.gather [hbm4b:s4+s26], $0x1, s14, s26, $0xb8;
	[tilespmem:$0x6A00] =	vst v63  }
0x137: {  	s2 =	simm.s32 $0x5C00;
	s4 =	sld [smem:$0x7EB]  }
0x138: {  	[tilespmem:s2], [sflag:$0x1] =	stream.indirect.gather [hbm4b:s1+s26], $0x1, s15, s26, $0xb8;
	[tilespmem:$0x6A00] =	vst v63  }
0x139: {  	s20 =	simm.s32 $0x5E00;
	s1 =	sld [smem:$0x7EE]  }
0x13a: {  	[tilespmem:s20], [sflag:$0x1] =	stream.indirect.gather [hbm4b:s4+s26], $0x1, s16, s26, $0xb8;
	[tilespmem:$0x6A00] =	vst v63  }
0x13b: {  	s2 =	simm.s32 $0x6000;
	s4 =	sld [smem:$0x7F1]  }
0x13c: {  	[tilespmem:s2], [sflag:$0x1] =	stream.indirect.gather [hbm4b:s1+s26], $0x1, s28, s26, $0xb8;
	[tilespmem:$0x6A00] =	vst v63  }
0x13d: {  	s20 =	simm.s32 $0x6200;
	s2 =	sld [smem:$0x7F6]  }
0x13e: {  	[tilespmem:s20], [sflag:$0x1] =	stream.indirect.gather [hbm4b:s4+s26], $0x1, s17, s26, $0xb8;
	[tilespmem:$0x6A00] =	vst v63  }
0x13f: {  	s11 =	sld [smem:$0x7F9];
	s4 =	simm.s32 $0x6400  }
0x140: {  	[tilespmem:s4], [sflag:$0x1] =	stream.indirect.gather [hbm4b:s2+s26], $0x1, s29, s26, $0xb8;
	[tilespmem:$0x6A00] =	vst v63  }
0x141: {  	s20 =	simm.s32 $0x6600  }
0x142: {  	[tilespmem:s20], [sflag:$0x1] =	stream.indirect.gather [hbm4b:s11+s26], $0x1, s18, s26, $0xb8;
	[tilespmem:$0x6A00] =	vst v63  }
0x143: {  	_ =	swait.ge [sflag:s30], $0x200  }
0x144: {  	[sflag:s30] =	ssyncset.done $0x0  }
0x145: {  	[sflag:s30] =	ssyncadd.s32 $0xFFFFFE00  }
0x146: {  	_ =	swait.ge [sflag:s30], $0x200  }
0x147: {  	[sflag:s30] =	ssyncset.done $0x0  }
0x148: {  	[sflag:s30] =	ssyncadd.s32 $0xFFFFFE00  }
0x149: {  	_ =	swait.ge [sflag:s30], $0x200  }
0x14a: {  	[sflag:s30] =	ssyncset.done $0x0  }
0x14b: {  	[sflag:s30] =	ssyncadd.s32 $0xFFFFFE00  }
0x14c: {  	_ =	swait.ge [sflag:s30], $0x200  }
0x14d: {  	[sflag:s30] =	ssyncset.done $0x0  }
0x14e: {  	[sflag:s30] =	ssyncadd.s32 $0xFFFFFE00  }
0x14f: {  	_ =	swait.ge [sflag:s30], $0x200  }
0x150: {  	[sflag:s30] =	ssyncset.done $0x0  }
0x151: {  	[sflag:s30] =	ssyncadd.s32 $0xFFFFFE00  }
0x152: {  	_ =	swait.ge [sflag:s30], $0x200  }
0x153: {  	[sflag:s30] =	ssyncset.done $0x0  }
0x154: {  	[sflag:s30] =	ssyncadd.s32 $0xFFFFFE00  }
0x155: {  	_ =	swait.ge [sflag:s30], $0x200  }
0x156: {  	[sflag:s30] =	ssyncset.done $0x0  }
0x157: {  	[sflag:s30] =	ssyncadd.s32 $0xFFFFFE00  }
0x158: {  	_ =	swait.ge [sflag:s30], $0x200  }
0x159: {  	[sflag:s30] =	ssyncset.done $0x0  }
0x15a: {  	[sflag:s30] =	ssyncadd.s32 $0xFFFFFE00  }
0x15b: {  	_ =	swait.ge [sflag:s30], $0x200  }
0x15c: {  	[sflag:s30] =	ssyncset.done $0x0  }
0x15d: {  	[sflag:s30] =	ssyncadd.s32 $0xFFFFFE00  }
0x15e: {  	_ =	swait.ge [sflag:s30], $0x200  }
0x15f: {  	[sflag:s30] =	ssyncset.done $0x0  }
0x160: {  	[sflag:s30] =	ssyncadd.s32 $0xFFFFFE00  }
0x161: {  	_ =	swait.ge [sflag:s30], $0x200  }
0x162: {  	[sflag:s30] =	ssyncset.done $0x0  }
0x163: {  	[sflag:s30] =	ssyncadd.s32 $0xFFFFFE00  }
0x164: {  	_ =	swait.ge [sflag:s30], $0x200  }
0x165: {  	[sflag:s30] =	ssyncset.done $0x0  }
0x166: {  	[sflag:s30] =	ssyncadd.s32 $0xFFFFFE00  }
0x167: {  	_ =	swait.ge [sflag:s30], $0x200  }
0x168: {  	[sflag:s30] =	ssyncset.done $0x0  }
0x169: {  	[sflag:s30] =	ssyncadd.s32 $0xFFFFFE00  }
0x16a: {  	_ =	swait.ge [sflag:s30], $0x200  }
0x16b: {  	[sflag:s30] =	ssyncset.done $0x0  }
0x16c: {  	[sflag:s30] =	ssyncadd.s32 $0xFFFFFE00  }
0x16d: {  	_ =	swait.ge [sflag:s30], $0x200  }
0x16e: {  	[sflag:s30] =	ssyncset.done $0x0  }
0x16f: {  	[sflag:s30] =	ssyncadd.s32 $0xFFFFFE00  }
0x170: {  	_ =	swait.ge [sflag:s30], $0x200  }
0x171: {  	[sflag:s30] =	ssyncset.done $0x0  }
0x172: {  	[sflag:s30] =	ssyncadd.s32 $0xFFFFFE00  }
0x173: {  	_ =	swait.ge [sflag:s30], $0x200  }
0x174: {  	[sflag:s30] =	ssyncset.done $0x0  }
0x175: {  	[sflag:s30] =	ssyncadd.s32 $0xFFFFFE00  }
0x176: {  	_ =	swait.ge [sflag:s30], $0x200  }
0x177: {  	[sflag:s30] =	ssyncset.done $0x0  }
0x178: {  	[sflag:s30] =	ssyncadd.s32 $0xFFFFFE00  }
0x179: {  	_ =	swait.ge [sflag:s30], $0x200  }
0x17a: {  	[sflag:s30] =	ssyncset.done $0x0  }
0x17b: {  	[sflag:s30] =	ssyncadd.s32 $0xFFFFFE00  }
0x17c: {  	_ =	swait.ge [sflag:s30], $0x200  }
0x17d: {  	[sflag:s30] =	ssyncset.done $0x0  }
0x17e: {  	[sflag:s30] =	ssyncadd.s32 $0xFFFFFE00  }
0x17f: {  	_ =	swait.ge [sflag:s30], $0x200  }
0x180: {  	[sflag:s30] =	ssyncset.done $0x0  }
0x181: {  	[sflag:s30] =	ssyncadd.s32 $0xFFFFFE00  }
0x182: {  	_ =	swait.ge [sflag:s30], $0x200  }
0x183: {  	[sflag:s30] =	ssyncset.done $0x0  }
0x184: {  	[sflag:s30] =	ssyncadd.s32 $0xFFFFFE00  }
0x185: {  	_ =	swait.ge [sflag:s30], $0x200  }
0x186: {  	[sflag:s30] =	ssyncset.done $0x0  }
0x187: {  	[sflag:s30] =	ssyncadd.s32 $0xFFFFFE00  }
0x188: {  	_ =	swait.ge [sflag:s30], $0x200  }
0x189: {  	[sflag:s30] =	ssyncset.done $0x0  }
0x18a: {  	[sflag:s30] =	ssyncadd.s32 $0xFFFFFE00  }
0x18b: {  	_ =	swait.ge [sflag:s30], $0x200  }
0x18c: {  	[sflag:s30] =	ssyncset.done $0x0  }
0x18d: {  	[sflag:s30] =	ssyncadd.s32 $0xFFFFFE00  }
0x18e: {  	_ =	swait.ge [sflag:s30], $0x200  }
0x18f: {  	[sflag:s30] =	ssyncset.done $0x0  }
0x190: {  	[sflag:s30] =	ssyncadd.s32 $0xFFFFFE00  }
0x191: {  	v31 =	vld [tilespmem:$0x3400]  }
0x192: {  	v30 =	vld [tilespmem:$0x3410]  }
0x193: {  	v29 =	vld [tilespmem:$0x3420]  }
0x194: {  	v28 =	vld [tilespmem:$0x3430]  }
0x195: {  	v27 =	vld [tilespmem:$0x3440]  }
0x196: {  	v26 =	vld [tilespmem:$0x3450];
	[tilespmem:$0x6800] =	vst v31  }
0x197: {  	v25 =	vld [tilespmem:$0x3460];
	[tilespmem:$0x6810] =	vst v30  }
0x198: {  	v24 =	vld [tilespmem:$0x3470];
	[tilespmem:$0x6820] =	vst v29  }
0x199: {  	v23 =	vld [tilespmem:$0x3480];
	[tilespmem:$0x6830] =	vst v28  }
0x19a: {  	v22 =	vld [tilespmem:$0x3490];
	[tilespmem:$0x6840] =	vst v27  }
0x19b: {  	v21 =	vld [tilespmem:$0x34A0];
	[tilespmem:$0x6850] =	vst v26  }
0x19c: {  	v20 =	vld [tilespmem:$0x34B0];
	[tilespmem:$0x6860] =	vst v25  }
0x19d: {  	v19 =	vld [tilespmem:$0x34C0];
	[tilespmem:$0x6870] =	vst v24  }
0x19e: {  	v18 =	vld [tilespmem:$0x34D0];
	[tilespmem:$0x6880] =	vst v23  }
0x19f: {  	v17 =	vld [tilespmem:$0x34E0];
	[tilespmem:$0x6890] =	vst v22  }
0x1a0: {  	v16 =	vld [tilespmem:$0x34F0];
	[tilespmem:$0x68A0] =	vst v21  }
0x1a1: {  	v15 =	vld [tilespmem:$0x3500];
	[tilespmem:$0x68B0] =	vst v20  }
0x1a2: {  	v14 =	vld [tilespmem:$0x3510];
	[tilespmem:$0x68C0] =	vst v19  }
0x1a3: {  	v13 =	vld [tilespmem:$0x3520];
	[tilespmem:$0x68D0] =	vst v18  }
0x1a4: {  	v12 =	vld [tilespmem:$0x3530];
	[tilespmem:$0x68E0] =	vst v17  }
0x1a5: {  	v11 =	vld [tilespmem:$0x3540];
	[tilespmem:$0x68F0] =	vst v16  }
0x1a6: {  	v10 =	vld [tilespmem:$0x3550];
	[tilespmem:$0x6900] =	vst v15  }
0x1a7: {  	v9 =	vld [tilespmem:$0x3560];
	[tilespmem:$0x6910] =	vst v14  }
0x1a8: {  	v8 =	vld [tilespmem:$0x3570];
	[tilespmem:$0x6920] =	vst v13  }
0x1a9: {  	v7 =	vld [tilespmem:$0x3580];
	[tilespmem:$0x6930] =	vst v12  }
0x1aa: {  	v6 =	vld [tilespmem:$0x3590];
	[tilespmem:$0x6940] =	vst v11  }
0x1ab: {  	v5 =	vld [tilespmem:$0x35A0];
	[tilespmem:$0x6950] =	vst v10  }
0x1ac: {  	v4 =	vld [tilespmem:$0x35B0];
	[tilespmem:$0x6960] =	vst v9  }
0x1ad: {  	v3 =	vld [tilespmem:$0x35C0];
	[tilespmem:$0x6970] =	vst v8  }
0x1ae: {  	v2 =	vld [tilespmem:$0x35D0];
	[tilespmem:$0x6980] =	vst v7  }
0x1af: {  	v1 =	vld [tilespmem:$0x35E0];
	[tilespmem:$0x6990] =	vst v6  }
0x1b0: {  	v0 =	vld [tilespmem:$0x35F0];
	[tilespmem:$0x69A0] =	vst v5  }
0x1b1: {  	[tilespmem:$0x69B0] =	vst v4  }
0x1b2: {  	[tilespmem:$0x69C0] =	vst v3  }
0x1b3: {  	[tilespmem:$0x69D0] =	vst v2  }
0x1b4: {  	[tilespmem:$0x69E0] =	vst v1  }
0x1b5: {  	s20 =	simm.s32 $0x3F0;
	s11 =	simm.s32 $0x17C0;
	[tilespmem:$0x69F0] =	vst v0  }
.LBB3_2:
0x1b6: {  	p0 =	sne.s32 s11, $0xCFC0;
	v32 =	vld [tilespmem:s20+$0x3210];
	_ =	sdelay $0x4  }
0x1b7: {  	v31 =	vadd.f32 v32, v31;
	_ =	sdelay $0x1  }
0x1b8: {  	[tilespmem:$0x6800] =	vst v31  }
0x1b9: {  	v32 =	vld [tilespmem:s20+$0x3220];
	_ =	sdelay $0x4  }
0x1ba: {  	v30 =	vadd.f32 v32, v30;
	_ =	sdelay $0x1  }
0x1bb: {  	[tilespmem:$0x6810] =	vst v30  }
0x1bc: {  	v32 =	vld [tilespmem:s20+$0x3230];
	_ =	sdelay $0x4  }
0x1bd: {  	v29 =	vadd.f32 v32, v29;
	_ =	sdelay $0x1  }
0x1be: {  	[tilespmem:$0x6820] =	vst v29  }
0x1bf: {  	v32 =	vld [tilespmem:s20+$0x3240];
	_ =	sdelay $0x4  }
0x1c0: {  	v28 =	vadd.f32 v32, v28;
	_ =	sdelay $0x1  }
0x1c1: {  	[tilespmem:$0x6830] =	vst v28  }
0x1c2: {  	v32 =	vld [tilespmem:s20+$0x3250];
	_ =	sdelay $0x4  }
0x1c3: {  	v27 =	vadd.f32 v32, v27;
	_ =	sdelay $0x1  }
0x1c4: {  	[tilespmem:$0x6840] =	vst v27  }
0x1c5: {  	v32 =	vld [tilespmem:s20+$0x3260];
	_ =	sdelay $0x4  }
0x1c6: {  	v26 =	vadd.f32 v32, v26;
	_ =	sdelay $0x1  }
0x1c7: {  	[tilespmem:$0x6850] =	vst v26  }
0x1c8: {  	v32 =	vld [tilespmem:s20+$0x3270];
	_ =	sdelay $0x4  }
0x1c9: {  	v25 =	vadd.f32 v32, v25;
	_ =	sdelay $0x1  }
0x1ca: {  	[tilespmem:$0x6860] =	vst v25  }
0x1cb: {  	v32 =	vld [tilespmem:s20+$0x3280];
	_ =	sdelay $0x4  }
0x1cc: {  	v24 =	vadd.f32 v32, v24;
	_ =	sdelay $0x1  }
0x1cd: {  	[tilespmem:$0x6870] =	vst v24  }
0x1ce: {  	v32 =	vld [tilespmem:s20+$0x3290];
	_ =	sdelay $0x4  }
0x1cf: {  	v23 =	vadd.f32 v32, v23;
	_ =	sdelay $0x1  }
0x1d0: {  	[tilespmem:$0x6880] =	vst v23  }
0x1d1: {  	v32 =	vld [tilespmem:s20+$0x32A0];
	_ =	sdelay $0x4  }
0x1d2: {  	v22 =	vadd.f32 v32, v22;
	_ =	sdelay $0x1  }
0x1d3: {  	[tilespmem:$0x6890] =	vst v22  }
0x1d4: {  	v32 =	vld [tilespmem:s20+$0x32B0];
	_ =	sdelay $0x4  }
0x1d5: {  	v21 =	vadd.f32 v32, v21;
	_ =	sdelay $0x1  }
0x1d6: {  	[tilespmem:$0x68A0] =	vst v21  }
0x1d7: {  	v32 =	vld [tilespmem:s20+$0x32C0];
	_ =	sdelay $0x4  }
0x1d8: {  	v20 =	vadd.f32 v32, v20;
	_ =	sdelay $0x1  }
0x1d9: {  	[tilespmem:$0x68B0] =	vst v20  }
0x1da: {  	v32 =	vld [tilespmem:s20+$0x32D0];
	_ =	sdelay $0x4  }
0x1db: {  	v19 =	vadd.f32 v32, v19;
	_ =	sdelay $0x1  }
0x1dc: {  	[tilespmem:$0x68C0] =	vst v19  }
0x1dd: {  	v32 =	vld [tilespmem:s20+$0x32E0];
	_ =	sdelay $0x4  }
0x1de: {  	v18 =	vadd.f32 v32, v18;
	_ =	sdelay $0x1  }
0x1df: {  	[tilespmem:$0x68D0] =	vst v18  }
0x1e0: {  	v32 =	vld [tilespmem:s20+$0x32F0];
	_ =	sdelay $0x4  }
0x1e1: {  	v17 =	vadd.f32 v32, v17;
	_ =	sdelay $0x1  }
0x1e2: {  	[tilespmem:$0x68E0] =	vst v17  }
0x1e3: {  	v32 =	vld [tilespmem:s20+$0x3300];
	_ =	sdelay $0x4  }
0x1e4: {  	v16 =	vadd.f32 v32, v16;
	_ =	sdelay $0x1  }
0x1e5: {  	[tilespmem:$0x68F0] =	vst v16  }
0x1e6: {  	v32 =	vld [tilespmem:s20+$0x3310];
	_ =	sdelay $0x4  }
0x1e7: {  	v15 =	vadd.f32 v32, v15;
	_ =	sdelay $0x1  }
0x1e8: {  	[tilespmem:$0x6900] =	vst v15  }
0x1e9: {  	v32 =	vld [tilespmem:s20+$0x3320];
	_ =	sdelay $0x4  }
0x1ea: {  	v14 =	vadd.f32 v32, v14;
	_ =	sdelay $0x1  }
0x1eb: {  	[tilespmem:$0x6910] =	vst v14  }
0x1ec: {  	v32 =	vld [tilespmem:s20+$0x3330];
	_ =	sdelay $0x4  }
0x1ed: {  	v13 =	vadd.f32 v32, v13;
	_ =	sdelay $0x1  }
0x1ee: {  	[tilespmem:$0x6920] =	vst v13  }
0x1ef: {  	v32 =	vld [tilespmem:s20+$0x3340];
	_ =	sdelay $0x4  }
0x1f0: {  	v12 =	vadd.f32 v32, v12;
	_ =	sdelay $0x1  }
0x1f1: {  	[tilespmem:$0x6930] =	vst v12  }
0x1f2: {  	v32 =	vld [tilespmem:s20+$0x3350];
	_ =	sdelay $0x4  }
0x1f3: {  	v11 =	vadd.f32 v32, v11;
	_ =	sdelay $0x1  }
0x1f4: {  	[tilespmem:$0x6940] =	vst v11  }
0x1f5: {  	v32 =	vld [tilespmem:s20+$0x3360];
	_ =	sdelay $0x4  }
0x1f6: {  	v10 =	vadd.f32 v32, v10;
	_ =	sdelay $0x1  }
0x1f7: {  	[tilespmem:$0x6950] =	vst v10  }
0x1f8: {  	v32 =	vld [tilespmem:s20+$0x3370];
	_ =	sdelay $0x4  }
0x1f9: {  	v9 =	vadd.f32 v32, v9;
	_ =	sdelay $0x1  }
0x1fa: {  	[tilespmem:$0x6960] =	vst v9  }
0x1fb: {  	v32 =	vld [tilespmem:s20+$0x3380];
	_ =	sdelay $0x4  }
0x1fc: {  	v8 =	vadd.f32 v32, v8;
	_ =	sdelay $0x1  }
0x1fd: {  	[tilespmem:$0x6970] =	vst v8  }
0x1fe: {  	v32 =	vld [tilespmem:s20+$0x3390];
	_ =	sdelay $0x4  }
0x1ff: {  	v7 =	vadd.f32 v32, v7;
	_ =	sdelay $0x1  }
0x200: {  	[tilespmem:$0x6980] =	vst v7  }
0x201: {  	v32 =	vld [tilespmem:s20+$0x33A0];
	_ =	sdelay $0x4  }
0x202: {  	v6 =	vadd.f32 v32, v6;
	_ =	sdelay $0x1  }
0x203: {  	[tilespmem:$0x6990] =	vst v6  }
0x204: {  	v32 =	vld [tilespmem:s20+$0x33B0];
	_ =	sdelay $0x4  }
0x205: {  	v5 =	vadd.f32 v32, v5;
	_ =	sdelay $0x1  }
0x206: {  	[tilespmem:$0x69A0] =	vst v5  }
0x207: {  	v32 =	vld [tilespmem:s20+$0x33C0];
	_ =	sdelay $0x4  }
0x208: {  	v4 =	vadd.f32 v32, v4;
	_ =	sdelay $0x1  }
0x209: {  	[tilespmem:$0x69B0] =	vst v4  }
0x20a: {  	v32 =	vld [tilespmem:s20+$0x33D0];
	_ =	sdelay $0x4  }
0x20b: {  	v3 =	vadd.f32 v32, v3;
	_ =	sdelay $0x1  }
0x20c: {  	[tilespmem:$0x69C0] =	vst v3  }
0x20d: {  	v32 =	vld [tilespmem:s20+$0x33E0];
	_ =	sdelay $0x4  }
0x20e: {  	v2 =	vadd.f32 v32, v2;
	_ =	sdelay $0x1  }
0x20f: {  	[tilespmem:$0x69D0] =	vst v2  }
0x210: {  	v32 =	vld [tilespmem:s20+$0x33F0];
	_ =	sdelay $0x4  }
0x211: {  	v1 =	vadd.f32 v32, v1;
	_ =	sdelay $0x1  }
0x212: {  	[tilespmem:$0x69E0] =	vst v1  }
0x213: {  	v32 =	vld [tilespmem:s20+$0x3400];
	_ =	sdelay $0x2  }
.Ltmp0:
0x214: {  	(pc) =	sbr.rel @p0 .LBB3_2-.Ltmp0, $3  }
0x215: {  	_ = 	snop  }
0x216: {  	v0 =	vadd.f32 v32, v0;
	_ =	sdelay $0x1  }
0x217: {  	s20 =	sshra.s32 s11, $0x2;
	s11 =	sadd.s32 $0x800, s11;
	[tilespmem:$0x69F0] =	vst v0  }
0x218: {  	v32 =	vld [tilespmem:s20+$0x3210];
	_ =	sdelay $0x4  }
0x219: {  	v31 =	vadd.f32 v32, v31;
	_ =	sdelay $0x1  }
0x21a: {  	[tilespmem:$0x6800] =	vst v31  }
0x21b: {  	v31 =	vld [tilespmem:s20+$0x3220];
	_ =	sdelay $0x4  }
0x21c: {  	v30 =	vadd.f32 v31, v30;
	_ =	sdelay $0x1  }
0x21d: {  	[tilespmem:$0x6810] =	vst v30  }
0x21e: {  	v30 =	vld [tilespmem:s20+$0x3230];
	_ =	sdelay $0x4  }
0x21f: {  	v29 =	vadd.f32 v30, v29;
	_ =	sdelay $0x1  }
0x220: {  	[tilespmem:$0x6820] =	vst v29  }
0x221: {  	v29 =	vld [tilespmem:s20+$0x3240];
	_ =	sdelay $0x4  }
0x222: {  	v28 =	vadd.f32 v29, v28;
	_ =	sdelay $0x1  }
0x223: {  	[tilespmem:$0x6830] =	vst v28  }
0x224: {  	v28 =	vld [tilespmem:s20+$0x3250];
	_ =	sdelay $0x4  }
0x225: {  	v27 =	vadd.f32 v28, v27;
	_ =	sdelay $0x1  }
0x226: {  	[tilespmem:$0x6840] =	vst v27  }
0x227: {  	v27 =	vld [tilespmem:s20+$0x3260];
	_ =	sdelay $0x4  }
0x228: {  	v26 =	vadd.f32 v27, v26;
	_ =	sdelay $0x1  }
0x229: {  	[tilespmem:$0x6850] =	vst v26  }
0x22a: {  	v26 =	vld [tilespmem:s20+$0x3270];
	_ =	sdelay $0x4  }
0x22b: {  	v25 =	vadd.f32 v26, v25;
	_ =	sdelay $0x1  }
0x22c: {  	[tilespmem:$0x6860] =	vst v25  }
0x22d: {  	v25 =	vld [tilespmem:s20+$0x3280];
	_ =	sdelay $0x4  }
0x22e: {  	v24 =	vadd.f32 v25, v24;
	_ =	sdelay $0x1  }
0x22f: {  	[tilespmem:$0x6870] =	vst v24  }
0x230: {  	v24 =	vld [tilespmem:s20+$0x3290];
	_ =	sdelay $0x4  }
0x231: {  	v23 =	vadd.f32 v24, v23;
	_ =	sdelay $0x1  }
0x232: {  	[tilespmem:$0x6880] =	vst v23  }
0x233: {  	v23 =	vld [tilespmem:s20+$0x32A0];
	_ =	sdelay $0x4  }
0x234: {  	v22 =	vadd.f32 v23, v22;
	_ =	sdelay $0x1  }
0x235: {  	[tilespmem:$0x6890] =	vst v22  }
0x236: {  	v22 =	vld [tilespmem:s20+$0x32B0];
	_ =	sdelay $0x4  }
0x237: {  	v21 =	vadd.f32 v22, v21;
	_ =	sdelay $0x1  }
0x238: {  	[tilespmem:$0x68A0] =	vst v21  }
0x239: {  	v21 =	vld [tilespmem:s20+$0x32C0];
	_ =	sdelay $0x4  }
0x23a: {  	v20 =	vadd.f32 v21, v20;
	_ =	sdelay $0x1  }
0x23b: {  	[tilespmem:$0x68B0] =	vst v20  }
0x23c: {  	v20 =	vld [tilespmem:s20+$0x32D0];
	_ =	sdelay $0x4  }
0x23d: {  	v19 =	vadd.f32 v20, v19;
	_ =	sdelay $0x1  }
0x23e: {  	[tilespmem:$0x68C0] =	vst v19  }
0x23f: {  	v19 =	vld [tilespmem:s20+$0x32E0];
	_ =	sdelay $0x4  }
0x240: {  	v18 =	vadd.f32 v19, v18;
	_ =	sdelay $0x1  }
0x241: {  	[tilespmem:$0x68D0] =	vst v18  }
0x242: {  	v18 =	vld [tilespmem:s20+$0x32F0];
	_ =	sdelay $0x4  }
0x243: {  	v17 =	vadd.f32 v18, v17;
	_ =	sdelay $0x1  }
0x244: {  	[tilespmem:$0x68E0] =	vst v17  }
0x245: {  	v17 =	vld [tilespmem:s20+$0x3300];
	_ =	sdelay $0x4  }
0x246: {  	v16 =	vadd.f32 v17, v16;
	_ =	sdelay $0x1  }
0x247: {  	[tilespmem:$0x68F0] =	vst v16  }
0x248: {  	v16 =	vld [tilespmem:s20+$0x3310];
	_ =	sdelay $0x4  }
0x249: {  	v15 =	vadd.f32 v16, v15;
	_ =	sdelay $0x1  }
0x24a: {  	[tilespmem:$0x6900] =	vst v15  }
0x24b: {  	v15 =	vld [tilespmem:s20+$0x3320];
	_ =	sdelay $0x4  }
0x24c: {  	v14 =	vadd.f32 v15, v14;
	_ =	sdelay $0x1  }
0x24d: {  	[tilespmem:$0x6910] =	vst v14  }
0x24e: {  	v14 =	vld [tilespmem:s20+$0x3330];
	_ =	sdelay $0x4  }
0x24f: {  	v13 =	vadd.f32 v14, v13;
	_ =	sdelay $0x1  }
0x250: {  	[tilespmem:$0x6920] =	vst v13  }
0x251: {  	v13 =	vld [tilespmem:s20+$0x3340];
	_ =	sdelay $0x4  }
0x252: {  	v12 =	vadd.f32 v13, v12;
	_ =	sdelay $0x1  }
0x253: {  	[tilespmem:$0x6930] =	vst v12  }
0x254: {  	v12 =	vld [tilespmem:s20+$0x3350];
	_ =	sdelay $0x4  }
0x255: {  	v11 =	vadd.f32 v12, v11;
	_ =	sdelay $0x1  }
0x256: {  	[tilespmem:$0x6940] =	vst v11  }
0x257: {  	v11 =	vld [tilespmem:s20+$0x3360];
	_ =	sdelay $0x4  }
0x258: {  	v10 =	vadd.f32 v11, v10;
	_ =	sdelay $0x1  }
0x259: {  	[tilespmem:$0x6950] =	vst v10  }
0x25a: {  	v10 =	vld [tilespmem:s20+$0x3370];
	_ =	sdelay $0x4  }
0x25b: {  	v9 =	vadd.f32 v10, v9;
	_ =	sdelay $0x1  }
0x25c: {  	[tilespmem:$0x6960] =	vst v9  }
0x25d: {  	v9 =	vld [tilespmem:s20+$0x3380];
	_ =	sdelay $0x4  }
0x25e: {  	v8 =	vadd.f32 v9, v8;
	_ =	sdelay $0x1  }
0x25f: {  	[tilespmem:$0x6970] =	vst v8  }
0x260: {  	v8 =	vld [tilespmem:s20+$0x3390];
	_ =	sdelay $0x4  }
0x261: {  	v7 =	vadd.f32 v8, v7;
	_ =	sdelay $0x1  }
0x262: {  	[tilespmem:$0x6980] =	vst v7  }
0x263: {  	v7 =	vld [tilespmem:s20+$0x33A0];
	_ =	sdelay $0x4  }
0x264: {  	v6 =	vadd.f32 v7, v6;
	_ =	sdelay $0x1  }
0x265: {  	[tilespmem:$0x6990] =	vst v6  }
0x266: {  	v6 =	vld [tilespmem:s20+$0x33B0];
	_ =	sdelay $0x4  }
0x267: {  	v5 =	vadd.f32 v6, v5;
	_ =	sdelay $0x1  }
0x268: {  	[tilespmem:$0x69A0] =	vst v5  }
0x269: {  	v5 =	vld [tilespmem:s20+$0x33C0];
	_ =	sdelay $0x4  }
0x26a: {  	v4 =	vadd.f32 v5, v4;
	_ =	sdelay $0x1  }
0x26b: {  	[tilespmem:$0x69B0] =	vst v4  }
0x26c: {  	v4 =	vld [tilespmem:s20+$0x33D0];
	_ =	sdelay $0x4  }
0x26d: {  	v3 =	vadd.f32 v4, v3;
	_ =	sdelay $0x1  }
0x26e: {  	[tilespmem:$0x69C0] =	vst v3  }
0x26f: {  	v3 =	vld [tilespmem:s20+$0x33E0];
	_ =	sdelay $0x4  }
0x270: {  	v2 =	vadd.f32 v3, v2;
	_ =	sdelay $0x1  }
0x271: {  	[tilespmem:$0x69D0] =	vst v2  }
0x272: {  	v2 =	vld [tilespmem:s20+$0x33F0];
	_ =	sdelay $0x4  }
0x273: {  	v1 =	vadd.f32 v2, v1;
	_ =	sdelay $0x1  }
0x274: {  	[tilespmem:$0x69E0] =	vst v1  }
0x275: {  	v1 =	vld [tilespmem:s20+$0x3400];
	_ =	sdelay $0x4  }
0x276: {  	s1 =	sld [smem:$0x7FB];
	v0 =	vadd.f32 v1, v0;
	_ =	sdelay $0x1  }
0x277: {  	s2 =	simm.s32 $0x6800;
	[tilespmem:$0x69F0] =	vst v0  }
0x278: {  	[hbm4b:s1+s0] =	stream.linear.scatter [tilespmem:s2], [sflag:$0x2], $0x200, $0x38;
	[tilespmem:$0x6A00] =	vst v63  }
0x279: {  	_ =	swait.ge [sflag:s19], $0x200  }
0x27a: {  	s20 =	sld [smem:$0x7FD];
	_ =	sdelay $0x1  }
0x27b: {  	s31 =	sadd.s32 $0x1, s31  }
0x27c: {  	p0 =	sne.s32 s31, s20  }
.Ltmp1:
0x27d: {  	_ = 	snop;
	(pc) =	sbr.rel @p0 .LBB3_1-.Ltmp1, $3  }
0x27e: {  	_ =	sdelay $0x1  }
0x27f: {  	[sflag:s19] =	ssyncset.done $0x0  }
0x280: {  	[sflag:s19] =	ssyncadd.s32 $0xFFFFFE00  }
0x281: {  	_ =	sfence.sel $0x180000  }
0x282: {  	[bflag:$0x0] =	sbarrier.arrive $0xFFFF  }
0x283: {  	_ =	strace $0x90000047  }
0x284: {  	s0 =	stileid.u32;
	[bflag:$0x2] =	sbarrier.arrive $0xFFFF  }
0x285: {  	p0 =	sne.s32 s0, $0x0;
	s0 =	sld [smem:$0x7FC];
	_ =	sdelay $0x2  }
0x286: {  	s0 =	sadd.s32 @!p0 $0x100000, s0  }
0x287: {  	[sflag:s0] =	ssyncadd.tile.s32 @!p0 $0x1;
	_ =	shalt  }
.Lfunc_end3:
_tile_overlayer_lowered:
.L_overlay_start_3:
0x288: {  	(tag) =	ssettag $0x3  }
0x289: {  	s0 =	rddreg [dreg:$0x0];
	s2 =	stileid.u32  }
0x28a: {  	s1 =	rddreg [dreg:$0x1];
	p0 =	sne.s32 s2, $0x0  }
0x28b: {  	s3 =	rddreg [dreg:$0x2];
	[bflag:$0x3] =	sbarrier.arrive $0xFFFF;
	s2 =	simm.s32 @!p0 $0x1C02  }
0x28c: {  	[timem:s3], [sflag:s2] =	dma.local @!p0 [hbm:s0], s1  }
0x28d: {  	s0 =	simm.s32 @!p0 $0x2  }
0x28e: {  	_ =	swait.ge @!p0 [sflag:s0], s1  }
0x28f: {  	s1 =	ssub.s32 @!p0 $0x0, s1;
	[sflag:s0] =	ssyncset.done @!p0 $0x0  }
0x290: {  	[sflag:s0] =	ssyncadd.s32 @!p0 s1  }
0x291: {  	[bflag:$0x3] =	sbarrier.arrive $0xFFFF  }
0x292: {  	_ =	shalt  }

</sc_bundles>
